<compile_context>
chip_gen: v7x
topology: tpu7x:2x2x1
jax: 0.10.2.dev20260603
libtpu: 0.0.44.dev20260713+nightly
codegen_flags: <defaults>
</compile_context>

<pallas_src>
import functools
import math

import jax
import jax.numpy as jnp
from jax import lax
from jax.experimental import pallas as pl
from jax.experimental.pallas import tpu as pltpu
from jax.experimental.pallas import tpu_sc as plsc

_D = 1024
_LANES = 16
_NC = 2
_NS = 16
_NW = _NC * _NS
_SCALE = math.sqrt(_D)
_CHUNK = 16


def _emb_body(x_hbm, wtab_hbm, ptab_hbm, out_hbm,
              idx_all, w0, w1, w2, pb0, pb1, ob0, ob1,
              g0, g1, g2, q0, q1, o0, o1, isem,
              *, batch, seq):
    wid = lax.axis_index("s") * _NC + lax.axis_index("c")
    pos_per_w = seq // _NW
    kmax = pos_per_w // _CHUNK
    n_chunks = kmax * batch
    jcols = _D // _LANES

    w = [w0, w1, w2]
    pb = [pb0, pb1]
    ob = [ob0, ob1]
    gsem = [g0, g1, g2]
    psem = [q0, q1]
    osem = [o0, o1]

    def start_gather(cc):
        k, b = cc // batch, cc % batch
        return pltpu.async_copy(
            wtab_hbm.at[idx_all.at[b, k]], w[cc % 3], gsem[cc % 3])

    def start_pos(k):
        return pltpu.async_copy(
            ptab_hbm.at[pl.ds(wid * pos_per_w + k * _CHUNK, _CHUNK)],
            pb[k % 2], psem[k % 2])

    gdesc = [None] * n_chunks
    pdesc = [None] * kmax
    odesc = [None] * n_chunks
    pltpu.sync_copy(x_hbm.at[0, pl.ds(wid * kmax, kmax)], idx_all.at[0])
    pdesc[0] = start_pos(0)
    gdesc[0] = start_gather(0)
    if n_chunks > 1:
        pltpu.sync_copy(x_hbm.at[1, pl.ds(wid * kmax, kmax)], idx_all.at[1])
        gdesc[1] = start_gather(1)
    idesc = None
    if batch > 2:
        idesc = pltpu.async_copy(
            x_hbm.at[pl.ds(2, batch - 2), pl.ds(wid * kmax, kmax)],
            idx_all.at[pl.ds(2, batch - 2)], isem)
    if kmax > 1:
        pdesc[1] = start_pos(1)
    if idesc is not None:
        idesc.wait()

    for cc in range(n_chunks):
        k, b = cc // batch, cc % batch
        if cc + 2 < n_chunks:
            gdesc[cc + 2] = start_gather(cc + 2)
        if b == 0 and k >= 1 and k + 1 < kmax:
            pdesc[k + 1] = start_pos(k + 1)
        gdesc[cc].wait()
        if b == 0:
            pdesc[k].wait()
        if cc - 2 >= 0:
            odesc[cc - 2].wait()

        def do_row(i, _, wb=w[cc % 3], pbk=pb[k % 2], obc=ob[cc % 2]):
            @plsc.parallel_loop(0, jcols, unroll=4)
            def do_j(j):
                sl = pl.ds(j * _LANES, _LANES)
                obc[i, sl] = wb[i, sl] * _SCALE + pbk[i, sl]
            return 0

        lax.fori_loop(0, _CHUNK, do_row, 0)

        row0 = b * seq + wid * pos_per_w + k * _CHUNK
        odesc[cc] = pltpu.async_copy(
            ob[cc % 2], out_hbm.at[pl.ds(row0, _CHUNK)], osem[cc % 2])

    for cc in range(max(0, n_chunks - 2), n_chunks):
        odesc[cc].wait()


def kernel(x, word_emb, pos_emb):
    batch, seq = x.shape
    nrows = batch * seq

    mesh = plsc.VectorSubcoreMesh(core_axis_name="c", subcore_axis_name="s")
    body = functools.partial(_emb_body, batch=batch, seq=seq)
    out = pl.kernel(
        body,
        out_type=jax.ShapeDtypeStruct((nrows, _D), jnp.float32),
        mesh=mesh,
        scratch_types=[
            pltpu.VMEM((batch, seq // _NW // _CHUNK, _CHUNK), jnp.int32),
            pltpu.VMEM((_CHUNK, _D), jnp.float32),
            pltpu.VMEM((_CHUNK, _D), jnp.float32),
            pltpu.VMEM((_CHUNK, _D), jnp.float32),
            pltpu.VMEM((_CHUNK, _D), jnp.float32),
            pltpu.VMEM((_CHUNK, _D), jnp.float32),
            pltpu.VMEM((_CHUNK, _D), jnp.float32),
            pltpu.VMEM((_CHUNK, _D), jnp.float32),
        ] + [pltpu.SemaphoreType.DMA] * 8,
    )(x.reshape(batch, seq // _CHUNK, _CHUNK).astype(jnp.int32),
      word_emb, pos_emb)
    return out.reshape(batch, seq, _D)

# --- scband reference (transcript-rebuilt; emitter-appended) ---
"""Pipeline reference for scband-gptembedding-33251636806131 (READ-ONLY COPY).

The authoritative reference and input builder live on the scoring server;
editing this copy changes nothing except your own understanding.
"""

import jax, jax.numpy as jnp
import numpy as np

VOCAB = 50257
D_MODEL = 1024
MAX_SEQ = 2048
BATCH = 4
SEQ = 2048

def setup_inputs(seed: int = 0) -> dict:
    key = jax.random.key(seed)
    k1, k2, k3 = jax.random.split(key, 3)
    x = jax.random.randint(k1, (BATCH, SEQ), 0, VOCAB, dtype=jnp.int64 if jax.config.jax_enable_x64 else jnp.int32)
    word_emb = jax.random.normal(k2, (VOCAB, D_MODEL), dtype=jnp.float32) * 0.02
    pos_emb = jax.random.normal(k3, (MAX_SEQ, D_MODEL), dtype=jnp.float32) * 0.02
    return {"x": x, "word_emb": word_emb, "pos_emb": pos_emb}

def reference(x, word_emb, pos_emb):
    seq_len = x.shape[1]
    position_ids = jnp.arange(seq_len, dtype=jnp.int32)[None, :]
    # word embedding gather, scaled by sqrt(d_model), plus position embedding gather
    w = jnp.take(word_emb, x, axis=0) * np.sqrt(D_MODEL)
    p = jnp.take(pos_emb, position_ids, axis=0)
    out = w + p
    # dropout with p=0.0 (eval / identity)
    return out

if __name__ == "__main__":
    import jax
    _d = setup_inputs()
    print(jax.jit(kernel)(*tuple(_d.values())))

</pallas_src>

<mosaic_0001>
#map = affine_map<(d0, d1) -> (0, 0, 0)>
#map1 = affine_map<(d0, d1) -> (0, 0)>
module attributes {stable_mosaic.version = 14 : i64} {
  func.func @_emb_body(%arg0: i32, %arg1: i32, %arg2: memref<4x128x16xi32, #tpu.memory_space<hbm>>, %arg3: memref<50257x1024xf32, #tpu.memory_space<hbm>>, %arg4: memref<2048x1024xf32, #tpu.memory_space<hbm>>, %arg5: memref<8192x1024xf32, #tpu.memory_space<hbm>>, %arg6: memref<4x4x16xi32, #tpu.memory_space<vmem>>, %arg7: memref<16x1024xf32, #tpu.memory_space<vmem>>, %arg8: memref<16x1024xf32, #tpu.memory_space<vmem>>, %arg9: memref<16x1024xf32, #tpu.memory_space<vmem>>, %arg10: memref<16x1024xf32, #tpu.memory_space<vmem>>, %arg11: memref<16x1024xf32, #tpu.memory_space<vmem>>, %arg12: memref<16x1024xf32, #tpu.memory_space<vmem>>, %arg13: memref<16x1024xf32, #tpu.memory_space<vmem>>, %arg14: memref<!tpu.dma_semaphore, #tpu.memory_space<semaphore_mem>>, %arg15: memref<!tpu.dma_semaphore, #tpu.memory_space<semaphore_mem>>, %arg16: memref<!tpu.dma_semaphore, #tpu.memory_space<semaphore_mem>>, %arg17: memref<!tpu.dma_semaphore, #tpu.memory_space<semaphore_mem>>, %arg18: memref<!tpu.dma_semaphore, #tpu.memory_space<semaphore_mem>>, %arg19: memref<!tpu.dma_semaphore, #tpu.memory_space<semaphore_mem>>, %arg20: memref<!tpu.dma_semaphore, #tpu.memory_space<semaphore_mem>>, %arg21: memref<!tpu.dma_semaphore, #tpu.memory_space<semaphore_mem>>) attributes {dimension_semantics = [#tpu.dimension_semantics<core_parallel>, #tpu.dimension_semantics<subcore_parallel>], iteration_bounds = array<i64: 2, 16>, scalar_prefetch = 0 : i64, scratch_operands = 16 : i64, tpu.core_type = #tpu.core_type<sc_vector_subcore>, window_params = [{transform_indices = #map}, {transform_indices = #map1}, {transform_indices = #map1}, {transform_indices = #map1}]} {
    %mul3A = arith.constant 2 : i32
    %mul3A_0 = arith.muli %arg1, %mul3A : i32
    %add3A = arith.addi %mul3A_0, %arg0 : i32
    %mul3A_1 = arith.constant 4 : i32
    %mul3A_2 = arith.muli %add3A, %mul3A_1 : i32
    %run_scoped3A = arith.constant 0 : i32
    %run_scoped3A_3 = arith.constant 0 : i32
    "tpu.region"() ({
      %run_scoped3A_675 = tpu.sem_alloc : memref<!tpu.dma_semaphore, #tpu.memory_space<semaphore_mem>>
      %dma_start3A_676 = arith.constant 0 : i32
      %dma_start3A_677 = arith.constant 0 : i32
      %dma_start3A_678 = tpu.memref_slice %arg6[%run_scoped3A_3, %dma_start3A_676, %dma_start3A_677] : memref<4x4x16xi32, #tpu.memory_space<vmem>> -> memref<1x4x16xi32, #tpu.memory_space<vmem>>
      %dma_start3A_679 = tpu.memref_squeeze %dma_start3A_678 : memref<1x4x16xi32, #tpu.memory_space<vmem>> -> memref<4x16xi32, #tpu.memory_space<vmem>>
      %dma_start3A_680 = arith.constant 0 : i32
      %dma_start3A_681 = tpu.memref_slice %arg2[%run_scoped3A, %mul3A_2, %dma_start3A_680] : memref<4x128x16xi32, #tpu.memory_space<hbm>> -> memref<1x4x16xi32, #tpu.memory_space<hbm>>
      %dma_start3A_682 = tpu.memref_squeeze %dma_start3A_681 : memref<1x4x16xi32, #tpu.memory_space<hbm>> -> memref<4x16xi32, #tpu.memory_space<hbm>>
      %dma_start3A_683 = arith.constant 0 : i32
      %dma_start3A_684 = arith.constant 0 : i32
      %dma_start3A_685 = tpu.memref_slice %arg6[%run_scoped3A_3, %dma_start3A_683, %dma_start3A_684] : memref<4x4x16xi32, #tpu.memory_space<vmem>> -> memref<1x4x16xi32, #tpu.memory_space<vmem>>
      %dma_start3A_686 = tpu.memref_squeeze %dma_start3A_685 : memref<1x4x16xi32, #tpu.memory_space<vmem>> -> memref<4x16xi32, #tpu.memory_space<vmem>>
      %dma_start3A_687 = arith.constant 0 : i32
      %dma_start3A_688 = tpu.memref_slice %arg2[%run_scoped3A, %mul3A_2, %dma_start3A_687] : memref<4x128x16xi32, #tpu.memory_space<hbm>> -> memref<1x4x16xi32, #tpu.memory_space<hbm>>
      %dma_start3A_689 = tpu.memref_squeeze %dma_start3A_688 : memref<1x4x16xi32, #tpu.memory_space<hbm>> -> memref<4x16xi32, #tpu.memory_space<hbm>>
      tpu.enqueue_dma source(%dma_start3A_689 : memref<4x16xi32, #tpu.memory_space<hbm>>) target(%dma_start3A_686 : memref<4x16xi32, #tpu.memory_space<vmem>>) target_semaphore(%run_scoped3A_675 : memref<!tpu.dma_semaphore, #tpu.memory_space<semaphore_mem>>)
      %dma_wait3A_690 = arith.constant 0 : i32
      %dma_wait3A_691 = arith.constant 0 : i32
      %dma_wait3A_692 = tpu.memref_slice %arg6[%run_scoped3A_3, %dma_wait3A_690, %dma_wait3A_691] : memref<4x4x16xi32, #tpu.memory_space<vmem>> -> memref<1x4x16xi32, #tpu.memory_space<vmem>>
      %dma_wait3A_693 = tpu.memref_squeeze %dma_wait3A_692 : memref<1x4x16xi32, #tpu.memory_space<vmem>> -> memref<4x16xi32, #tpu.memory_space<vmem>>
      %dma_wait3A_694 = arith.constant 0 : i32
      %dma_wait3A_695 = tpu.memref_slice %arg2[%run_scoped3A, %mul3A_2, %dma_wait3A_694] : memref<4x128x16xi32, #tpu.memory_space<hbm>> -> memref<1x4x16xi32, #tpu.memory_space<hbm>>
      %dma_wait3A_696 = tpu.memref_squeeze %dma_wait3A_695 : memref<1x4x16xi32, #tpu.memory_space<hbm>> -> memref<4x16xi32, #tpu.memory_space<hbm>>
      %dma_wait3A_697 = arith.constant 0 : i32
      %dma_wait3A_698 = arith.constant 0 : i32
      %dma_wait3A_699 = tpu.memref_slice %arg6[%run_scoped3A_3, %dma_wait3A_697, %dma_wait3A_698] : memref<4x4x16xi32, #tpu.memory_space<vmem>> -> memref<1x4x16xi32, #tpu.memory_space<vmem>>
      %dma_wait3A_700 = tpu.memref_squeeze %dma_wait3A_699 : memref<1x4x16xi32, #tpu.memory_space<vmem>> -> memref<4x16xi32, #tpu.memory_space<vmem>>
      %dma_wait3A_701 = arith.constant 0 : i32
      %dma_wait3A_702 = tpu.memref_slice %arg2[%run_scoped3A, %mul3A_2, %dma_wait3A_701] : memref<4x128x16xi32, #tpu.memory_space<hbm>> -> memref<1x4x16xi32, #tpu.memory_space<hbm>>
      %dma_wait3A_703 = tpu.memref_squeeze %dma_wait3A_702 : memref<1x4x16xi32, #tpu.memory_space<hbm>> -> memref<4x16xi32, #tpu.memory_space<hbm>>
      tpu.wait_dma2 semaphore(%run_scoped3A_675 : memref<!tpu.dma_semaphore, #tpu.memory_space<semaphore_mem>>) src(%dma_wait3A_703 : memref<4x16xi32, #tpu.memory_space<hbm>>) dst(%dma_wait3A_700 : memref<4x16xi32, #tpu.memory_space<vmem>>)
      tpu.yield
    }) : () -> ()
    %mul3A_4 = arith.constant 64 : i32
    %mul3A_5 = arith.muli %add3A, %mul3A_4 : i32
    %add3A_6 = arith.constant 0 : i32
    %add3A_7 = arith.addi %mul3A_5, %add3A_6 : i32
    %dma_start3A = arith.constant 0 : i32
    %dma_start3A_8 = tpu.memref_slice %arg4[%add3A_7, %dma_start3A] : memref<2048x1024xf32, #tpu.memory_space<hbm>> -> memref<16x1024xf32, #tpu.memory_space<hbm>>
    %dma_start3A_9 = arith.constant 0 : i32
    %dma_start3A_10 = tpu.memref_slice %arg4[%add3A_7, %dma_start3A_9] : memref<2048x1024xf32, #tpu.memory_space<hbm>> -> memref<16x1024xf32, #tpu.memory_space<hbm>>
    tpu.enqueue_dma source(%dma_start3A_10 : memref<16x1024xf32, #tpu.memory_space<hbm>>) target(%arg10 : memref<16x1024xf32, #tpu.memory_space<vmem>>) target_semaphore(%arg17 : memref<!tpu.dma_semaphore, #tpu.memory_space<semaphore_mem>>)
    %dma_start3A_11 = arith.constant 0 : i32
    %dma_start3A_12 = arith.constant 0 : i32
    %dma_start3A_13 = arith.constant 0 : i32
    %dma_start3A_14 = tpu.memref_slice %arg6[%dma_start3A_11, %dma_start3A_12, %dma_start3A_13] : memref<4x4x16xi32, #tpu.memory_space<vmem>> -> memref<1x1x16xi32, #tpu.memory_space<vmem>>
    %dma_start3A_15 = tpu.memref_squeeze %dma_start3A_14 : memref<1x1x16xi32, #tpu.memory_space<vmem>> -> memref<16xi32, #tpu.memory_space<vmem>>
    %dma_start3A_16 = arith.constant 0 : i32
    %dma_start3A_17 = arith.constant 0 : i32
    %dma_start3A_18 = tpu.memref_slice %arg3[%dma_start3A_16, %dma_start3A_17] : memref<50257x1024xf32, #tpu.memory_space<hbm>> -> memref<50257x1024xf32, #tpu.memory_space<hbm>>
    tpu.enqueue_indirect_dma source(%dma_start3A_18 : memref<50257x1024xf32, #tpu.memory_space<hbm>>) target(%arg7 : memref<16x1024xf32, #tpu.memory_space<vmem>>) offsets(%dma_start3A_15 : memref<16xi32, #tpu.memory_space<vmem>>) semaphore(%arg14 : memref<!tpu.dma_semaphore, #tpu.memory_space<semaphore_mem>>)
    %mul3A_19 = arith.constant 4 : i32
    %mul3A_20 = arith.muli %add3A, %mul3A_19 : i32
    %run_scoped3A_21 = arith.constant 1 : i32
    %run_scoped3A_22 = arith.constant 1 : i32
    "tpu.region"() ({
      %run_scoped3A_675 = tpu.sem_alloc : memref<!tpu.dma_semaphore, #tpu.memory_space<semaphore_mem>>
      %dma_start3A_676 = arith.constant 0 : i32
      %dma_start3A_677 = arith.constant 0 : i32
      %dma_start3A_678 = tpu.memref_slice %arg6[%run_scoped3A_22, %dma_start3A_676, %dma_start3A_677] : memref<4x4x16xi32, #tpu.memory_space<vmem>> -> memref<1x4x16xi32, #tpu.memory_space<vmem>>
      %dma_start3A_679 = tpu.memref_squeeze %dma_start3A_678 : memref<1x4x16xi32, #tpu.memory_space<vmem>> -> memref<4x16xi32, #tpu.memory_space<vmem>>
      %dma_start3A_680 = arith.constant 0 : i32
      %dma_start3A_681 = tpu.memref_slice %arg2[%run_scoped3A_21, %mul3A_20, %dma_start3A_680] : memref<4x128x16xi32, #tpu.memory_space<hbm>> -> memref<1x4x16xi32, #tpu.memory_space<hbm>>
      %dma_start3A_682 = tpu.memref_squeeze %dma_start3A_681 : memref<1x4x16xi32, #tpu.memory_space<hbm>> -> memref<4x16xi32, #tpu.memory_space<hbm>>
      %dma_start3A_683 = arith.constant 0 : i32
      %dma_start3A_684 = arith.constant 0 : i32
      %dma_start3A_685 = tpu.memref_slice %arg6[%run_scoped3A_22, %dma_start3A_683, %dma_start3A_684] : memref<4x4x16xi32, #tpu.memory_space<vmem>> -> memref<1x4x16xi32, #tpu.memory_space<vmem>>
      %dma_start3A_686 = tpu.memref_squeeze %dma_start3A_685 : memref<1x4x16xi32, #tpu.memory_space<vmem>> -> memref<4x16xi32, #tpu.memory_space<vmem>>
      %dma_start3A_687 = arith.constant 0 : i32
      %dma_start3A_688 = tpu.memref_slice %arg2[%run_scoped3A_21, %mul3A_20, %dma_start3A_687] : memref<4x128x16xi32, #tpu.memory_space<hbm>> -> memref<1x4x16xi32, #tpu.memory_space<hbm>>
      %dma_start3A_689 = tpu.memref_squeeze %dma_start3A_688 : memref<1x4x16xi32, #tpu.memory_space<hbm>> -> memref<4x16xi32, #tpu.memory_space<hbm>>
      tpu.enqueue_dma source(%dma_start3A_689 : memref<4x16xi32, #tpu.memory_space<hbm>>) target(%dma_start3A_686 : memref<4x16xi32, #tpu.memory_space<vmem>>) target_semaphore(%run_scoped3A_675 : memref<!tpu.dma_semaphore, #tpu.memory_space<semaphore_mem>>)
      %dma_wait3A_690 = arith.constant 0 : i32
      %dma_wait3A_691 = arith.constant 0 : i32
      %dma_wait3A_692 = tpu.memref_slice %arg6[%run_scoped3A_22, %dma_wait3A_690, %dma_wait3A_691] : memref<4x4x16xi32, #tpu.memory_space<vmem>> -> memref<1x4x16xi32, #tpu.memory_space<vmem>>
      %dma_wait3A_693 = tpu.memref_squeeze %dma_wait3A_692 : memref<1x4x16xi32, #tpu.memory_space<vmem>> -> memref<4x16xi32, #tpu.memory_space<vmem>>
      %dma_wait3A_694 = arith.constant 0 : i32
      %dma_wait3A_695 = tpu.memref_slice %arg2[%run_scoped3A_21, %mul3A_20, %dma_wait3A_694] : memref<4x128x16xi32, #tpu.memory_space<hbm>> -> memref<1x4x16xi32, #tpu.memory_space<hbm>>
      %dma_wait3A_696 = tpu.memref_squeeze %dma_wait3A_695 : memref<1x4x16xi32, #tpu.memory_space<hbm>> -> memref<4x16xi32, #tpu.memory_space<hbm>>
      %dma_wait3A_697 = arith.constant 0 : i32
      %dma_wait3A_698 = arith.constant 0 : i32
      %dma_wait3A_699 = tpu.memref_slice %arg6[%run_scoped3A_22, %dma_wait3A_697, %dma_wait3A_698] : memref<4x4x16xi32, #tpu.memory_space<vmem>> -> memref<1x4x16xi32, #tpu.memory_space<vmem>>
      %dma_wait3A_700 = tpu.memref_squeeze %dma_wait3A_699 : memref<1x4x16xi32, #tpu.memory_space<vmem>> -> memref<4x16xi32, #tpu.memory_space<vmem>>
      %dma_wait3A_701 = arith.constant 0 : i32
      %dma_wait3A_702 = tpu.memref_slice %arg2[%run_scoped3A_21, %mul3A_20, %dma_wait3A_701] : memref<4x128x16xi32, #tpu.memory_space<hbm>> -> memref<1x4x16xi32, #tpu.memory_space<hbm>>
      %dma_wait3A_703 = tpu.memref_squeeze %dma_wait3A_702 : memref<1x4x16xi32, #tpu.memory_space<hbm>> -> memref<4x16xi32, #tpu.memory_space<hbm>>
      tpu.wait_dma2 semaphore(%run_scoped3A_675 : memref<!tpu.dma_semaphore, #tpu.memory_space<semaphore_mem>>) src(%dma_wait3A_703 : memref<4x16xi32, #tpu.memory_space<hbm>>) dst(%dma_wait3A_700 : memref<4x16xi32, #tpu.memory_space<vmem>>)
      tpu.yield
    }) : () -> ()
    %dma_start3A_23 = arith.constant 1 : i32
    %dma_start3A_24 = arith.constant 0 : i32
    %dma_start3A_25 = arith.constant 0 : i32
    %dma_start3A_26 = tpu.memref_slice %arg6[%dma_start3A_23, %dma_start3A_24, %dma_start3A_25] : memref<4x4x16xi32, #tpu.memory_space<vmem>> -> memref<1x1x16xi32, #tpu.memory_space<vmem>>
    %dma_start3A_27 = tpu.memref_squeeze %dma_start3A_26 : memref<1x1x16xi32, #tpu.memory_space<vmem>> -> memref<16xi32, #tpu.memory_space<vmem>>
    %dma_start3A_28 = arith.constant 0 : i32
    %dma_start3A_29 = arith.constant 0 : i32
    %dma_start3A_30 = tpu.memref_slice %arg3[%dma_start3A_28, %dma_start3A_29] : memref<50257x1024xf32, #tpu.memory_space<hbm>> -> memref<50257x1024xf32, #tpu.memory_space<hbm>>
    tpu.enqueue_indirect_dma source(%dma_start3A_30 : memref<50257x1024xf32, #tpu.memory_space<hbm>>) target(%arg8 : memref<16x1024xf32, #tpu.memory_space<vmem>>) offsets(%dma_start3A_27 : memref<16xi32, #tpu.memory_space<vmem>>) semaphore(%arg15 : memref<!tpu.dma_semaphore, #tpu.memory_space<semaphore_mem>>)
    %mul3A_31 = arith.constant 4 : i32
    %mul3A_32 = arith.muli %add3A, %mul3A_31 : i32
    %dma_start3A_33 = arith.constant 2 : i32
    %dma_start3A_34 = arith.constant 0 : i32
    %dma_start3A_35 = arith.constant 0 : i32
    %dma_start3A_36 = tpu.memref_slice %arg6[%dma_start3A_33, %dma_start3A_34, %dma_start3A_35] : memref<4x4x16xi32, #tpu.memory_space<vmem>> -> memref<2x4x16xi32, #tpu.memory_space<vmem>>
    %dma_start3A_37 = arith.constant 2 : i32
    %dma_start3A_38 = arith.constant 0 : i32
    %dma_start3A_39 = tpu.memref_slice %arg2[%dma_start3A_37, %mul3A_32, %dma_start3A_38] : memref<4x128x16xi32, #tpu.memory_space<hbm>> -> memref<2x4x16xi32, #tpu.memory_space<hbm>>
    %dma_start3A_40 = arith.constant 2 : i32
    %dma_start3A_41 = arith.constant 0 : i32
    %dma_start3A_42 = arith.constant 0 : i32
    %dma_start3A_43 = tpu.memref_slice %arg6[%dma_start3A_40, %dma_start3A_41, %dma_start3A_42] : memref<4x4x16xi32, #tpu.memory_space<vmem>> -> memref<2x4x16xi32, #tpu.memory_space<vmem>>
    %dma_start3A_44 = arith.constant 2 : i32
    %dma_start3A_45 = arith.constant 0 : i32
    %dma_start3A_46 = tpu.memref_slice %arg2[%dma_start3A_44, %mul3A_32, %dma_start3A_45] : memref<4x128x16xi32, #tpu.memory_space<hbm>> -> memref<2x4x16xi32, #tpu.memory_space<hbm>>
    tpu.enqueue_dma source(%dma_start3A_46 : memref<2x4x16xi32, #tpu.memory_space<hbm>>) target(%dma_start3A_43 : memref<2x4x16xi32, #tpu.memory_space<vmem>>) target_semaphore(%arg21 : memref<!tpu.dma_semaphore, #tpu.memory_space<semaphore_mem>>)
    %mul3A_47 = arith.constant 64 : i32
    %mul3A_48 = arith.muli %add3A, %mul3A_47 : i32
    %add3A_49 = arith.constant 16 : i32
    %add3A_50 = arith.addi %mul3A_48, %add3A_49 : i32
    %dma_start3A_51 = arith.constant 0 : i32
    %dma_start3A_52 = tpu.memref_slice %arg4[%add3A_50, %dma_start3A_51] : memref<2048x1024xf32, #tpu.memory_space<hbm>> -> memref<16x1024xf32, #tpu.memory_space<hbm>>
    %dma_start3A_53 = arith.constant 0 : i32
    %dma_start3A_54 = tpu.memref_slice %arg4[%add3A_50, %dma_start3A_53] : memref<2048x1024xf32, #tpu.memory_space<hbm>> -> memref<16x1024xf32, #tpu.memory_space<hbm>>
    tpu.enqueue_dma source(%dma_start3A_54 : memref<16x1024xf32, #tpu.memory_space<hbm>>) target(%arg11 : memref<16x1024xf32, #tpu.memory_space<vmem>>) target_semaphore(%arg18 : memref<!tpu.dma_semaphore, #tpu.memory_space<semaphore_mem>>)
    %dma_wait3A = arith.constant 2 : i32
    %dma_wait3A_55 = arith.constant 0 : i32
    %dma_wait3A_56 = arith.constant 0 : i32
    %dma_wait3A_57 = tpu.memref_slice %arg6[%dma_wait3A, %dma_wait3A_55, %dma_wait3A_56] : memref<4x4x16xi32, #tpu.memory_space<vmem>> -> memref<2x4x16xi32, #tpu.memory_space<vmem>>
    %dma_wait3A_58 = arith.constant 2 : i32
    %dma_wait3A_59 = arith.constant 0 : i32
    %dma_wait3A_60 = tpu.memref_slice %arg2[%dma_wait3A_58, %mul3A_32, %dma_wait3A_59] : memref<4x128x16xi32, #tpu.memory_space<hbm>> -> memref<2x4x16xi32, #tpu.memory_space<hbm>>
    %dma_wait3A_61 = arith.constant 2 : i32
    %dma_wait3A_62 = arith.constant 0 : i32
    %dma_wait3A_63 = arith.constant 0 : i32
    %dma_wait3A_64 = tpu.memref_slice %arg6[%dma_wait3A_61, %dma_wait3A_62, %dma_wait3A_63] : memref<4x4x16xi32, #tpu.memory_space<vmem>> -> memref<2x4x16xi32, #tpu.memory_space<vmem>>
    %dma_wait3A_65 = arith.constant 2 : i32
    %dma_wait3A_66 = arith.constant 0 : i32
    %dma_wait3A_67 = tpu.memref_slice %arg2[%dma_wait3A_65, %mul3A_32, %dma_wait3A_66] : memref<4x128x16xi32, #tpu.memory_space<hbm>> -> memref<2x4x16xi32, #tpu.memory_space<hbm>>
    tpu.wait_dma2 semaphore(%arg21 : memref<!tpu.dma_semaphore, #tpu.memory_space<semaphore_mem>>) src(%dma_wait3A_67 : memref<2x4x16xi32, #tpu.memory_space<hbm>>) dst(%dma_wait3A_64 : memref<2x4x16xi32, #tpu.memory_space<vmem>>)
    %dma_start3A_68 = arith.constant 2 : i32
    %dma_start3A_69 = arith.constant 0 : i32
    %dma_start3A_70 = arith.constant 0 : i32
    %dma_start3A_71 = tpu.memref_slice %arg6[%dma_start3A_68, %dma_start3A_69, %dma_start3A_70] : memref<4x4x16xi32, #tpu.memory_space<vmem>> -> memref<1x1x16xi32, #tpu.memory_space<vmem>>
    %dma_start3A_72 = tpu.memref_squeeze %dma_start3A_71 : memref<1x1x16xi32, #tpu.memory_space<vmem>> -> memref<16xi32, #tpu.memory_space<vmem>>
    %dma_start3A_73 = arith.constant 0 : i32
    %dma_start3A_74 = arith.constant 0 : i32
    %dma_start3A_75 = tpu.memref_slice %arg3[%dma_start3A_73, %dma_start3A_74] : memref<50257x1024xf32, #tpu.memory_space<hbm>> -> memref<50257x1024xf32, #tpu.memory_space<hbm>>
    tpu.enqueue_indirect_dma source(%dma_start3A_75 : memref<50257x1024xf32, #tpu.memory_space<hbm>>) target(%arg9 : memref<16x1024xf32, #tpu.memory_space<vmem>>) offsets(%dma_start3A_72 : memref<16xi32, #tpu.memory_space<vmem>>) semaphore(%arg16 : memref<!tpu.dma_semaphore, #tpu.memory_space<semaphore_mem>>)
    %dma_wait3A_76 = arith.constant 0 : i32
    %dma_wait3A_77 = arith.constant 0 : i32
    %dma_wait3A_78 = arith.constant 0 : i32
    %dma_wait3A_79 = tpu.memref_slice %arg6[%dma_wait3A_76, %dma_wait3A_77, %dma_wait3A_78] : memref<4x4x16xi32, #tpu.memory_space<vmem>> -> memref<1x1x16xi32, #tpu.memory_space<vmem>>
    %dma_wait3A_80 = tpu.memref_squeeze %dma_wait3A_79 : memref<1x1x16xi32, #tpu.memory_space<vmem>> -> memref<16xi32, #tpu.memory_space<vmem>>
    %dma_wait3A_81 = arith.constant 0 : i32
    %dma_wait3A_82 = arith.constant 0 : i32
    %dma_wait3A_83 = tpu.memref_slice %arg3[%dma_wait3A_81, %dma_wait3A_82] : memref<50257x1024xf32, #tpu.memory_space<hbm>> -> memref<50257x1024xf32, #tpu.memory_space<hbm>>
    tpu.wait_indirect_dma semaphore(%arg14 : memref<!tpu.dma_semaphore, #tpu.memory_space<semaphore_mem>>) src(%dma_wait3A_83 : memref<50257x1024xf32, #tpu.memory_space<hbm>>) dst(%arg7 : memref<16x1024xf32, #tpu.memory_space<vmem>>)
    %dma_wait3A_84 = arith.constant 0 : i32
    %dma_wait3A_85 = tpu.memref_slice %arg4[%add3A_7, %dma_wait3A_84] : memref<2048x1024xf32, #tpu.memory_space<hbm>> -> memref<16x1024xf32, #tpu.memory_space<hbm>>
    %dma_wait3A_86 = arith.constant 0 : i32
    %dma_wait3A_87 = tpu.memref_slice %arg4[%add3A_7, %dma_wait3A_86] : memref<2048x1024xf32, #tpu.memory_space<hbm>> -> memref<16x1024xf32, #tpu.memory_space<hbm>>
    tpu.wait_dma2 semaphore(%arg17 : memref<!tpu.dma_semaphore, #tpu.memory_space<semaphore_mem>>) src(%dma_wait3A_87 : memref<16x1024xf32, #tpu.memory_space<hbm>>) dst(%arg10 : memref<16x1024xf32, #tpu.memory_space<vmem>>)
    %scan3A = arith.constant 0 : i32
    %scan3A_88 = arith.constant 0 : i32
    %scan3A_89 = arith.constant 16 : i32
    %scan3A_90 = arith.addi %scan3A_88, %scan3A_89 : i32
    %scan3A_91 = arith.constant 1 : i32
    %scan3A_92 = scf.for %scan3A_675 = %scan3A_88 to %scan3A_90 step %scan3A_91 iter_args(%scan3A_676 = %scan3A) -> (i32)  : i32 {
      %parallel_loop3A = arith.constant 0 : i32
      %parallel_loop3A_677 = arith.constant 64 : i32
      %parallel_loop3A_678 = arith.constant 1 : i32
      scf.for %parallel_loop3A_680 = %parallel_loop3A to %parallel_loop3A_677 step %parallel_loop3A_678  : i32 {
        %parallel_loop3A_681 = arith.constant 16 : i32
        %parallel_loop3A_682 = arith.muli %parallel_loop3A_680, %parallel_loop3A_681 : i32
        %parallel_loop3A_683 = arith.index_cast %scan3A_675 : i32 to index
        %parallel_loop3A_684 = arith.index_cast %parallel_loop3A_682 : i32 to index
        %parallel_loop3A_685 = tpu.vector_load %arg7[%parallel_loop3A_683, %parallel_loop3A_684] {strides = array<i32>} : memref<16x1024xf32, #tpu.memory_space<vmem>>, vector<1x16xf32>,
        %parallel_loop3A_686 = vector.shape_cast %parallel_loop3A_685 : vector<1x16xf32> to vector<16xf32>
        %parallel_loop3A_687 = arith.constant 3.200000e+01 : f32
        %parallel_loop3A_688 = vector.broadcast %parallel_loop3A_687 : f32 to vector<16xf32>
        %parallel_loop3A_689 = arith.mulf %parallel_loop3A_686, %parallel_loop3A_688 : vector<16xf32>
        %parallel_loop3A_690 = arith.index_cast %scan3A_675 : i32 to index
        %parallel_loop3A_691 = arith.index_cast %parallel_loop3A_682 : i32 to index
        %parallel_loop3A_692 = tpu.vector_load %arg10[%parallel_loop3A_690, %parallel_loop3A_691] {strides = array<i32>} : memref<16x1024xf32, #tpu.memory_space<vmem>>, vector<1x16xf32>,
        %parallel_loop3A_693 = vector.shape_cast %parallel_loop3A_692 : vector<1x16xf32> to vector<16xf32>
        %parallel_loop3A_694 = arith.addf %parallel_loop3A_689, %parallel_loop3A_693 : vector<16xf32>
        %parallel_loop3A_695 = arith.index_cast %scan3A_675 : i32 to index
        %parallel_loop3A_696 = arith.index_cast %parallel_loop3A_682 : i32 to index
        %parallel_loop3A_697 = tpu.vector_load %arg12[%parallel_loop3A_695, %parallel_loop3A_696] {strides = array<i32>} : memref<16x1024xf32, #tpu.memory_space<vmem>>, vector<1x16xf32>,
        %parallel_loop3A_698 = vector.shape_cast %parallel_loop3A_697 : vector<1x16xf32> to vector<16xf32>
        %parallel_loop3A_699 = vector.shape_cast %parallel_loop3A_694 : vector<16xf32> to vector<1x16xf32>
        tpu.vector_store %arg12[%parallel_loop3A_695, %parallel_loop3A_696], %parallel_loop3A_699 {strides = array<i32>} : memref<16x1024xf32, #tpu.memory_space<vmem>>, vector<1x16xf32>,
      } {sc.loop_unroll_factor = 4 : i64, sc.parallel_access}
      %scan3A_679 = arith.constant 0 : i32
      scf.yield %scan3A_679 : i32
    }
    %scan3A_93 = arith.constant 16 : i32
    %mul3A_94 = arith.constant 64 : i32
    %mul3A_95 = arith.muli %add3A, %mul3A_94 : i32
    %add3A_96 = arith.constant 0 : i32
    %add3A_97 = arith.addi %add3A_96, %mul3A_95 : i32
    %add3A_98 = arith.constant 0 : i32
    %add3A_99 = arith.addi %add3A_97, %add3A_98 : i32
    %dma_start3A_100 = arith.constant 0 : i32
    %dma_start3A_101 = tpu.memref_slice %arg5[%add3A_99, %dma_start3A_100] : memref<8192x1024xf32, #tpu.memory_space<hbm>> -> memref<16x1024xf32, #tpu.memory_space<hbm>>
    %dma_start3A_102 = arith.constant 0 : i32
    %dma_start3A_103 = tpu.memref_slice %arg5[%add3A_99, %dma_start3A_102] : memref<8192x1024xf32, #tpu.memory_space<hbm>> -> memref<16x1024xf32, #tpu.memory_space<hbm>>
    tpu.enqueue_dma source(%arg12 : memref<16x1024xf32, #tpu.memory_space<vmem>>) target(%dma_start3A_103 : memref<16x1024xf32, #tpu.memory_space<hbm>>) target_semaphore(%arg19 : memref<!tpu.dma_semaphore, #tpu.memory_space<semaphore_mem>>)
    %dma_start3A_104 = arith.constant 3 : i32
    %dma_start3A_105 = arith.constant 0 : i32
    %dma_start3A_106 = arith.constant 0 : i32
    %dma_start3A_107 = tpu.memref_slice %arg6[%dma_start3A_104, %dma_start3A_105, %dma_start3A_106] : memref<4x4x16xi32, #tpu.memory_space<vmem>> -> memref<1x1x16xi32, #tpu.memory_space<vmem>>
    %dma_start3A_108 = tpu.memref_squeeze %dma_start3A_107 : memref<1x1x16xi32, #tpu.memory_space<vmem>> -> memref<16xi32, #tpu.memory_space<vmem>>
    %dma_start3A_109 = arith.constant 0 : i32
    %dma_start3A_110 = arith.constant 0 : i32
    %dma_start3A_111 = tpu.memref_slice %arg3[%dma_start3A_109, %dma_start3A_110] : memref<50257x1024xf32, #tpu.memory_space<hbm>> -> memref<50257x1024xf32, #tpu.memory_space<hbm>>
    tpu.enqueue_indirect_dma source(%dma_start3A_111 : memref<50257x1024xf32, #tpu.memory_space<hbm>>) target(%arg7 : memref<16x1024xf32, #tpu.memory_space<vmem>>) offsets(%dma_start3A_108 : memref<16xi32, #tpu.memory_space<vmem>>) semaphore(%arg14 : memref<!tpu.dma_semaphore, #tpu.memory_space<semaphore_mem>>)
    %dma_wait3A_112 = arith.constant 1 : i32
    %dma_wait3A_113 = arith.constant 0 : i32
    %dma_wait3A_114 = arith.constant 0 : i32
    %dma_wait3A_115 = tpu.memref_slice %arg6[%dma_wait3A_112, %dma_wait3A_113, %dma_wait3A_114] : memref<4x4x16xi32, #tpu.memory_space<vmem>> -> memref<1x1x16xi32, #tpu.memory_space<vmem>>
    %dma_wait3A_116 = tpu.memref_squeeze %dma_wait3A_115 : memref<1x1x16xi32, #tpu.memory_space<vmem>> -> memref<16xi32, #tpu.memory_space<vmem>>
    %dma_wait3A_117 = arith.constant 0 : i32
    %dma_wait3A_118 = arith.constant 0 : i32
    %dma_wait3A_119 = tpu.memref_slice %arg3[%dma_wait3A_117, %dma_wait3A_118] : memref<50257x1024xf32, #tpu.memory_space<hbm>> -> memref<50257x1024xf32, #tpu.memory_space<hbm>>
    tpu.wait_indirect_dma semaphore(%arg15 : memref<!tpu.dma_semaphore, #tpu.memory_space<semaphore_mem>>) src(%dma_wait3A_119 : memref<50257x1024xf32, #tpu.memory_space<hbm>>) dst(%arg8 : memref<16x1024xf32, #tpu.memory_space<vmem>>)
    %scan3A_120 = arith.constant 0 : i32
    %scan3A_121 = arith.constant 0 : i32
    %scan3A_122 = arith.constant 16 : i32
    %scan3A_123 = arith.addi %scan3A_121, %scan3A_122 : i32
    %scan3A_124 = arith.constant 1 : i32
    %scan3A_125 = scf.for %scan3A_675 = %scan3A_121 to %scan3A_123 step %scan3A_124 iter_args(%scan3A_676 = %scan3A_120) -> (i32)  : i32 {
      %parallel_loop3A = arith.constant 0 : i32
      %parallel_loop3A_677 = arith.constant 64 : i32
      %parallel_loop3A_678 = arith.constant 1 : i32
      scf.for %parallel_loop3A_680 = %parallel_loop3A to %parallel_loop3A_677 step %parallel_loop3A_678  : i32 {
        %parallel_loop3A_681 = arith.constant 16 : i32
        %parallel_loop3A_682 = arith.muli %parallel_loop3A_680, %parallel_loop3A_681 : i32
        %parallel_loop3A_683 = arith.index_cast %scan3A_675 : i32 to index
        %parallel_loop3A_684 = arith.index_cast %parallel_loop3A_682 : i32 to index
        %parallel_loop3A_685 = tpu.vector_load %arg8[%parallel_loop3A_683, %parallel_loop3A_684] {strides = array<i32>} : memref<16x1024xf32, #tpu.memory_space<vmem>>, vector<1x16xf32>,
        %parallel_loop3A_686 = vector.shape_cast %parallel_loop3A_685 : vector<1x16xf32> to vector<16xf32>
        %parallel_loop3A_687 = arith.constant 3.200000e+01 : f32
        %parallel_loop3A_688 = vector.broadcast %parallel_loop3A_687 : f32 to vector<16xf32>
        %parallel_loop3A_689 = arith.mulf %parallel_loop3A_686, %parallel_loop3A_688 : vector<16xf32>
        %parallel_loop3A_690 = arith.index_cast %scan3A_675 : i32 to index
        %parallel_loop3A_691 = arith.index_cast %parallel_loop3A_682 : i32 to index
        %parallel_loop3A_692 = tpu.vector_load %arg10[%parallel_loop3A_690, %parallel_loop3A_691] {strides = array<i32>} : memref<16x1024xf32, #tpu.memory_space<vmem>>, vector<1x16xf32>,
        %parallel_loop3A_693 = vector.shape_cast %parallel_loop3A_692 : vector<1x16xf32> to vector<16xf32>
        %parallel_loop3A_694 = arith.addf %parallel_loop3A_689, %parallel_loop3A_693 : vector<16xf32>
        %parallel_loop3A_695 = arith.index_cast %scan3A_675 : i32 to index
        %parallel_loop3A_696 = arith.index_cast %parallel_loop3A_682 : i32 to index
        %parallel_loop3A_697 = tpu.vector_load %arg13[%parallel_loop3A_695, %parallel_loop3A_696] {strides = array<i32>} : memref<16x1024xf32, #tpu.memory_space<vmem>>, vector<1x16xf32>,
        %parallel_loop3A_698 = vector.shape_cast %parallel_loop3A_697 : vector<1x16xf32> to vector<16xf32>
        %parallel_loop3A_699 = vector.shape_cast %parallel_loop3A_694 : vector<16xf32> to vector<1x16xf32>
        tpu.vector_store %arg13[%parallel_loop3A_695, %parallel_loop3A_696], %parallel_loop3A_699 {strides = array<i32>} : memref<16x1024xf32, #tpu.memory_space<vmem>>, vector<1x16xf32>,
      } {sc.loop_unroll_factor = 4 : i64, sc.parallel_access}
      %scan3A_679 = arith.constant 0 : i32
      scf.yield %scan3A_679 : i32
    }
    %scan3A_126 = arith.constant 16 : i32
    %mul3A_127 = arith.constant 64 : i32
    %mul3A_128 = arith.muli %add3A, %mul3A_127 : i32
    %add3A_129 = arith.constant 2048 : i32
    %add3A_130 = arith.addi %add3A_129, %mul3A_128 : i32
    %add3A_131 = arith.constant 0 : i32
    %add3A_132 = arith.addi %add3A_130, %add3A_131 : i32
    %dma_start3A_133 = arith.constant 0 : i32
    %dma_start3A_134 = tpu.memref_slice %arg5[%add3A_132, %dma_start3A_133] : memref<8192x1024xf32, #tpu.memory_space<hbm>> -> memref<16x1024xf32, #tpu.memory_space<hbm>>
    %dma_start3A_135 = arith.constant 0 : i32
    %dma_start3A_136 = tpu.memref_slice %arg5[%add3A_132, %dma_start3A_135] : memref<8192x1024xf32, #tpu.memory_space<hbm>> -> memref<16x1024xf32, #tpu.memory_space<hbm>>
    tpu.enqueue_dma source(%arg13 : memref<16x1024xf32, #tpu.memory_space<vmem>>) target(%dma_start3A_136 : memref<16x1024xf32, #tpu.memory_space<hbm>>) target_semaphore(%arg20 : memref<!tpu.dma_semaphore, #tpu.memory_space<semaphore_mem>>)
    %dma_start3A_137 = arith.constant 0 : i32
    %dma_start3A_138 = arith.constant 1 : i32
    %dma_start3A_139 = arith.constant 0 : i32
    %dma_start3A_140 = tpu.memref_slice %arg6[%dma_start3A_137, %dma_start3A_138, %dma_start3A_139] : memref<4x4x16xi32, #tpu.memory_space<vmem>> -> memref<1x1x16xi32, #tpu.memory_space<vmem>>
    %dma_start3A_141 = tpu.memref_squeeze %dma_start3A_140 : memref<1x1x16xi32, #tpu.memory_space<vmem>> -> memref<16xi32, #tpu.memory_space<vmem>>
    %dma_start3A_142 = arith.constant 0 : i32
    %dma_start3A_143 = arith.constant 0 : i32
    %dma_start3A_144 = tpu.memref_slice %arg3[%dma_start3A_142, %dma_start3A_143] : memref<50257x1024xf32, #tpu.memory_space<hbm>> -> memref<50257x1024xf32, #tpu.memory_space<hbm>>
    tpu.enqueue_indirect_dma source(%dma_start3A_144 : memref<50257x1024xf32, #tpu.memory_space<hbm>>) target(%arg8 : memref<16x1024xf32, #tpu.memory_space<vmem>>) offsets(%dma_start3A_141 : memref<16xi32, #tpu.memory_space<vmem>>) semaphore(%arg15 : memref<!tpu.dma_semaphore, #tpu.memory_space<semaphore_mem>>)
    %dma_wait3A_145 = arith.constant 2 : i32
    %dma_wait3A_146 = arith.constant 0 : i32
    %dma_wait3A_147 = arith.constant 0 : i32
    %dma_wait3A_148 = tpu.memref_slice %arg6[%dma_wait3A_145, %dma_wait3A_146, %dma_wait3A_147] : memref<4x4x16xi32, #tpu.memory_space<vmem>> -> memref<1x1x16xi32, #tpu.memory_space<vmem>>
    %dma_wait3A_149 = tpu.memref_squeeze %dma_wait3A_148 : memref<1x1x16xi32, #tpu.memory_space<vmem>> -> memref<16xi32, #tpu.memory_space<vmem>>
    %dma_wait3A_150 = arith.constant 0 : i32
    %dma_wait3A_151 = arith.constant 0 : i32
    %dma_wait3A_152 = tpu.memref_slice %arg3[%dma_wait3A_150, %dma_wait3A_151] : memref<50257x1024xf32, #tpu.memory_space<hbm>> -> memref<50257x1024xf32, #tpu.memory_space<hbm>>
    tpu.wait_indirect_dma semaphore(%arg16 : memref<!tpu.dma_semaphore, #tpu.memory_space<semaphore_mem>>) src(%dma_wait3A_152 : memref<50257x1024xf32, #tpu.memory_space<hbm>>) dst(%arg9 : memref<16x1024xf32, #tpu.memory_space<vmem>>)
    %dma_wait3A_153 = arith.constant 0 : i32
    %dma_wait3A_154 = tpu.memref_slice %arg5[%add3A_99, %dma_wait3A_153] : memref<8192x1024xf32, #tpu.memory_space<hbm>> -> memref<16x1024xf32, #tpu.memory_space<hbm>>
    %dma_wait3A_155 = arith.constant 0 : i32
    %dma_wait3A_156 = tpu.memref_slice %arg5[%add3A_99, %dma_wait3A_155] : memref<8192x1024xf32, #tpu.memory_space<hbm>> -> memref<16x1024xf32, #tpu.memory_space<hbm>>
    tpu.wait_dma2 semaphore(%arg19 : memref<!tpu.dma_semaphore, #tpu.memory_space<semaphore_mem>>) src(%arg12 : memref<16x1024xf32, #tpu.memory_space<vmem>>) dst(%dma_wait3A_156 : memref<16x1024xf32, #tpu.memory_space<hbm>>)
    %scan3A_157 = arith.constant 0 : i32
    %scan3A_158 = arith.constant 0 : i32
    %scan3A_159 = arith.constant 16 : i32
    %scan3A_160 = arith.addi %scan3A_158, %scan3A_159 : i32
    %scan3A_161 = arith.constant 1 : i32
    %scan3A_162 = scf.for %scan3A_675 = %scan3A_158 to %scan3A_160 step %scan3A_161 iter_args(%scan3A_676 = %scan3A_157) -> (i32)  : i32 {
      %parallel_loop3A = arith.constant 0 : i32
      %parallel_loop3A_677 = arith.constant 64 : i32
      %parallel_loop3A_678 = arith.constant 1 : i32
      scf.for %parallel_loop3A_680 = %parallel_loop3A to %parallel_loop3A_677 step %parallel_loop3A_678  : i32 {
        %parallel_loop3A_681 = arith.constant 16 : i32
        %parallel_loop3A_682 = arith.muli %parallel_loop3A_680, %parallel_loop3A_681 : i32
        %parallel_loop3A_683 = arith.index_cast %scan3A_675 : i32 to index
        %parallel_loop3A_684 = arith.index_cast %parallel_loop3A_682 : i32 to index
        %parallel_loop3A_685 = tpu.vector_load %arg9[%parallel_loop3A_683, %parallel_loop3A_684] {strides = array<i32>} : memref<16x1024xf32, #tpu.memory_space<vmem>>, vector<1x16xf32>,
        %parallel_loop3A_686 = vector.shape_cast %parallel_loop3A_685 : vector<1x16xf32> to vector<16xf32>
        %parallel_loop3A_687 = arith.constant 3.200000e+01 : f32
        %parallel_loop3A_688 = vector.broadcast %parallel_loop3A_687 : f32 to vector<16xf32>
        %parallel_loop3A_689 = arith.mulf %parallel_loop3A_686, %parallel_loop3A_688 : vector<16xf32>
        %parallel_loop3A_690 = arith.index_cast %scan3A_675 : i32 to index
        %parallel_loop3A_691 = arith.index_cast %parallel_loop3A_682 : i32 to index
        %parallel_loop3A_692 = tpu.vector_load %arg10[%parallel_loop3A_690, %parallel_loop3A_691] {strides = array<i32>} : memref<16x1024xf32, #tpu.memory_space<vmem>>, vector<1x16xf32>,
        %parallel_loop3A_693 = vector.shape_cast %parallel_loop3A_692 : vector<1x16xf32> to vector<16xf32>
        %parallel_loop3A_694 = arith.addf %parallel_loop3A_689, %parallel_loop3A_693 : vector<16xf32>
        %parallel_loop3A_695 = arith.index_cast %scan3A_675 : i32 to index
        %parallel_loop3A_696 = arith.index_cast %parallel_loop3A_682 : i32 to index
        %parallel_loop3A_697 = tpu.vector_load %arg12[%parallel_loop3A_695, %parallel_loop3A_696] {strides = array<i32>} : memref<16x1024xf32, #tpu.memory_space<vmem>>, vector<1x16xf32>,
        %parallel_loop3A_698 = vector.shape_cast %parallel_loop3A_697 : vector<1x16xf32> to vector<16xf32>
        %parallel_loop3A_699 = vector.shape_cast %parallel_loop3A_694 : vector<16xf32> to vector<1x16xf32>
        tpu.vector_store %arg12[%parallel_loop3A_695, %parallel_loop3A_696], %parallel_loop3A_699 {strides = array<i32>} : memref<16x1024xf32, #tpu.memory_space<vmem>>, vector<1x16xf32>,
      } {sc.loop_unroll_factor = 4 : i64, sc.parallel_access}
      %scan3A_679 = arith.constant 0 : i32
      scf.yield %scan3A_679 : i32
    }
    %scan3A_163 = arith.constant 16 : i32
    %mul3A_164 = arith.constant 64 : i32
    %mul3A_165 = arith.muli %add3A, %mul3A_164 : i32
    %add3A_166 = arith.constant 4096 : i32
    %add3A_167 = arith.addi %add3A_166, %mul3A_165 : i32
    %add3A_168 = arith.constant 0 : i32
    %add3A_169 = arith.addi %add3A_167, %add3A_168 : i32
    %dma_start3A_170 = arith.constant 0 : i32
    %dma_start3A_171 = tpu.memref_slice %arg5[%add3A_169, %dma_start3A_170] : memref<8192x1024xf32, #tpu.memory_space<hbm>> -> memref<16x1024xf32, #tpu.memory_space<hbm>>
    %dma_start3A_172 = arith.constant 0 : i32
    %dma_start3A_173 = tpu.memref_slice %arg5[%add3A_169, %dma_start3A_172] : memref<8192x1024xf32, #tpu.memory_space<hbm>> -> memref<16x1024xf32, #tpu.memory_space<hbm>>
    tpu.enqueue_dma source(%arg12 : memref<16x1024xf32, #tpu.memory_space<vmem>>) target(%dma_start3A_173 : memref<16x1024xf32, #tpu.memory_space<hbm>>) target_semaphore(%arg19 : memref<!tpu.dma_semaphore, #tpu.memory_space<semaphore_mem>>)
    %dma_start3A_174 = arith.constant 1 : i32
    %dma_start3A_175 = arith.constant 1 : i32
    %dma_start3A_176 = arith.constant 0 : i32
    %dma_start3A_177 = tpu.memref_slice %arg6[%dma_start3A_174, %dma_start3A_175, %dma_start3A_176] : memref<4x4x16xi32, #tpu.memory_space<vmem>> -> memref<1x1x16xi32, #tpu.memory_space<vmem>>
    %dma_start3A_178 = tpu.memref_squeeze %dma_start3A_177 : memref<1x1x16xi32, #tpu.memory_space<vmem>> -> memref<16xi32, #tpu.memory_space<vmem>>
    %dma_start3A_179 = arith.constant 0 : i32
    %dma_start3A_180 = arith.constant 0 : i32
    %dma_start3A_181 = tpu.memref_slice %arg3[%dma_start3A_179, %dma_start3A_180] : memref<50257x1024xf32, #tpu.memory_space<hbm>> -> memref<50257x1024xf32, #tpu.memory_space<hbm>>
    tpu.enqueue_indirect_dma source(%dma_start3A_181 : memref<50257x1024xf32, #tpu.memory_space<hbm>>) target(%arg9 : memref<16x1024xf32, #tpu.memory_space<vmem>>) offsets(%dma_start3A_178 : memref<16xi32, #tpu.memory_space<vmem>>) semaphore(%arg16 : memref<!tpu.dma_semaphore, #tpu.memory_space<semaphore_mem>>)
    %dma_wait3A_182 = arith.constant 3 : i32
    %dma_wait3A_183 = arith.constant 0 : i32
    %dma_wait3A_184 = arith.constant 0 : i32
    %dma_wait3A_185 = tpu.memref_slice %arg6[%dma_wait3A_182, %dma_wait3A_183, %dma_wait3A_184] : memref<4x4x16xi32, #tpu.memory_space<vmem>> -> memref<1x1x16xi32, #tpu.memory_space<vmem>>
    %dma_wait3A_186 = tpu.memref_squeeze %dma_wait3A_185 : memref<1x1x16xi32, #tpu.memory_space<vmem>> -> memref<16xi32, #tpu.memory_space<vmem>>
    %dma_wait3A_187 = arith.constant 0 : i32
    %dma_wait3A_188 = arith.constant 0 : i32
    %dma_wait3A_189 = tpu.memref_slice %arg3[%dma_wait3A_187, %dma_wait3A_188] : memref<50257x1024xf32, #tpu.memory_space<hbm>> -> memref<50257x1024xf32, #tpu.memory_space<hbm>>
    tpu.wait_indirect_dma semaphore(%arg14 : memref<!tpu.dma_semaphore, #tpu.memory_space<semaphore_mem>>) src(%dma_wait3A_189 : memref<50257x1024xf32, #tpu.memory_space<hbm>>) dst(%arg7 : memref<16x1024xf32, #tpu.memory_space<vmem>>)
    %dma_wait3A_190 = arith.constant 0 : i32
    %dma_wait3A_191 = tpu.memref_slice %arg5[%add3A_132, %dma_wait3A_190] : memref<8192x1024xf32, #tpu.memory_space<hbm>> -> memref<16x1024xf32, #tpu.memory_space<hbm>>
    %dma_wait3A_192 = arith.constant 0 : i32
    %dma_wait3A_193 = tpu.memref_slice %arg5[%add3A_132, %dma_wait3A_192] : memref<8192x1024xf32, #tpu.memory_space<hbm>> -> memref<16x1024xf32, #tpu.memory_space<hbm>>
    tpu.wait_dma2 semaphore(%arg20 : memref<!tpu.dma_semaphore, #tpu.memory_space<semaphore_mem>>) src(%arg13 : memref<16x1024xf32, #tpu.memory_space<vmem>>) dst(%dma_wait3A_193 : memref<16x1024xf32, #tpu.memory_space<hbm>>)
    %scan3A_194 = arith.constant 0 : i32
    %scan3A_195 = arith.constant 0 : i32
    %scan3A_196 = arith.constant 16 : i32
    %scan3A_197 = arith.addi %scan3A_195, %scan3A_196 : i32
    %scan3A_198 = arith.constant 1 : i32
    %scan3A_199 = scf.for %scan3A_675 = %scan3A_195 to %scan3A_197 step %scan3A_198 iter_args(%scan3A_676 = %scan3A_194) -> (i32)  : i32 {
      %parallel_loop3A = arith.constant 0 : i32
      %parallel_loop3A_677 = arith.constant 64 : i32
      %parallel_loop3A_678 = arith.constant 1 : i32
      scf.for %parallel_loop3A_680 = %parallel_loop3A to %parallel_loop3A_677 step %parallel_loop3A_678  : i32 {
        %parallel_loop3A_681 = arith.constant 16 : i32
        %parallel_loop3A_682 = arith.muli %parallel_loop3A_680, %parallel_loop3A_681 : i32
        %parallel_loop3A_683 = arith.index_cast %scan3A_675 : i32 to index
        %parallel_loop3A_684 = arith.index_cast %parallel_loop3A_682 : i32 to index
        %parallel_loop3A_685 = tpu.vector_load %arg7[%parallel_loop3A_683, %parallel_loop3A_684] {strides = array<i32>} : memref<16x1024xf32, #tpu.memory_space<vmem>>, vector<1x16xf32>,
        %parallel_loop3A_686 = vector.shape_cast %parallel_loop3A_685 : vector<1x16xf32> to vector<16xf32>
        %parallel_loop3A_687 = arith.constant 3.200000e+01 : f32
        %parallel_loop3A_688 = vector.broadcast %parallel_loop3A_687 : f32 to vector<16xf32>
        %parallel_loop3A_689 = arith.mulf %parallel_loop3A_686, %parallel_loop3A_688 : vector<16xf32>
        %parallel_loop3A_690 = arith.index_cast %scan3A_675 : i32 to index
        %parallel_loop3A_691 = arith.index_cast %parallel_loop3A_682 : i32 to index
        %parallel_loop3A_692 = tpu.vector_load %arg10[%parallel_loop3A_690, %parallel_loop3A_691] {strides = array<i32>} : memref<16x1024xf32, #tpu.memory_space<vmem>>, vector<1x16xf32>,
        %parallel_loop3A_693 = vector.shape_cast %parallel_loop3A_692 : vector<1x16xf32> to vector<16xf32>
        %parallel_loop3A_694 = arith.addf %parallel_loop3A_689, %parallel_loop3A_693 : vector<16xf32>
        %parallel_loop3A_695 = arith.index_cast %scan3A_675 : i32 to index
        %parallel_loop3A_696 = arith.index_cast %parallel_loop3A_682 : i32 to index
        %parallel_loop3A_697 = tpu.vector_load %arg13[%parallel_loop3A_695, %parallel_loop3A_696] {strides = array<i32>} : memref<16x1024xf32, #tpu.memory_space<vmem>>, vector<1x16xf32>,
        %parallel_loop3A_698 = vector.shape_cast %parallel_loop3A_697 : vector<1x16xf32> to vector<16xf32>
        %parallel_loop3A_699 = vector.shape_cast %parallel_loop3A_694 : vector<16xf32> to vector<1x16xf32>
        tpu.vector_store %arg13[%parallel_loop3A_695, %parallel_loop3A_696], %parallel_loop3A_699 {strides = array<i32>} : memref<16x1024xf32, #tpu.memory_space<vmem>>, vector<1x16xf32>,
      } {sc.loop_unroll_factor = 4 : i64, sc.parallel_access}
      %scan3A_679 = arith.constant 0 : i32
      scf.yield %scan3A_679 : i32
    }
    %scan3A_200 = arith.constant 16 : i32
    %mul3A_201 = arith.constant 64 : i32
    %mul3A_202 = arith.muli %add3A, %mul3A_201 : i32
    %add3A_203 = arith.constant 6144 : i32
    %add3A_204 = arith.addi %add3A_203, %mul3A_202 : i32
    %add3A_205 = arith.constant 0 : i32
    %add3A_206 = arith.addi %add3A_204, %add3A_205 : i32
    %dma_start3A_207 = arith.constant 0 : i32
    %dma_start3A_208 = tpu.memref_slice %arg5[%add3A_206, %dma_start3A_207] : memref<8192x1024xf32, #tpu.memory_space<hbm>> -> memref<16x1024xf32, #tpu.memory_space<hbm>>
    %dma_start3A_209 = arith.constant 0 : i32
    %dma_start3A_210 = tpu.memref_slice %arg5[%add3A_206, %dma_start3A_209] : memref<8192x1024xf32, #tpu.memory_space<hbm>> -> memref<16x1024xf32, #tpu.memory_space<hbm>>
    tpu.enqueue_dma source(%arg13 : memref<16x1024xf32, #tpu.memory_space<vmem>>) target(%dma_start3A_210 : memref<16x1024xf32, #tpu.memory_space<hbm>>) target_semaphore(%arg20 : memref<!tpu.dma_semaphore, #tpu.memory_space<semaphore_mem>>)
    %dma_start3A_211 = arith.constant 2 : i32
    %dma_start3A_212 = arith.constant 1 : i32
    %dma_start3A_213 = arith.constant 0 : i32
    %dma_start3A_214 = tpu.memref_slice %arg6[%dma_start3A_211, %dma_start3A_212, %dma_start3A_213] : memref<4x4x16xi32, #tpu.memory_space<vmem>> -> memref<1x1x16xi32, #tpu.memory_space<vmem>>
    %dma_start3A_215 = tpu.memref_squeeze %dma_start3A_214 : memref<1x1x16xi32, #tpu.memory_space<vmem>> -> memref<16xi32, #tpu.memory_space<vmem>>
    %dma_start3A_216 = arith.constant 0 : i32
    %dma_start3A_217 = arith.constant 0 : i32
    %dma_start3A_218 = tpu.memref_slice %arg3[%dma_start3A_216, %dma_start3A_217] : memref<50257x1024xf32, #tpu.memory_space<hbm>> -> memref<50257x1024xf32, #tpu.memory_space<hbm>>
    tpu.enqueue_indirect_dma source(%dma_start3A_218 : memref<50257x1024xf32, #tpu.memory_space<hbm>>) target(%arg7 : memref<16x1024xf32, #tpu.memory_space<vmem>>) offsets(%dma_start3A_215 : memref<16xi32, #tpu.memory_space<vmem>>) semaphore(%arg14 : memref<!tpu.dma_semaphore, #tpu.memory_space<semaphore_mem>>)
    %mul3A_219 = arith.constant 64 : i32
    %mul3A_220 = arith.muli %add3A, %mul3A_219 : i32
    %add3A_221 = arith.constant 32 : i32
    %add3A_222 = arith.addi %mul3A_220, %add3A_221 : i32
    %dma_start3A_223 = arith.constant 0 : i32
    %dma_start3A_224 = tpu.memref_slice %arg4[%add3A_222, %dma_start3A_223] : memref<2048x1024xf32, #tpu.memory_space<hbm>> -> memref<16x1024xf32, #tpu.memory_space<hbm>>
    %dma_start3A_225 = arith.constant 0 : i32
    %dma_start3A_226 = tpu.memref_slice %arg4[%add3A_222, %dma_start3A_225] : memref<2048x1024xf32, #tpu.memory_space<hbm>> -> memref<16x1024xf32, #tpu.memory_space<hbm>>
    tpu.enqueue_dma source(%dma_start3A_226 : memref<16x1024xf32, #tpu.memory_space<hbm>>) target(%arg10 : memref<16x1024xf32, #tpu.memory_space<vmem>>) target_semaphore(%arg17 : memref<!tpu.dma_semaphore, #tpu.memory_space<semaphore_mem>>)
    %dma_wait3A_227 = arith.constant 0 : i32
    %dma_wait3A_228 = arith.constant 1 : i32
    %dma_wait3A_229 = arith.constant 0 : i32
    %dma_wait3A_230 = tpu.memref_slice %arg6[%dma_wait3A_227, %dma_wait3A_228, %dma_wait3A_229] : memref<4x4x16xi32, #tpu.memory_space<vmem>> -> memref<1x1x16xi32, #tpu.memory_space<vmem>>
    %dma_wait3A_231 = tpu.memref_squeeze %dma_wait3A_230 : memref<1x1x16xi32, #tpu.memory_space<vmem>> -> memref<16xi32, #tpu.memory_space<vmem>>
    %dma_wait3A_232 = arith.constant 0 : i32
    %dma_wait3A_233 = arith.constant 0 : i32
    %dma_wait3A_234 = tpu.memref_slice %arg3[%dma_wait3A_232, %dma_wait3A_233] : memref<50257x1024xf32, #tpu.memory_space<hbm>> -> memref<50257x1024xf32, #tpu.memory_space<hbm>>
    tpu.wait_indirect_dma semaphore(%arg15 : memref<!tpu.dma_semaphore, #tpu.memory_space<semaphore_mem>>) src(%dma_wait3A_234 : memref<50257x1024xf32, #tpu.memory_space<hbm>>) dst(%arg8 : memref<16x1024xf32, #tpu.memory_space<vmem>>)
    %dma_wait3A_235 = arith.constant 0 : i32
    %dma_wait3A_236 = tpu.memref_slice %arg4[%add3A_50, %dma_wait3A_235] : memref<2048x1024xf32, #tpu.memory_space<hbm>> -> memref<16x1024xf32, #tpu.memory_space<hbm>>
    %dma_wait3A_237 = arith.constant 0 : i32
    %dma_wait3A_238 = tpu.memref_slice %arg4[%add3A_50, %dma_wait3A_237] : memref<2048x1024xf32, #tpu.memory_space<hbm>> -> memref<16x1024xf32, #tpu.memory_space<hbm>>
    tpu.wait_dma2 semaphore(%arg18 : memref<!tpu.dma_semaphore, #tpu.memory_space<semaphore_mem>>) src(%dma_wait3A_238 : memref<16x1024xf32, #tpu.memory_space<hbm>>) dst(%arg11 : memref<16x1024xf32, #tpu.memory_space<vmem>>)
    %dma_wait3A_239 = arith.constant 0 : i32
    %dma_wait3A_240 = tpu.memref_slice %arg5[%add3A_169, %dma_wait3A_239] : memref<8192x1024xf32, #tpu.memory_space<hbm>> -> memref<16x1024xf32, #tpu.memory_space<hbm>>
    %dma_wait3A_241 = arith.constant 0 : i32
    %dma_wait3A_242 = tpu.memref_slice %arg5[%add3A_169, %dma_wait3A_241] : memref<8192x1024xf32, #tpu.memory_space<hbm>> -> memref<16x1024xf32, #tpu.memory_space<hbm>>
    tpu.wait_dma2 semaphore(%arg19 : memref<!tpu.dma_semaphore, #tpu.memory_space<semaphore_mem>>) src(%arg12 : memref<16x1024xf32, #tpu.memory_space<vmem>>) dst(%dma_wait3A_242 : memref<16x1024xf32, #tpu.memory_space<hbm>>)
    %scan3A_243 = arith.constant 0 : i32
    %scan3A_244 = arith.constant 0 : i32
    %scan3A_245 = arith.constant 16 : i32
    %scan3A_246 = arith.addi %scan3A_244, %scan3A_245 : i32
    %scan3A_247 = arith.constant 1 : i32
    %scan3A_248 = scf.for %scan3A_675 = %scan3A_244 to %scan3A_246 step %scan3A_247 iter_args(%scan3A_676 = %scan3A_243) -> (i32)  : i32 {
      %parallel_loop3A = arith.constant 0 : i32
      %parallel_loop3A_677 = arith.constant 64 : i32
      %parallel_loop3A_678 = arith.constant 1 : i32
      scf.for %parallel_loop3A_680 = %parallel_loop3A to %parallel_loop3A_677 step %parallel_loop3A_678  : i32 {
        %parallel_loop3A_681 = arith.constant 16 : i32
        %parallel_loop3A_682 = arith.muli %parallel_loop3A_680, %parallel_loop3A_681 : i32
        %parallel_loop3A_683 = arith.index_cast %scan3A_675 : i32 to index
        %parallel_loop3A_684 = arith.index_cast %parallel_loop3A_682 : i32 to index
        %parallel_loop3A_685 = tpu.vector_load %arg8[%parallel_loop3A_683, %parallel_loop3A_684] {strides = array<i32>} : memref<16x1024xf32, #tpu.memory_space<vmem>>, vector<1x16xf32>,
        %parallel_loop3A_686 = vector.shape_cast %parallel_loop3A_685 : vector<1x16xf32> to vector<16xf32>
        %parallel_loop3A_687 = arith.constant 3.200000e+01 : f32
        %parallel_loop3A_688 = vector.broadcast %parallel_loop3A_687 : f32 to vector<16xf32>
        %parallel_loop3A_689 = arith.mulf %parallel_loop3A_686, %parallel_loop3A_688 : vector<16xf32>
        %parallel_loop3A_690 = arith.index_cast %scan3A_675 : i32 to index
        %parallel_loop3A_691 = arith.index_cast %parallel_loop3A_682 : i32 to index
        %parallel_loop3A_692 = tpu.vector_load %arg11[%parallel_loop3A_690, %parallel_loop3A_691] {strides = array<i32>} : memref<16x1024xf32, #tpu.memory_space<vmem>>, vector<1x16xf32>,
        %parallel_loop3A_693 = vector.shape_cast %parallel_loop3A_692 : vector<1x16xf32> to vector<16xf32>
        %parallel_loop3A_694 = arith.addf %parallel_loop3A_689, %parallel_loop3A_693 : vector<16xf32>
        %parallel_loop3A_695 = arith.index_cast %scan3A_675 : i32 to index
        %parallel_loop3A_696 = arith.index_cast %parallel_loop3A_682 : i32 to index
        %parallel_loop3A_697 = tpu.vector_load %arg12[%parallel_loop3A_695, %parallel_loop3A_696] {strides = array<i32>} : memref<16x1024xf32, #tpu.memory_space<vmem>>, vector<1x16xf32>,
        %parallel_loop3A_698 = vector.shape_cast %parallel_loop3A_697 : vector<1x16xf32> to vector<16xf32>
        %parallel_loop3A_699 = vector.shape_cast %parallel_loop3A_694 : vector<16xf32> to vector<1x16xf32>
        tpu.vector_store %arg12[%parallel_loop3A_695, %parallel_loop3A_696], %parallel_loop3A_699 {strides = array<i32>} : memref<16x1024xf32, #tpu.memory_space<vmem>>, vector<1x16xf32>,
      } {sc.loop_unroll_factor = 4 : i64, sc.parallel_access}
      %scan3A_679 = arith.constant 0 : i32
      scf.yield %scan3A_679 : i32
    }
    %scan3A_249 = arith.constant 16 : i32
    %mul3A_250 = arith.constant 64 : i32
    %mul3A_251 = arith.muli %add3A, %mul3A_250 : i32
    %add3A_252 = arith.constant 0 : i32
    %add3A_253 = arith.addi %add3A_252, %mul3A_251 : i32
    %add3A_254 = arith.constant 16 : i32
    %add3A_255 = arith.addi %add3A_253, %add3A_254 : i32
    %dma_start3A_256 = arith.constant 0 : i32
    %dma_start3A_257 = tpu.memref_slice %arg5[%add3A_255, %dma_start3A_256] : memref<8192x1024xf32, #tpu.memory_space<hbm>> -> memref<16x1024xf32, #tpu.memory_space<hbm>>
    %dma_start3A_258 = arith.constant 0 : i32
    %dma_start3A_259 = tpu.memref_slice %arg5[%add3A_255, %dma_start3A_258] : memref<8192x1024xf32, #tpu.memory_space<hbm>> -> memref<16x1024xf32, #tpu.memory_space<hbm>>
    tpu.enqueue_dma source(%arg12 : memref<16x1024xf32, #tpu.memory_space<vmem>>) target(%dma_start3A_259 : memref<16x1024xf32, #tpu.memory_space<hbm>>) target_semaphore(%arg19 : memref<!tpu.dma_semaphore, #tpu.memory_space<semaphore_mem>>)
    %dma_start3A_260 = arith.constant 3 : i32
    %dma_start3A_261 = arith.constant 1 : i32
    %dma_start3A_262 = arith.constant 0 : i32
    %dma_start3A_263 = tpu.memref_slice %arg6[%dma_start3A_260, %dma_start3A_261, %dma_start3A_262] : memref<4x4x16xi32, #tpu.memory_space<vmem>> -> memref<1x1x16xi32, #tpu.memory_space<vmem>>
    %dma_start3A_264 = tpu.memref_squeeze %dma_start3A_263 : memref<1x1x16xi32, #tpu.memory_space<vmem>> -> memref<16xi32, #tpu.memory_space<vmem>>
    %dma_start3A_265 = arith.constant 0 : i32
    %dma_start3A_266 = arith.constant 0 : i32
    %dma_start3A_267 = tpu.memref_slice %arg3[%dma_start3A_265, %dma_start3A_266] : memref<50257x1024xf32, #tpu.memory_space<hbm>> -> memref<50257x1024xf32, #tpu.memory_space<hbm>>
    tpu.enqueue_indirect_dma source(%dma_start3A_267 : memref<50257x1024xf32, #tpu.memory_space<hbm>>) target(%arg8 : memref<16x1024xf32, #tpu.memory_space<vmem>>) offsets(%dma_start3A_264 : memref<16xi32, #tpu.memory_space<vmem>>) semaphore(%arg15 : memref<!tpu.dma_semaphore, #tpu.memory_space<semaphore_mem>>)
    %dma_wait3A_268 = arith.constant 1 : i32
    %dma_wait3A_269 = arith.constant 1 : i32
    %dma_wait3A_270 = arith.constant 0 : i32
    %dma_wait3A_271 = tpu.memref_slice %arg6[%dma_wait3A_268, %dma_wait3A_269, %dma_wait3A_270] : memref<4x4x16xi32, #tpu.memory_space<vmem>> -> memref<1x1x16xi32, #tpu.memory_space<vmem>>
    %dma_wait3A_272 = tpu.memref_squeeze %dma_wait3A_271 : memref<1x1x16xi32, #tpu.memory_space<vmem>> -> memref<16xi32, #tpu.memory_space<vmem>>
    %dma_wait3A_273 = arith.constant 0 : i32
    %dma_wait3A_274 = arith.constant 0 : i32
    %dma_wait3A_275 = tpu.memref_slice %arg3[%dma_wait3A_273, %dma_wait3A_274] : memref<50257x1024xf32, #tpu.memory_space<hbm>> -> memref<50257x1024xf32, #tpu.memory_space<hbm>>
    tpu.wait_indirect_dma semaphore(%arg16 : memref<!tpu.dma_semaphore, #tpu.memory_space<semaphore_mem>>) src(%dma_wait3A_275 : memref<50257x1024xf32, #tpu.memory_space<hbm>>) dst(%arg9 : memref<16x1024xf32, #tpu.memory_space<vmem>>)
    %dma_wait3A_276 = arith.constant 0 : i32
    %dma_wait3A_277 = tpu.memref_slice %arg5[%add3A_206, %dma_wait3A_276] : memref<8192x1024xf32, #tpu.memory_space<hbm>> -> memref<16x1024xf32, #tpu.memory_space<hbm>>
    %dma_wait3A_278 = arith.constant 0 : i32
    %dma_wait3A_279 = tpu.memref_slice %arg5[%add3A_206, %dma_wait3A_278] : memref<8192x1024xf32, #tpu.memory_space<hbm>> -> memref<16x1024xf32, #tpu.memory_space<hbm>>
    tpu.wait_dma2 semaphore(%arg20 : memref<!tpu.dma_semaphore, #tpu.memory_space<semaphore_mem>>) src(%arg13 : memref<16x1024xf32, #tpu.memory_space<vmem>>) dst(%dma_wait3A_279 : memref<16x1024xf32, #tpu.memory_space<hbm>>)
    %scan3A_280 = arith.constant 0 : i32
    %scan3A_281 = arith.constant 0 : i32
    %scan3A_282 = arith.constant 16 : i32
    %scan3A_283 = arith.addi %scan3A_281, %scan3A_282 : i32
    %scan3A_284 = arith.constant 1 : i32
    %scan3A_285 = scf.for %scan3A_675 = %scan3A_281 to %scan3A_283 step %scan3A_284 iter_args(%scan3A_676 = %scan3A_280) -> (i32)  : i32 {
      %parallel_loop3A = arith.constant 0 : i32
      %parallel_loop3A_677 = arith.constant 64 : i32
      %parallel_loop3A_678 = arith.constant 1 : i32
      scf.for %parallel_loop3A_680 = %parallel_loop3A to %parallel_loop3A_677 step %parallel_loop3A_678  : i32 {
        %parallel_loop3A_681 = arith.constant 16 : i32
        %parallel_loop3A_682 = arith.muli %parallel_loop3A_680, %parallel_loop3A_681 : i32
        %parallel_loop3A_683 = arith.index_cast %scan3A_675 : i32 to index
        %parallel_loop3A_684 = arith.index_cast %parallel_loop3A_682 : i32 to index
        %parallel_loop3A_685 = tpu.vector_load %arg9[%parallel_loop3A_683, %parallel_loop3A_684] {strides = array<i32>} : memref<16x1024xf32, #tpu.memory_space<vmem>>, vector<1x16xf32>,
        %parallel_loop3A_686 = vector.shape_cast %parallel_loop3A_685 : vector<1x16xf32> to vector<16xf32>
        %parallel_loop3A_687 = arith.constant 3.200000e+01 : f32
        %parallel_loop3A_688 = vector.broadcast %parallel_loop3A_687 : f32 to vector<16xf32>
        %parallel_loop3A_689 = arith.mulf %parallel_loop3A_686, %parallel_loop3A_688 : vector<16xf32>
        %parallel_loop3A_690 = arith.index_cast %scan3A_675 : i32 to index
        %parallel_loop3A_691 = arith.index_cast %parallel_loop3A_682 : i32 to index
        %parallel_loop3A_692 = tpu.vector_load %arg11[%parallel_loop3A_690, %parallel_loop3A_691] {strides = array<i32>} : memref<16x1024xf32, #tpu.memory_space<vmem>>, vector<1x16xf32>,
        %parallel_loop3A_693 = vector.shape_cast %parallel_loop3A_692 : vector<1x16xf32> to vector<16xf32>
        %parallel_loop3A_694 = arith.addf %parallel_loop3A_689, %parallel_loop3A_693 : vector<16xf32>
        %parallel_loop3A_695 = arith.index_cast %scan3A_675 : i32 to index
        %parallel_loop3A_696 = arith.index_cast %parallel_loop3A_682 : i32 to index
        %parallel_loop3A_697 = tpu.vector_load %arg13[%parallel_loop3A_695, %parallel_loop3A_696] {strides = array<i32>} : memref<16x1024xf32, #tpu.memory_space<vmem>>, vector<1x16xf32>,
        %parallel_loop3A_698 = vector.shape_cast %parallel_loop3A_697 : vector<1x16xf32> to vector<16xf32>
        %parallel_loop3A_699 = vector.shape_cast %parallel_loop3A_694 : vector<16xf32> to vector<1x16xf32>
        tpu.vector_store %arg13[%parallel_loop3A_695, %parallel_loop3A_696], %parallel_loop3A_699 {strides = array<i32>} : memref<16x1024xf32, #tpu.memory_space<vmem>>, vector<1x16xf32>,
      } {sc.loop_unroll_factor = 4 : i64, sc.parallel_access}
      %scan3A_679 = arith.constant 0 : i32
      scf.yield %scan3A_679 : i32
    }
    %scan3A_286 = arith.constant 16 : i32
    %mul3A_287 = arith.constant 64 : i32
    %mul3A_288 = arith.muli %add3A, %mul3A_287 : i32
    %add3A_289 = arith.constant 2048 : i32
    %add3A_290 = arith.addi %add3A_289, %mul3A_288 : i32
    %add3A_291 = arith.constant 16 : i32
    %add3A_292 = arith.addi %add3A_290, %add3A_291 : i32
    %dma_start3A_293 = arith.constant 0 : i32
    %dma_start3A_294 = tpu.memref_slice %arg5[%add3A_292, %dma_start3A_293] : memref<8192x1024xf32, #tpu.memory_space<hbm>> -> memref<16x1024xf32, #tpu.memory_space<hbm>>
    %dma_start3A_295 = arith.constant 0 : i32
    %dma_start3A_296 = tpu.memref_slice %arg5[%add3A_292, %dma_start3A_295] : memref<8192x1024xf32, #tpu.memory_space<hbm>> -> memref<16x1024xf32, #tpu.memory_space<hbm>>
    tpu.enqueue_dma source(%arg13 : memref<16x1024xf32, #tpu.memory_space<vmem>>) target(%dma_start3A_296 : memref<16x1024xf32, #tpu.memory_space<hbm>>) target_semaphore(%arg20 : memref<!tpu.dma_semaphore, #tpu.memory_space<semaphore_mem>>)
    %dma_start3A_297 = arith.constant 0 : i32
    %dma_start3A_298 = arith.constant 2 : i32
    %dma_start3A_299 = arith.constant 0 : i32
    %dma_start3A_300 = tpu.memref_slice %arg6[%dma_start3A_297, %dma_start3A_298, %dma_start3A_299] : memref<4x4x16xi32, #tpu.memory_space<vmem>> -> memref<1x1x16xi32, #tpu.memory_space<vmem>>
    %dma_start3A_301 = tpu.memref_squeeze %dma_start3A_300 : memref<1x1x16xi32, #tpu.memory_space<vmem>> -> memref<16xi32, #tpu.memory_space<vmem>>
    %dma_start3A_302 = arith.constant 0 : i32
    %dma_start3A_303 = arith.constant 0 : i32
    %dma_start3A_304 = tpu.memref_slice %arg3[%dma_start3A_302, %dma_start3A_303] : memref<50257x1024xf32, #tpu.memory_space<hbm>> -> memref<50257x1024xf32, #tpu.memory_space<hbm>>
    tpu.enqueue_indirect_dma source(%dma_start3A_304 : memref<50257x1024xf32, #tpu.memory_space<hbm>>) target(%arg9 : memref<16x1024xf32, #tpu.memory_space<vmem>>) offsets(%dma_start3A_301 : memref<16xi32, #tpu.memory_space<vmem>>) semaphore(%arg16 : memref<!tpu.dma_semaphore, #tpu.memory_space<semaphore_mem>>)
    %dma_wait3A_305 = arith.constant 2 : i32
    %dma_wait3A_306 = arith.constant 1 : i32
    %dma_wait3A_307 = arith.constant 0 : i32
    %dma_wait3A_308 = tpu.memref_slice %arg6[%dma_wait3A_305, %dma_wait3A_306, %dma_wait3A_307] : memref<4x4x16xi32, #tpu.memory_space<vmem>> -> memref<1x1x16xi32, #tpu.memory_space<vmem>>
    %dma_wait3A_309 = tpu.memref_squeeze %dma_wait3A_308 : memref<1x1x16xi32, #tpu.memory_space<vmem>> -> memref<16xi32, #tpu.memory_space<vmem>>
    %dma_wait3A_310 = arith.constant 0 : i32
    %dma_wait3A_311 = arith.constant 0 : i32
    %dma_wait3A_312 = tpu.memref_slice %arg3[%dma_wait3A_310, %dma_wait3A_311] : memref<50257x1024xf32, #tpu.memory_space<hbm>> -> memref<50257x1024xf32, #tpu.memory_space<hbm>>
    tpu.wait_indirect_dma semaphore(%arg14 : memref<!tpu.dma_semaphore, #tpu.memory_space<semaphore_mem>>) src(%dma_wait3A_312 : memref<50257x1024xf32, #tpu.memory_space<hbm>>) dst(%arg7 : memref<16x1024xf32, #tpu.memory_space<vmem>>)
    %dma_wait3A_313 = arith.constant 0 : i32
    %dma_wait3A_314 = tpu.memref_slice %arg5[%add3A_255, %dma_wait3A_313] : memref<8192x1024xf32, #tpu.memory_space<hbm>> -> memref<16x1024xf32, #tpu.memory_space<hbm>>
    %dma_wait3A_315 = arith.constant 0 : i32
    %dma_wait3A_316 = tpu.memref_slice %arg5[%add3A_255, %dma_wait3A_315] : memref<8192x1024xf32, #tpu.memory_space<hbm>> -> memref<16x1024xf32, #tpu.memory_space<hbm>>
    tpu.wait_dma2 semaphore(%arg19 : memref<!tpu.dma_semaphore, #tpu.memory_space<semaphore_mem>>) src(%arg12 : memref<16x1024xf32, #tpu.memory_space<vmem>>) dst(%dma_wait3A_316 : memref<16x1024xf32, #tpu.memory_space<hbm>>)
    %scan3A_317 = arith.constant 0 : i32
    %scan3A_318 = arith.constant 0 : i32
    %scan3A_319 = arith.constant 16 : i32
    %scan3A_320 = arith.addi %scan3A_318, %scan3A_319 : i32
    %scan3A_321 = arith.constant 1 : i32
    %scan3A_322 = scf.for %scan3A_675 = %scan3A_318 to %scan3A_320 step %scan3A_321 iter_args(%scan3A_676 = %scan3A_317) -> (i32)  : i32 {
      %parallel_loop3A = arith.constant 0 : i32
      %parallel_loop3A_677 = arith.constant 64 : i32
      %parallel_loop3A_678 = arith.constant 1 : i32
      scf.for %parallel_loop3A_680 = %parallel_loop3A to %parallel_loop3A_677 step %parallel_loop3A_678  : i32 {
        %parallel_loop3A_681 = arith.constant 16 : i32
        %parallel_loop3A_682 = arith.muli %parallel_loop3A_680, %parallel_loop3A_681 : i32
        %parallel_loop3A_683 = arith.index_cast %scan3A_675 : i32 to index
        %parallel_loop3A_684 = arith.index_cast %parallel_loop3A_682 : i32 to index
        %parallel_loop3A_685 = tpu.vector_load %arg7[%parallel_loop3A_683, %parallel_loop3A_684] {strides = array<i32>} : memref<16x1024xf32, #tpu.memory_space<vmem>>, vector<1x16xf32>,
        %parallel_loop3A_686 = vector.shape_cast %parallel_loop3A_685 : vector<1x16xf32> to vector<16xf32>
        %parallel_loop3A_687 = arith.constant 3.200000e+01 : f32
        %parallel_loop3A_688 = vector.broadcast %parallel_loop3A_687 : f32 to vector<16xf32>
        %parallel_loop3A_689 = arith.mulf %parallel_loop3A_686, %parallel_loop3A_688 : vector<16xf32>
        %parallel_loop3A_690 = arith.index_cast %scan3A_675 : i32 to index
        %parallel_loop3A_691 = arith.index_cast %parallel_loop3A_682 : i32 to index
        %parallel_loop3A_692 = tpu.vector_load %arg11[%parallel_loop3A_690, %parallel_loop3A_691] {strides = array<i32>} : memref<16x1024xf32, #tpu.memory_space<vmem>>, vector<1x16xf32>,
        %parallel_loop3A_693 = vector.shape_cast %parallel_loop3A_692 : vector<1x16xf32> to vector<16xf32>
        %parallel_loop3A_694 = arith.addf %parallel_loop3A_689, %parallel_loop3A_693 : vector<16xf32>
        %parallel_loop3A_695 = arith.index_cast %scan3A_675 : i32 to index
        %parallel_loop3A_696 = arith.index_cast %parallel_loop3A_682 : i32 to index
        %parallel_loop3A_697 = tpu.vector_load %arg12[%parallel_loop3A_695, %parallel_loop3A_696] {strides = array<i32>} : memref<16x1024xf32, #tpu.memory_space<vmem>>, vector<1x16xf32>,
        %parallel_loop3A_698 = vector.shape_cast %parallel_loop3A_697 : vector<1x16xf32> to vector<16xf32>
        %parallel_loop3A_699 = vector.shape_cast %parallel_loop3A_694 : vector<16xf32> to vector<1x16xf32>
        tpu.vector_store %arg12[%parallel_loop3A_695, %parallel_loop3A_696], %parallel_loop3A_699 {strides = array<i32>} : memref<16x1024xf32, #tpu.memory_space<vmem>>, vector<1x16xf32>,
      } {sc.loop_unroll_factor = 4 : i64, sc.parallel_access}
      %scan3A_679 = arith.constant 0 : i32
      scf.yield %scan3A_679 : i32
    }
    %scan3A_323 = arith.constant 16 : i32
    %mul3A_324 = arith.constant 64 : i32
    %mul3A_325 = arith.muli %add3A, %mul3A_324 : i32
    %add3A_326 = arith.constant 4096 : i32
    %add3A_327 = arith.addi %add3A_326, %mul3A_325 : i32
    %add3A_328 = arith.constant 16 : i32
    %add3A_329 = arith.addi %add3A_327, %add3A_328 : i32
    %dma_start3A_330 = arith.constant 0 : i32
    %dma_start3A_331 = tpu.memref_slice %arg5[%add3A_329, %dma_start3A_330] : memref<8192x1024xf32, #tpu.memory_space<hbm>> -> memref<16x1024xf32, #tpu.memory_space<hbm>>
    %dma_start3A_332 = arith.constant 0 : i32
    %dma_start3A_333 = tpu.memref_slice %arg5[%add3A_329, %dma_start3A_332] : memref<8192x1024xf32, #tpu.memory_space<hbm>> -> memref<16x1024xf32, #tpu.memory_space<hbm>>
    tpu.enqueue_dma source(%arg12 : memref<16x1024xf32, #tpu.memory_space<vmem>>) target(%dma_start3A_333 : memref<16x1024xf32, #tpu.memory_space<hbm>>) target_semaphore(%arg19 : memref<!tpu.dma_semaphore, #tpu.memory_space<semaphore_mem>>)
    %dma_start3A_334 = arith.constant 1 : i32
    %dma_start3A_335 = arith.constant 2 : i32
    %dma_start3A_336 = arith.constant 0 : i32
    %dma_start3A_337 = tpu.memref_slice %arg6[%dma_start3A_334, %dma_start3A_335, %dma_start3A_336] : memref<4x4x16xi32, #tpu.memory_space<vmem>> -> memref<1x1x16xi32, #tpu.memory_space<vmem>>
    %dma_start3A_338 = tpu.memref_squeeze %dma_start3A_337 : memref<1x1x16xi32, #tpu.memory_space<vmem>> -> memref<16xi32, #tpu.memory_space<vmem>>
    %dma_start3A_339 = arith.constant 0 : i32
    %dma_start3A_340 = arith.constant 0 : i32
    %dma_start3A_341 = tpu.memref_slice %arg3[%dma_start3A_339, %dma_start3A_340] : memref<50257x1024xf32, #tpu.memory_space<hbm>> -> memref<50257x1024xf32, #tpu.memory_space<hbm>>
    tpu.enqueue_indirect_dma source(%dma_start3A_341 : memref<50257x1024xf32, #tpu.memory_space<hbm>>) target(%arg7 : memref<16x1024xf32, #tpu.memory_space<vmem>>) offsets(%dma_start3A_338 : memref<16xi32, #tpu.memory_space<vmem>>) semaphore(%arg14 : memref<!tpu.dma_semaphore, #tpu.memory_space<semaphore_mem>>)
    %dma_wait3A_342 = arith.constant 3 : i32
    %dma_wait3A_343 = arith.constant 1 : i32
    %dma_wait3A_344 = arith.constant 0 : i32
    %dma_wait3A_345 = tpu.memref_slice %arg6[%dma_wait3A_342, %dma_wait3A_343, %dma_wait3A_344] : memref<4x4x16xi32, #tpu.memory_space<vmem>> -> memref<1x1x16xi32, #tpu.memory_space<vmem>>
    %dma_wait3A_346 = tpu.memref_squeeze %dma_wait3A_345 : memref<1x1x16xi32, #tpu.memory_space<vmem>> -> memref<16xi32, #tpu.memory_space<vmem>>
    %dma_wait3A_347 = arith.constant 0 : i32
    %dma_wait3A_348 = arith.constant 0 : i32
    %dma_wait3A_349 = tpu.memref_slice %arg3[%dma_wait3A_347, %dma_wait3A_348] : memref<50257x1024xf32, #tpu.memory_space<hbm>> -> memref<50257x1024xf32, #tpu.memory_space<hbm>>
    tpu.wait_indirect_dma semaphore(%arg15 : memref<!tpu.dma_semaphore, #tpu.memory_space<semaphore_mem>>) src(%dma_wait3A_349 : memref<50257x1024xf32, #tpu.memory_space<hbm>>) dst(%arg8 : memref<16x1024xf32, #tpu.memory_space<vmem>>)
    %dma_wait3A_350 = arith.constant 0 : i32
    %dma_wait3A_351 = tpu.memref_slice %arg5[%add3A_292, %dma_wait3A_350] : memref<8192x1024xf32, #tpu.memory_space<hbm>> -> memref<16x1024xf32, #tpu.memory_space<hbm>>
    %dma_wait3A_352 = arith.constant 0 : i32
    %dma_wait3A_353 = tpu.memref_slice %arg5[%add3A_292, %dma_wait3A_352] : memref<8192x1024xf32, #tpu.memory_space<hbm>> -> memref<16x1024xf32, #tpu.memory_space<hbm>>
    tpu.wait_dma2 semaphore(%arg20 : memref<!tpu.dma_semaphore, #tpu.memory_space<semaphore_mem>>) src(%arg13 : memref<16x1024xf32, #tpu.memory_space<vmem>>) dst(%dma_wait3A_353 : memref<16x1024xf32, #tpu.memory_space<hbm>>)
    %scan3A_354 = arith.constant 0 : i32
    %scan3A_355 = arith.constant 0 : i32
    %scan3A_356 = arith.constant 16 : i32
    %scan3A_357 = arith.addi %scan3A_355, %scan3A_356 : i32
    %scan3A_358 = arith.constant 1 : i32
    %scan3A_359 = scf.for %scan3A_675 = %scan3A_355 to %scan3A_357 step %scan3A_358 iter_args(%scan3A_676 = %scan3A_354) -> (i32)  : i32 {
      %parallel_loop3A = arith.constant 0 : i32
      %parallel_loop3A_677 = arith.constant 64 : i32
      %parallel_loop3A_678 = arith.constant 1 : i32
      scf.for %parallel_loop3A_680 = %parallel_loop3A to %parallel_loop3A_677 step %parallel_loop3A_678  : i32 {
        %parallel_loop3A_681 = arith.constant 16 : i32
        %parallel_loop3A_682 = arith.muli %parallel_loop3A_680, %parallel_loop3A_681 : i32
        %parallel_loop3A_683 = arith.index_cast %scan3A_675 : i32 to index
        %parallel_loop3A_684 = arith.index_cast %parallel_loop3A_682 : i32 to index
        %parallel_loop3A_685 = tpu.vector_load %arg8[%parallel_loop3A_683, %parallel_loop3A_684] {strides = array<i32>} : memref<16x1024xf32, #tpu.memory_space<vmem>>, vector<1x16xf32>,
        %parallel_loop3A_686 = vector.shape_cast %parallel_loop3A_685 : vector<1x16xf32> to vector<16xf32>
        %parallel_loop3A_687 = arith.constant 3.200000e+01 : f32
        %parallel_loop3A_688 = vector.broadcast %parallel_loop3A_687 : f32 to vector<16xf32>
        %parallel_loop3A_689 = arith.mulf %parallel_loop3A_686, %parallel_loop3A_688 : vector<16xf32>
        %parallel_loop3A_690 = arith.index_cast %scan3A_675 : i32 to index
        %parallel_loop3A_691 = arith.index_cast %parallel_loop3A_682 : i32 to index
        %parallel_loop3A_692 = tpu.vector_load %arg11[%parallel_loop3A_690, %parallel_loop3A_691] {strides = array<i32>} : memref<16x1024xf32, #tpu.memory_space<vmem>>, vector<1x16xf32>,
        %parallel_loop3A_693 = vector.shape_cast %parallel_loop3A_692 : vector<1x16xf32> to vector<16xf32>
        %parallel_loop3A_694 = arith.addf %parallel_loop3A_689, %parallel_loop3A_693 : vector<16xf32>
        %parallel_loop3A_695 = arith.index_cast %scan3A_675 : i32 to index
        %parallel_loop3A_696 = arith.index_cast %parallel_loop3A_682 : i32 to index
        %parallel_loop3A_697 = tpu.vector_load %arg13[%parallel_loop3A_695, %parallel_loop3A_696] {strides = array<i32>} : memref<16x1024xf32, #tpu.memory_space<vmem>>, vector<1x16xf32>,
        %parallel_loop3A_698 = vector.shape_cast %parallel_loop3A_697 : vector<1x16xf32> to vector<16xf32>
        %parallel_loop3A_699 = vector.shape_cast %parallel_loop3A_694 : vector<16xf32> to vector<1x16xf32>
        tpu.vector_store %arg13[%parallel_loop3A_695, %parallel_loop3A_696], %parallel_loop3A_699 {strides = array<i32>} : memref<16x1024xf32, #tpu.memory_space<vmem>>, vector<1x16xf32>,
      } {sc.loop_unroll_factor = 4 : i64, sc.parallel_access}
      %scan3A_679 = arith.constant 0 : i32
      scf.yield %scan3A_679 : i32
    }
    %scan3A_360 = arith.constant 16 : i32
    %mul3A_361 = arith.constant 64 : i32
    %mul3A_362 = arith.muli %add3A, %mul3A_361 : i32
    %add3A_363 = arith.constant 6144 : i32
    %add3A_364 = arith.addi %add3A_363, %mul3A_362 : i32
    %add3A_365 = arith.constant 16 : i32
    %add3A_366 = arith.addi %add3A_364, %add3A_365 : i32
    %dma_start3A_367 = arith.constant 0 : i32
    %dma_start3A_368 = tpu.memref_slice %arg5[%add3A_366, %dma_start3A_367] : memref<8192x1024xf32, #tpu.memory_space<hbm>> -> memref<16x1024xf32, #tpu.memory_space<hbm>>
    %dma_start3A_369 = arith.constant 0 : i32
    %dma_start3A_370 = tpu.memref_slice %arg5[%add3A_366, %dma_start3A_369] : memref<8192x1024xf32, #tpu.memory_space<hbm>> -> memref<16x1024xf32, #tpu.memory_space<hbm>>
    tpu.enqueue_dma source(%arg13 : memref<16x1024xf32, #tpu.memory_space<vmem>>) target(%dma_start3A_370 : memref<16x1024xf32, #tpu.memory_space<hbm>>) target_semaphore(%arg20 : memref<!tpu.dma_semaphore, #tpu.memory_space<semaphore_mem>>)
    %dma_start3A_371 = arith.constant 2 : i32
    %dma_start3A_372 = arith.constant 2 : i32
    %dma_start3A_373 = arith.constant 0 : i32
    %dma_start3A_374 = tpu.memref_slice %arg6[%dma_start3A_371, %dma_start3A_372, %dma_start3A_373] : memref<4x4x16xi32, #tpu.memory_space<vmem>> -> memref<1x1x16xi32, #tpu.memory_space<vmem>>
    %dma_start3A_375 = tpu.memref_squeeze %dma_start3A_374 : memref<1x1x16xi32, #tpu.memory_space<vmem>> -> memref<16xi32, #tpu.memory_space<vmem>>
    %dma_start3A_376 = arith.constant 0 : i32
    %dma_start3A_377 = arith.constant 0 : i32
    %dma_start3A_378 = tpu.memref_slice %arg3[%dma_start3A_376, %dma_start3A_377] : memref<50257x1024xf32, #tpu.memory_space<hbm>> -> memref<50257x1024xf32, #tpu.memory_space<hbm>>
    tpu.enqueue_indirect_dma source(%dma_start3A_378 : memref<50257x1024xf32, #tpu.memory_space<hbm>>) target(%arg8 : memref<16x1024xf32, #tpu.memory_space<vmem>>) offsets(%dma_start3A_375 : memref<16xi32, #tpu.memory_space<vmem>>) semaphore(%arg15 : memref<!tpu.dma_semaphore, #tpu.memory_space<semaphore_mem>>)
    %mul3A_379 = arith.constant 64 : i32
    %mul3A_380 = arith.muli %add3A, %mul3A_379 : i32
    %add3A_381 = arith.constant 48 : i32
    %add3A_382 = arith.addi %mul3A_380, %add3A_381 : i32
    %dma_start3A_383 = arith.constant 0 : i32
    %dma_start3A_384 = tpu.memref_slice %arg4[%add3A_382, %dma_start3A_383] : memref<2048x1024xf32, #tpu.memory_space<hbm>> -> memref<16x1024xf32, #tpu.memory_space<hbm>>
    %dma_start3A_385 = arith.constant 0 : i32
    %dma_start3A_386 = tpu.memref_slice %arg4[%add3A_382, %dma_start3A_385] : memref<2048x1024xf32, #tpu.memory_space<hbm>> -> memref<16x1024xf32, #tpu.memory_space<hbm>>
    tpu.enqueue_dma source(%dma_start3A_386 : memref<16x1024xf32, #tpu.memory_space<hbm>>) target(%arg11 : memref<16x1024xf32, #tpu.memory_space<vmem>>) target_semaphore(%arg18 : memref<!tpu.dma_semaphore, #tpu.memory_space<semaphore_mem>>)
    %dma_wait3A_387 = arith.constant 0 : i32
    %dma_wait3A_388 = arith.constant 2 : i32
    %dma_wait3A_389 = arith.constant 0 : i32
    %dma_wait3A_390 = tpu.memref_slice %arg6[%dma_wait3A_387, %dma_wait3A_388, %dma_wait3A_389] : memref<4x4x16xi32, #tpu.memory_space<vmem>> -> memref<1x1x16xi32, #tpu.memory_space<vmem>>
    %dma_wait3A_391 = tpu.memref_squeeze %dma_wait3A_390 : memref<1x1x16xi32, #tpu.memory_space<vmem>> -> memref<16xi32, #tpu.memory_space<vmem>>
    %dma_wait3A_392 = arith.constant 0 : i32
    %dma_wait3A_393 = arith.constant 0 : i32
    %dma_wait3A_394 = tpu.memref_slice %arg3[%dma_wait3A_392, %dma_wait3A_393] : memref<50257x1024xf32, #tpu.memory_space<hbm>> -> memref<50257x1024xf32, #tpu.memory_space<hbm>>
    tpu.wait_indirect_dma semaphore(%arg16 : memref<!tpu.dma_semaphore, #tpu.memory_space<semaphore_mem>>) src(%dma_wait3A_394 : memref<50257x1024xf32, #tpu.memory_space<hbm>>) dst(%arg9 : memref<16x1024xf32, #tpu.memory_space<vmem>>)
    %dma_wait3A_395 = arith.constant 0 : i32
    %dma_wait3A_396 = tpu.memref_slice %arg4[%add3A_222, %dma_wait3A_395] : memref<2048x1024xf32, #tpu.memory_space<hbm>> -> memref<16x1024xf32, #tpu.memory_space<hbm>>
    %dma_wait3A_397 = arith.constant 0 : i32
    %dma_wait3A_398 = tpu.memref_slice %arg4[%add3A_222, %dma_wait3A_397] : memref<2048x1024xf32, #tpu.memory_space<hbm>> -> memref<16x1024xf32, #tpu.memory_space<hbm>>
    tpu.wait_dma2 semaphore(%arg17 : memref<!tpu.dma_semaphore, #tpu.memory_space<semaphore_mem>>) src(%dma_wait3A_398 : memref<16x1024xf32, #tpu.memory_space<hbm>>) dst(%arg10 : memref<16x1024xf32, #tpu.memory_space<vmem>>)
    %dma_wait3A_399 = arith.constant 0 : i32
    %dma_wait3A_400 = tpu.memref_slice %arg5[%add3A_329, %dma_wait3A_399] : memref<8192x1024xf32, #tpu.memory_space<hbm>> -> memref<16x1024xf32, #tpu.memory_space<hbm>>
    %dma_wait3A_401 = arith.constant 0 : i32
    %dma_wait3A_402 = tpu.memref_slice %arg5[%add3A_329, %dma_wait3A_401] : memref<8192x1024xf32, #tpu.memory_space<hbm>> -> memref<16x1024xf32, #tpu.memory_space<hbm>>
    tpu.wait_dma2 semaphore(%arg19 : memref<!tpu.dma_semaphore, #tpu.memory_space<semaphore_mem>>) src(%arg12 : memref<16x1024xf32, #tpu.memory_space<vmem>>) dst(%dma_wait3A_402 : memref<16x1024xf32, #tpu.memory_space<hbm>>)
    %scan3A_403 = arith.constant 0 : i32
    %scan3A_404 = arith.constant 0 : i32
    %scan3A_405 = arith.constant 16 : i32
    %scan3A_406 = arith.addi %scan3A_404, %scan3A_405 : i32
    %scan3A_407 = arith.constant 1 : i32
    %scan3A_408 = scf.for %scan3A_675 = %scan3A_404 to %scan3A_406 step %scan3A_407 iter_args(%scan3A_676 = %scan3A_403) -> (i32)  : i32 {
      %parallel_loop3A = arith.constant 0 : i32
      %parallel_loop3A_677 = arith.constant 64 : i32
      %parallel_loop3A_678 = arith.constant 1 : i32
      scf.for %parallel_loop3A_680 = %parallel_loop3A to %parallel_loop3A_677 step %parallel_loop3A_678  : i32 {
        %parallel_loop3A_681 = arith.constant 16 : i32
        %parallel_loop3A_682 = arith.muli %parallel_loop3A_680, %parallel_loop3A_681 : i32
        %parallel_loop3A_683 = arith.index_cast %scan3A_675 : i32 to index
        %parallel_loop3A_684 = arith.index_cast %parallel_loop3A_682 : i32 to index
        %parallel_loop3A_685 = tpu.vector_load %arg9[%parallel_loop3A_683, %parallel_loop3A_684] {strides = array<i32>} : memref<16x1024xf32, #tpu.memory_space<vmem>>, vector<1x16xf32>,
        %parallel_loop3A_686 = vector.shape_cast %parallel_loop3A_685 : vector<1x16xf32> to vector<16xf32>
        %parallel_loop3A_687 = arith.constant 3.200000e+01 : f32
        %parallel_loop3A_688 = vector.broadcast %parallel_loop3A_687 : f32 to vector<16xf32>
        %parallel_loop3A_689 = arith.mulf %parallel_loop3A_686, %parallel_loop3A_688 : vector<16xf32>
        %parallel_loop3A_690 = arith.index_cast %scan3A_675 : i32 to index
        %parallel_loop3A_691 = arith.index_cast %parallel_loop3A_682 : i32 to index
        %parallel_loop3A_692 = tpu.vector_load %arg10[%parallel_loop3A_690, %parallel_loop3A_691] {strides = array<i32>} : memref<16x1024xf32, #tpu.memory_space<vmem>>, vector<1x16xf32>,
        %parallel_loop3A_693 = vector.shape_cast %parallel_loop3A_692 : vector<1x16xf32> to vector<16xf32>
        %parallel_loop3A_694 = arith.addf %parallel_loop3A_689, %parallel_loop3A_693 : vector<16xf32>
        %parallel_loop3A_695 = arith.index_cast %scan3A_675 : i32 to index
        %parallel_loop3A_696 = arith.index_cast %parallel_loop3A_682 : i32 to index
        %parallel_loop3A_697 = tpu.vector_load %arg12[%parallel_loop3A_695, %parallel_loop3A_696] {strides = array<i32>} : memref<16x1024xf32, #tpu.memory_space<vmem>>, vector<1x16xf32>,
        %parallel_loop3A_698 = vector.shape_cast %parallel_loop3A_697 : vector<1x16xf32> to vector<16xf32>
        %parallel_loop3A_699 = vector.shape_cast %parallel_loop3A_694 : vector<16xf32> to vector<1x16xf32>
        tpu.vector_store %arg12[%parallel_loop3A_695, %parallel_loop3A_696], %parallel_loop3A_699 {strides = array<i32>} : memref<16x1024xf32, #tpu.memory_space<vmem>>, vector<1x16xf32>,
      } {sc.loop_unroll_factor = 4 : i64, sc.parallel_access}
      %scan3A_679 = arith.constant 0 : i32
      scf.yield %scan3A_679 : i32
    }
    %scan3A_409 = arith.constant 16 : i32
    %mul3A_410 = arith.constant 64 : i32
    %mul3A_411 = arith.muli %add3A, %mul3A_410 : i32
    %add3A_412 = arith.constant 0 : i32
    %add3A_413 = arith.addi %add3A_412, %mul3A_411 : i32
    %add3A_414 = arith.constant 32 : i32
    %add3A_415 = arith.addi %add3A_413, %add3A_414 : i32
    %dma_start3A_416 = arith.constant 0 : i32
    %dma_start3A_417 = tpu.memref_slice %arg5[%add3A_415, %dma_start3A_416] : memref<8192x1024xf32, #tpu.memory_space<hbm>> -> memref<16x1024xf32, #tpu.memory_space<hbm>>
    %dma_start3A_418 = arith.constant 0 : i32
    %dma_start3A_419 = tpu.memref_slice %arg5[%add3A_415, %dma_start3A_418] : memref<8192x1024xf32, #tpu.memory_space<hbm>> -> memref<16x1024xf32, #tpu.memory_space<hbm>>
    tpu.enqueue_dma source(%arg12 : memref<16x1024xf32, #tpu.memory_space<vmem>>) target(%dma_start3A_419 : memref<16x1024xf32, #tpu.memory_space<hbm>>) target_semaphore(%arg19 : memref<!tpu.dma_semaphore, #tpu.memory_space<semaphore_mem>>)
    %dma_start3A_420 = arith.constant 3 : i32
    %dma_start3A_421 = arith.constant 2 : i32
    %dma_start3A_422 = arith.constant 0 : i32
    %dma_start3A_423 = tpu.memref_slice %arg6[%dma_start3A_420, %dma_start3A_421, %dma_start3A_422] : memref<4x4x16xi32, #tpu.memory_space<vmem>> -> memref<1x1x16xi32, #tpu.memory_space<vmem>>
    %dma_start3A_424 = tpu.memref_squeeze %dma_start3A_423 : memref<1x1x16xi32, #tpu.memory_space<vmem>> -> memref<16xi32, #tpu.memory_space<vmem>>
    %dma_start3A_425 = arith.constant 0 : i32
    %dma_start3A_426 = arith.constant 0 : i32
    %dma_start3A_427 = tpu.memref_slice %arg3[%dma_start3A_425, %dma_start3A_426] : memref<50257x1024xf32, #tpu.memory_space<hbm>> -> memref<50257x1024xf32, #tpu.memory_space<hbm>>
    tpu.enqueue_indirect_dma source(%dma_start3A_427 : memref<50257x1024xf32, #tpu.memory_space<hbm>>) target(%arg9 : memref<16x1024xf32, #tpu.memory_space<vmem>>) offsets(%dma_start3A_424 : memref<16xi32, #tpu.memory_space<vmem>>) semaphore(%arg16 : memref<!tpu.dma_semaphore, #tpu.memory_space<semaphore_mem>>)
    %dma_wait3A_428 = arith.constant 1 : i32
    %dma_wait3A_429 = arith.constant 2 : i32
    %dma_wait3A_430 = arith.constant 0 : i32
    %dma_wait3A_431 = tpu.memref_slice %arg6[%dma_wait3A_428, %dma_wait3A_429, %dma_wait3A_430] : memref<4x4x16xi32, #tpu.memory_space<vmem>> -> memref<1x1x16xi32, #tpu.memory_space<vmem>>
    %dma_wait3A_432 = tpu.memref_squeeze %dma_wait3A_431 : memref<1x1x16xi32, #tpu.memory_space<vmem>> -> memref<16xi32, #tpu.memory_space<vmem>>
    %dma_wait3A_433 = arith.constant 0 : i32
    %dma_wait3A_434 = arith.constant 0 : i32
    %dma_wait3A_435 = tpu.memref_slice %arg3[%dma_wait3A_433, %dma_wait3A_434] : memref<50257x1024xf32, #tpu.memory_space<hbm>> -> memref<50257x1024xf32, #tpu.memory_space<hbm>>
    tpu.wait_indirect_dma semaphore(%arg14 : memref<!tpu.dma_semaphore, #tpu.memory_space<semaphore_mem>>) src(%dma_wait3A_435 : memref<50257x1024xf32, #tpu.memory_space<hbm>>) dst(%arg7 : memref<16x1024xf32, #tpu.memory_space<vmem>>)
    %dma_wait3A_436 = arith.constant 0 : i32
    %dma_wait3A_437 = tpu.memref_slice %arg5[%add3A_366, %dma_wait3A_436] : memref<8192x1024xf32, #tpu.memory_space<hbm>> -> memref<16x1024xf32, #tpu.memory_space<hbm>>
    %dma_wait3A_438 = arith.constant 0 : i32
    %dma_wait3A_439 = tpu.memref_slice %arg5[%add3A_366, %dma_wait3A_438] : memref<8192x1024xf32, #tpu.memory_space<hbm>> -> memref<16x1024xf32, #tpu.memory_space<hbm>>
    tpu.wait_dma2 semaphore(%arg20 : memref<!tpu.dma_semaphore, #tpu.memory_space<semaphore_mem>>) src(%arg13 : memref<16x1024xf32, #tpu.memory_space<vmem>>) dst(%dma_wait3A_439 : memref<16x1024xf32, #tpu.memory_space<hbm>>)
    %scan3A_440 = arith.constant 0 : i32
    %scan3A_441 = arith.constant 0 : i32
    %scan3A_442 = arith.constant 16 : i32
    %scan3A_443 = arith.addi %scan3A_441, %scan3A_442 : i32
    %scan3A_444 = arith.constant 1 : i32
    %scan3A_445 = scf.for %scan3A_675 = %scan3A_441 to %scan3A_443 step %scan3A_444 iter_args(%scan3A_676 = %scan3A_440) -> (i32)  : i32 {
      %parallel_loop3A = arith.constant 0 : i32
      %parallel_loop3A_677 = arith.constant 64 : i32
      %parallel_loop3A_678 = arith.constant 1 : i32
      scf.for %parallel_loop3A_680 = %parallel_loop3A to %parallel_loop3A_677 step %parallel_loop3A_678  : i32 {
        %parallel_loop3A_681 = arith.constant 16 : i32
        %parallel_loop3A_682 = arith.muli %parallel_loop3A_680, %parallel_loop3A_681 : i32
        %parallel_loop3A_683 = arith.index_cast %scan3A_675 : i32 to index
        %parallel_loop3A_684 = arith.index_cast %parallel_loop3A_682 : i32 to index
        %parallel_loop3A_685 = tpu.vector_load %arg7[%parallel_loop3A_683, %parallel_loop3A_684] {strides = array<i32>} : memref<16x1024xf32, #tpu.memory_space<vmem>>, vector<1x16xf32>,
        %parallel_loop3A_686 = vector.shape_cast %parallel_loop3A_685 : vector<1x16xf32> to vector<16xf32>
        %parallel_loop3A_687 = arith.constant 3.200000e+01 : f32
        %parallel_loop3A_688 = vector.broadcast %parallel_loop3A_687 : f32 to vector<16xf32>
        %parallel_loop3A_689 = arith.mulf %parallel_loop3A_686, %parallel_loop3A_688 : vector<16xf32>
        %parallel_loop3A_690 = arith.index_cast %scan3A_675 : i32 to index
        %parallel_loop3A_691 = arith.index_cast %parallel_loop3A_682 : i32 to index
        %parallel_loop3A_692 = tpu.vector_load %arg10[%parallel_loop3A_690, %parallel_loop3A_691] {strides = array<i32>} : memref<16x1024xf32, #tpu.memory_space<vmem>>, vector<1x16xf32>,
        %parallel_loop3A_693 = vector.shape_cast %parallel_loop3A_692 : vector<1x16xf32> to vector<16xf32>
        %parallel_loop3A_694 = arith.addf %parallel_loop3A_689, %parallel_loop3A_693 : vector<16xf32>
        %parallel_loop3A_695 = arith.index_cast %scan3A_675 : i32 to index
        %parallel_loop3A_696 = arith.index_cast %parallel_loop3A_682 : i32 to index
        %parallel_loop3A_697 = tpu.vector_load %arg13[%parallel_loop3A_695, %parallel_loop3A_696] {strides = array<i32>} : memref<16x1024xf32, #tpu.memory_space<vmem>>, vector<1x16xf32>,
        %parallel_loop3A_698 = vector.shape_cast %parallel_loop3A_697 : vector<1x16xf32> to vector<16xf32>
        %parallel_loop3A_699 = vector.shape_cast %parallel_loop3A_694 : vector<16xf32> to vector<1x16xf32>
        tpu.vector_store %arg13[%parallel_loop3A_695, %parallel_loop3A_696], %parallel_loop3A_699 {strides = array<i32>} : memref<16x1024xf32, #tpu.memory_space<vmem>>, vector<1x16xf32>,
      } {sc.loop_unroll_factor = 4 : i64, sc.parallel_access}
      %scan3A_679 = arith.constant 0 : i32
      scf.yield %scan3A_679 : i32
    }
    %scan3A_446 = arith.constant 16 : i32
    %mul3A_447 = arith.constant 64 : i32
    %mul3A_448 = arith.muli %add3A, %mul3A_447 : i32
    %add3A_449 = arith.constant 2048 : i32
    %add3A_450 = arith.addi %add3A_449, %mul3A_448 : i32
    %add3A_451 = arith.constant 32 : i32
    %add3A_452 = arith.addi %add3A_450, %add3A_451 : i32
    %dma_start3A_453 = arith.constant 0 : i32
    %dma_start3A_454 = tpu.memref_slice %arg5[%add3A_452, %dma_start3A_453] : memref<8192x1024xf32, #tpu.memory_space<hbm>> -> memref<16x1024xf32, #tpu.memory_space<hbm>>
    %dma_start3A_455 = arith.constant 0 : i32
    %dma_start3A_456 = tpu.memref_slice %arg5[%add3A_452, %dma_start3A_455] : memref<8192x1024xf32, #tpu.memory_space<hbm>> -> memref<16x1024xf32, #tpu.memory_space<hbm>>
    tpu.enqueue_dma source(%arg13 : memref<16x1024xf32, #tpu.memory_space<vmem>>) target(%dma_start3A_456 : memref<16x1024xf32, #tpu.memory_space<hbm>>) target_semaphore(%arg20 : memref<!tpu.dma_semaphore, #tpu.memory_space<semaphore_mem>>)
    %dma_start3A_457 = arith.constant 0 : i32
    %dma_start3A_458 = arith.constant 3 : i32
    %dma_start3A_459 = arith.constant 0 : i32
    %dma_start3A_460 = tpu.memref_slice %arg6[%dma_start3A_457, %dma_start3A_458, %dma_start3A_459] : memref<4x4x16xi32, #tpu.memory_space<vmem>> -> memref<1x1x16xi32, #tpu.memory_space<vmem>>
    %dma_start3A_461 = tpu.memref_squeeze %dma_start3A_460 : memref<1x1x16xi32, #tpu.memory_space<vmem>> -> memref<16xi32, #tpu.memory_space<vmem>>
    %dma_start3A_462 = arith.constant 0 : i32
    %dma_start3A_463 = arith.constant 0 : i32
    %dma_start3A_464 = tpu.memref_slice %arg3[%dma_start3A_462, %dma_start3A_463] : memref<50257x1024xf32, #tpu.memory_space<hbm>> -> memref<50257x1024xf32, #tpu.memory_space<hbm>>
    tpu.enqueue_indirect_dma source(%dma_start3A_464 : memref<50257x1024xf32, #tpu.memory_space<hbm>>) target(%arg7 : memref<16x1024xf32, #tpu.memory_space<vmem>>) offsets(%dma_start3A_461 : memref<16xi32, #tpu.memory_space<vmem>>) semaphore(%arg14 : memref<!tpu.dma_semaphore, #tpu.memory_space<semaphore_mem>>)
    %dma_wait3A_465 = arith.constant 2 : i32
    %dma_wait3A_466 = arith.constant 2 : i32
    %dma_wait3A_467 = arith.constant 0 : i32
    %dma_wait3A_468 = tpu.memref_slice %arg6[%dma_wait3A_465, %dma_wait3A_466, %dma_wait3A_467] : memref<4x4x16xi32, #tpu.memory_space<vmem>> -> memref<1x1x16xi32, #tpu.memory_space<vmem>>
    %dma_wait3A_469 = tpu.memref_squeeze %dma_wait3A_468 : memref<1x1x16xi32, #tpu.memory_space<vmem>> -> memref<16xi32, #tpu.memory_space<vmem>>
    %dma_wait3A_470 = arith.constant 0 : i32
    %dma_wait3A_471 = arith.constant 0 : i32
    %dma_wait3A_472 = tpu.memref_slice %arg3[%dma_wait3A_470, %dma_wait3A_471] : memref<50257x1024xf32, #tpu.memory_space<hbm>> -> memref<50257x1024xf32, #tpu.memory_space<hbm>>
    tpu.wait_indirect_dma semaphore(%arg15 : memref<!tpu.dma_semaphore, #tpu.memory_space<semaphore_mem>>) src(%dma_wait3A_472 : memref<50257x1024xf32, #tpu.memory_space<hbm>>) dst(%arg8 : memref<16x1024xf32, #tpu.memory_space<vmem>>)
    %dma_wait3A_473 = arith.constant 0 : i32
    %dma_wait3A_474 = tpu.memref_slice %arg5[%add3A_415, %dma_wait3A_473] : memref<8192x1024xf32, #tpu.memory_space<hbm>> -> memref<16x1024xf32, #tpu.memory_space<hbm>>
    %dma_wait3A_475 = arith.constant 0 : i32
    %dma_wait3A_476 = tpu.memref_slice %arg5[%add3A_415, %dma_wait3A_475] : memref<8192x1024xf32, #tpu.memory_space<hbm>> -> memref<16x1024xf32, #tpu.memory_space<hbm>>
    tpu.wait_dma2 semaphore(%arg19 : memref<!tpu.dma_semaphore, #tpu.memory_space<semaphore_mem>>) src(%arg12 : memref<16x1024xf32, #tpu.memory_space<vmem>>) dst(%dma_wait3A_476 : memref<16x1024xf32, #tpu.memory_space<hbm>>)
    %scan3A_477 = arith.constant 0 : i32
    %scan3A_478 = arith.constant 0 : i32
    %scan3A_479 = arith.constant 16 : i32
    %scan3A_480 = arith.addi %scan3A_478, %scan3A_479 : i32
    %scan3A_481 = arith.constant 1 : i32
    %scan3A_482 = scf.for %scan3A_675 = %scan3A_478 to %scan3A_480 step %scan3A_481 iter_args(%scan3A_676 = %scan3A_477) -> (i32)  : i32 {
      %parallel_loop3A = arith.constant 0 : i32
      %parallel_loop3A_677 = arith.constant 64 : i32
      %parallel_loop3A_678 = arith.constant 1 : i32
      scf.for %parallel_loop3A_680 = %parallel_loop3A to %parallel_loop3A_677 step %parallel_loop3A_678  : i32 {
        %parallel_loop3A_681 = arith.constant 16 : i32
        %parallel_loop3A_682 = arith.muli %parallel_loop3A_680, %parallel_loop3A_681 : i32
        %parallel_loop3A_683 = arith.index_cast %scan3A_675 : i32 to index
        %parallel_loop3A_684 = arith.index_cast %parallel_loop3A_682 : i32 to index
        %parallel_loop3A_685 = tpu.vector_load %arg8[%parallel_loop3A_683, %parallel_loop3A_684] {strides = array<i32>} : memref<16x1024xf32, #tpu.memory_space<vmem>>, vector<1x16xf32>,
        %parallel_loop3A_686 = vector.shape_cast %parallel_loop3A_685 : vector<1x16xf32> to vector<16xf32>
        %parallel_loop3A_687 = arith.constant 3.200000e+01 : f32
        %parallel_loop3A_688 = vector.broadcast %parallel_loop3A_687 : f32 to vector<16xf32>
        %parallel_loop3A_689 = arith.mulf %parallel_loop3A_686, %parallel_loop3A_688 : vector<16xf32>
        %parallel_loop3A_690 = arith.index_cast %scan3A_675 : i32 to index
        %parallel_loop3A_691 = arith.index_cast %parallel_loop3A_682 : i32 to index
        %parallel_loop3A_692 = tpu.vector_load %arg10[%parallel_loop3A_690, %parallel_loop3A_691] {strides = array<i32>} : memref<16x1024xf32, #tpu.memory_space<vmem>>, vector<1x16xf32>,
        %parallel_loop3A_693 = vector.shape_cast %parallel_loop3A_692 : vector<1x16xf32> to vector<16xf32>
        %parallel_loop3A_694 = arith.addf %parallel_loop3A_689, %parallel_loop3A_693 : vector<16xf32>
        %parallel_loop3A_695 = arith.index_cast %scan3A_675 : i32 to index
        %parallel_loop3A_696 = arith.index_cast %parallel_loop3A_682 : i32 to index
        %parallel_loop3A_697 = tpu.vector_load %arg12[%parallel_loop3A_695, %parallel_loop3A_696] {strides = array<i32>} : memref<16x1024xf32, #tpu.memory_space<vmem>>, vector<1x16xf32>,
        %parallel_loop3A_698 = vector.shape_cast %parallel_loop3A_697 : vector<1x16xf32> to vector<16xf32>
        %parallel_loop3A_699 = vector.shape_cast %parallel_loop3A_694 : vector<16xf32> to vector<1x16xf32>
        tpu.vector_store %arg12[%parallel_loop3A_695, %parallel_loop3A_696], %parallel_loop3A_699 {strides = array<i32>} : memref<16x1024xf32, #tpu.memory_space<vmem>>, vector<1x16xf32>,
      } {sc.loop_unroll_factor = 4 : i64, sc.parallel_access}
      %scan3A_679 = arith.constant 0 : i32
      scf.yield %scan3A_679 : i32
    }
    %scan3A_483 = arith.constant 16 : i32
    %mul3A_484 = arith.constant 64 : i32
    %mul3A_485 = arith.muli %add3A, %mul3A_484 : i32
    %add3A_486 = arith.constant 4096 : i32
    %add3A_487 = arith.addi %add3A_486, %mul3A_485 : i32
    %add3A_488 = arith.constant 32 : i32
    %add3A_489 = arith.addi %add3A_487, %add3A_488 : i32
    %dma_start3A_490 = arith.constant 0 : i32
    %dma_start3A_491 = tpu.memref_slice %arg5[%add3A_489, %dma_start3A_490] : memref<8192x1024xf32, #tpu.memory_space<hbm>> -> memref<16x1024xf32, #tpu.memory_space<hbm>>
    %dma_start3A_492 = arith.constant 0 : i32
    %dma_start3A_493 = tpu.memref_slice %arg5[%add3A_489, %dma_start3A_492] : memref<8192x1024xf32, #tpu.memory_space<hbm>> -> memref<16x1024xf32, #tpu.memory_space<hbm>>
    tpu.enqueue_dma source(%arg12 : memref<16x1024xf32, #tpu.memory_space<vmem>>) target(%dma_start3A_493 : memref<16x1024xf32, #tpu.memory_space<hbm>>) target_semaphore(%arg19 : memref<!tpu.dma_semaphore, #tpu.memory_space<semaphore_mem>>)
    %dma_start3A_494 = arith.constant 1 : i32
    %dma_start3A_495 = arith.constant 3 : i32
    %dma_start3A_496 = arith.constant 0 : i32
    %dma_start3A_497 = tpu.memref_slice %arg6[%dma_start3A_494, %dma_start3A_495, %dma_start3A_496] : memref<4x4x16xi32, #tpu.memory_space<vmem>> -> memref<1x1x16xi32, #tpu.memory_space<vmem>>
    %dma_start3A_498 = tpu.memref_squeeze %dma_start3A_497 : memref<1x1x16xi32, #tpu.memory_space<vmem>> -> memref<16xi32, #tpu.memory_space<vmem>>
    %dma_start3A_499 = arith.constant 0 : i32
    %dma_start3A_500 = arith.constant 0 : i32
    %dma_start3A_501 = tpu.memref_slice %arg3[%dma_start3A_499, %dma_start3A_500] : memref<50257x1024xf32, #tpu.memory_space<hbm>> -> memref<50257x1024xf32, #tpu.memory_space<hbm>>
    tpu.enqueue_indirect_dma source(%dma_start3A_501 : memref<50257x1024xf32, #tpu.memory_space<hbm>>) target(%arg8 : memref<16x1024xf32, #tpu.memory_space<vmem>>) offsets(%dma_start3A_498 : memref<16xi32, #tpu.memory_space<vmem>>) semaphore(%arg15 : memref<!tpu.dma_semaphore, #tpu.memory_space<semaphore_mem>>)
    %dma_wait3A_502 = arith.constant 3 : i32
    %dma_wait3A_503 = arith.constant 2 : i32
    %dma_wait3A_504 = arith.constant 0 : i32
    %dma_wait3A_505 = tpu.memref_slice %arg6[%dma_wait3A_502, %dma_wait3A_503, %dma_wait3A_504] : memref<4x4x16xi32, #tpu.memory_space<vmem>> -> memref<1x1x16xi32, #tpu.memory_space<vmem>>
    %dma_wait3A_506 = tpu.memref_squeeze %dma_wait3A_505 : memref<1x1x16xi32, #tpu.memory_space<vmem>> -> memref<16xi32, #tpu.memory_space<vmem>>
    %dma_wait3A_507 = arith.constant 0 : i32
    %dma_wait3A_508 = arith.constant 0 : i32
    %dma_wait3A_509 = tpu.memref_slice %arg3[%dma_wait3A_507, %dma_wait3A_508] : memref<50257x1024xf32, #tpu.memory_space<hbm>> -> memref<50257x1024xf32, #tpu.memory_space<hbm>>
    tpu.wait_indirect_dma semaphore(%arg16 : memref<!tpu.dma_semaphore, #tpu.memory_space<semaphore_mem>>) src(%dma_wait3A_509 : memref<50257x1024xf32, #tpu.memory_space<hbm>>) dst(%arg9 : memref<16x1024xf32, #tpu.memory_space<vmem>>)
    %dma_wait3A_510 = arith.constant 0 : i32
    %dma_wait3A_511 = tpu.memref_slice %arg5[%add3A_452, %dma_wait3A_510] : memref<8192x1024xf32, #tpu.memory_space<hbm>> -> memref<16x1024xf32, #tpu.memory_space<hbm>>
    %dma_wait3A_512 = arith.constant 0 : i32
    %dma_wait3A_513 = tpu.memref_slice %arg5[%add3A_452, %dma_wait3A_512] : memref<8192x1024xf32, #tpu.memory_space<hbm>> -> memref<16x1024xf32, #tpu.memory_space<hbm>>
    tpu.wait_dma2 semaphore(%arg20 : memref<!tpu.dma_semaphore, #tpu.memory_space<semaphore_mem>>) src(%arg13 : memref<16x1024xf32, #tpu.memory_space<vmem>>) dst(%dma_wait3A_513 : memref<16x1024xf32, #tpu.memory_space<hbm>>)
    %scan3A_514 = arith.constant 0 : i32
    %scan3A_515 = arith.constant 0 : i32
    %scan3A_516 = arith.constant 16 : i32
    %scan3A_517 = arith.addi %scan3A_515, %scan3A_516 : i32
    %scan3A_518 = arith.constant 1 : i32
    %scan3A_519 = scf.for %scan3A_675 = %scan3A_515 to %scan3A_517 step %scan3A_518 iter_args(%scan3A_676 = %scan3A_514) -> (i32)  : i32 {
      %parallel_loop3A = arith.constant 0 : i32
      %parallel_loop3A_677 = arith.constant 64 : i32
      %parallel_loop3A_678 = arith.constant 1 : i32
      scf.for %parallel_loop3A_680 = %parallel_loop3A to %parallel_loop3A_677 step %parallel_loop3A_678  : i32 {
        %parallel_loop3A_681 = arith.constant 16 : i32
        %parallel_loop3A_682 = arith.muli %parallel_loop3A_680, %parallel_loop3A_681 : i32
        %parallel_loop3A_683 = arith.index_cast %scan3A_675 : i32 to index
        %parallel_loop3A_684 = arith.index_cast %parallel_loop3A_682 : i32 to index
        %parallel_loop3A_685 = tpu.vector_load %arg9[%parallel_loop3A_683, %parallel_loop3A_684] {strides = array<i32>} : memref<16x1024xf32, #tpu.memory_space<vmem>>, vector<1x16xf32>,
        %parallel_loop3A_686 = vector.shape_cast %parallel_loop3A_685 : vector<1x16xf32> to vector<16xf32>
        %parallel_loop3A_687 = arith.constant 3.200000e+01 : f32
        %parallel_loop3A_688 = vector.broadcast %parallel_loop3A_687 : f32 to vector<16xf32>
        %parallel_loop3A_689 = arith.mulf %parallel_loop3A_686, %parallel_loop3A_688 : vector<16xf32>
        %parallel_loop3A_690 = arith.index_cast %scan3A_675 : i32 to index
        %parallel_loop3A_691 = arith.index_cast %parallel_loop3A_682 : i32 to index
        %parallel_loop3A_692 = tpu.vector_load %arg10[%parallel_loop3A_690, %parallel_loop3A_691] {strides = array<i32>} : memref<16x1024xf32, #tpu.memory_space<vmem>>, vector<1x16xf32>,
        %parallel_loop3A_693 = vector.shape_cast %parallel_loop3A_692 : vector<1x16xf32> to vector<16xf32>
        %parallel_loop3A_694 = arith.addf %parallel_loop3A_689, %parallel_loop3A_693 : vector<16xf32>
        %parallel_loop3A_695 = arith.index_cast %scan3A_675 : i32 to index
        %parallel_loop3A_696 = arith.index_cast %parallel_loop3A_682 : i32 to index
        %parallel_loop3A_697 = tpu.vector_load %arg13[%parallel_loop3A_695, %parallel_loop3A_696] {strides = array<i32>} : memref<16x1024xf32, #tpu.memory_space<vmem>>, vector<1x16xf32>,
        %parallel_loop3A_698 = vector.shape_cast %parallel_loop3A_697 : vector<1x16xf32> to vector<16xf32>
        %parallel_loop3A_699 = vector.shape_cast %parallel_loop3A_694 : vector<16xf32> to vector<1x16xf32>
        tpu.vector_store %arg13[%parallel_loop3A_695, %parallel_loop3A_696], %parallel_loop3A_699 {strides = array<i32>} : memref<16x1024xf32, #tpu.memory_space<vmem>>, vector<1x16xf32>,
      } {sc.loop_unroll_factor = 4 : i64, sc.parallel_access}
      %scan3A_679 = arith.constant 0 : i32
      scf.yield %scan3A_679 : i32
    }
    %scan3A_520 = arith.constant 16 : i32
    %mul3A_521 = arith.constant 64 : i32
    %mul3A_522 = arith.muli %add3A, %mul3A_521 : i32
    %add3A_523 = arith.constant 6144 : i32
    %add3A_524 = arith.addi %add3A_523, %mul3A_522 : i32
    %add3A_525 = arith.constant 32 : i32
    %add3A_526 = arith.addi %add3A_524, %add3A_525 : i32
    %dma_start3A_527 = arith.constant 0 : i32
    %dma_start3A_528 = tpu.memref_slice %arg5[%add3A_526, %dma_start3A_527] : memref<8192x1024xf32, #tpu.memory_space<hbm>> -> memref<16x1024xf32, #tpu.memory_space<hbm>>
    %dma_start3A_529 = arith.constant 0 : i32
    %dma_start3A_530 = tpu.memref_slice %arg5[%add3A_526, %dma_start3A_529] : memref<8192x1024xf32, #tpu.memory_space<hbm>> -> memref<16x1024xf32, #tpu.memory_space<hbm>>
    tpu.enqueue_dma source(%arg13 : memref<16x1024xf32, #tpu.memory_space<vmem>>) target(%dma_start3A_530 : memref<16x1024xf32, #tpu.memory_space<hbm>>) target_semaphore(%arg20 : memref<!tpu.dma_semaphore, #tpu.memory_space<semaphore_mem>>)
    %dma_start3A_531 = arith.constant 2 : i32
    %dma_start3A_532 = arith.constant 3 : i32
    %dma_start3A_533 = arith.constant 0 : i32
    %dma_start3A_534 = tpu.memref_slice %arg6[%dma_start3A_531, %dma_start3A_532, %dma_start3A_533] : memref<4x4x16xi32, #tpu.memory_space<vmem>> -> memref<1x1x16xi32, #tpu.memory_space<vmem>>
    %dma_start3A_535 = tpu.memref_squeeze %dma_start3A_534 : memref<1x1x16xi32, #tpu.memory_space<vmem>> -> memref<16xi32, #tpu.memory_space<vmem>>
    %dma_start3A_536 = arith.constant 0 : i32
    %dma_start3A_537 = arith.constant 0 : i32
    %dma_start3A_538 = tpu.memref_slice %arg3[%dma_start3A_536, %dma_start3A_537] : memref<50257x1024xf32, #tpu.memory_space<hbm>> -> memref<50257x1024xf32, #tpu.memory_space<hbm>>
    tpu.enqueue_indirect_dma source(%dma_start3A_538 : memref<50257x1024xf32, #tpu.memory_space<hbm>>) target(%arg9 : memref<16x1024xf32, #tpu.memory_space<vmem>>) offsets(%dma_start3A_535 : memref<16xi32, #tpu.memory_space<vmem>>) semaphore(%arg16 : memref<!tpu.dma_semaphore, #tpu.memory_space<semaphore_mem>>)
    %dma_wait3A_539 = arith.constant 0 : i32
    %dma_wait3A_540 = arith.constant 3 : i32
    %dma_wait3A_541 = arith.constant 0 : i32
    %dma_wait3A_542 = tpu.memref_slice %arg6[%dma_wait3A_539, %dma_wait3A_540, %dma_wait3A_541] : memref<4x4x16xi32, #tpu.memory_space<vmem>> -> memref<1x1x16xi32, #tpu.memory_space<vmem>>
    %dma_wait3A_543 = tpu.memref_squeeze %dma_wait3A_542 : memref<1x1x16xi32, #tpu.memory_space<vmem>> -> memref<16xi32, #tpu.memory_space<vmem>>
    %dma_wait3A_544 = arith.constant 0 : i32
    %dma_wait3A_545 = arith.constant 0 : i32
    %dma_wait3A_546 = tpu.memref_slice %arg3[%dma_wait3A_544, %dma_wait3A_545] : memref<50257x1024xf32, #tpu.memory_space<hbm>> -> memref<50257x1024xf32, #tpu.memory_space<hbm>>
    tpu.wait_indirect_dma semaphore(%arg14 : memref<!tpu.dma_semaphore, #tpu.memory_space<semaphore_mem>>) src(%dma_wait3A_546 : memref<50257x1024xf32, #tpu.memory_space<hbm>>) dst(%arg7 : memref<16x1024xf32, #tpu.memory_space<vmem>>)
    %dma_wait3A_547 = arith.constant 0 : i32
    %dma_wait3A_548 = tpu.memref_slice %arg4[%add3A_382, %dma_wait3A_547] : memref<2048x1024xf32, #tpu.memory_space<hbm>> -> memref<16x1024xf32, #tpu.memory_space<hbm>>
    %dma_wait3A_549 = arith.constant 0 : i32
    %dma_wait3A_550 = tpu.memref_slice %arg4[%add3A_382, %dma_wait3A_549] : memref<2048x1024xf32, #tpu.memory_space<hbm>> -> memref<16x1024xf32, #tpu.memory_space<hbm>>
    tpu.wait_dma2 semaphore(%arg18 : memref<!tpu.dma_semaphore, #tpu.memory_space<semaphore_mem>>) src(%dma_wait3A_550 : memref<16x1024xf32, #tpu.memory_space<hbm>>) dst(%arg11 : memref<16x1024xf32, #tpu.memory_space<vmem>>)
    %dma_wait3A_551 = arith.constant 0 : i32
    %dma_wait3A_552 = tpu.memref_slice %arg5[%add3A_489, %dma_wait3A_551] : memref<8192x1024xf32, #tpu.memory_space<hbm>> -> memref<16x1024xf32, #tpu.memory_space<hbm>>
    %dma_wait3A_553 = arith.constant 0 : i32
    %dma_wait3A_554 = tpu.memref_slice %arg5[%add3A_489, %dma_wait3A_553] : memref<8192x1024xf32, #tpu.memory_space<hbm>> -> memref<16x1024xf32, #tpu.memory_space<hbm>>
    tpu.wait_dma2 semaphore(%arg19 : memref<!tpu.dma_semaphore, #tpu.memory_space<semaphore_mem>>) src(%arg12 : memref<16x1024xf32, #tpu.memory_space<vmem>>) dst(%dma_wait3A_554 : memref<16x1024xf32, #tpu.memory_space<hbm>>)
    %scan3A_555 = arith.constant 0 : i32
    %scan3A_556 = arith.constant 0 : i32
    %scan3A_557 = arith.constant 16 : i32
    %scan3A_558 = arith.addi %scan3A_556, %scan3A_557 : i32
    %scan3A_559 = arith.constant 1 : i32
    %scan3A_560 = scf.for %scan3A_675 = %scan3A_556 to %scan3A_558 step %scan3A_559 iter_args(%scan3A_676 = %scan3A_555) -> (i32)  : i32 {
      %parallel_loop3A = arith.constant 0 : i32
      %parallel_loop3A_677 = arith.constant 64 : i32
      %parallel_loop3A_678 = arith.constant 1 : i32
      scf.for %parallel_loop3A_680 = %parallel_loop3A to %parallel_loop3A_677 step %parallel_loop3A_678  : i32 {
        %parallel_loop3A_681 = arith.constant 16 : i32
        %parallel_loop3A_682 = arith.muli %parallel_loop3A_680, %parallel_loop3A_681 : i32
        %parallel_loop3A_683 = arith.index_cast %scan3A_675 : i32 to index
        %parallel_loop3A_684 = arith.index_cast %parallel_loop3A_682 : i32 to index
        %parallel_loop3A_685 = tpu.vector_load %arg7[%parallel_loop3A_683, %parallel_loop3A_684] {strides = array<i32>} : memref<16x1024xf32, #tpu.memory_space<vmem>>, vector<1x16xf32>,
        %parallel_loop3A_686 = vector.shape_cast %parallel_loop3A_685 : vector<1x16xf32> to vector<16xf32>
        %parallel_loop3A_687 = arith.constant 3.200000e+01 : f32
        %parallel_loop3A_688 = vector.broadcast %parallel_loop3A_687 : f32 to vector<16xf32>
        %parallel_loop3A_689 = arith.mulf %parallel_loop3A_686, %parallel_loop3A_688 : vector<16xf32>
        %parallel_loop3A_690 = arith.index_cast %scan3A_675 : i32 to index
        %parallel_loop3A_691 = arith.index_cast %parallel_loop3A_682 : i32 to index
        %parallel_loop3A_692 = tpu.vector_load %arg11[%parallel_loop3A_690, %parallel_loop3A_691] {strides = array<i32>} : memref<16x1024xf32, #tpu.memory_space<vmem>>, vector<1x16xf32>,
        %parallel_loop3A_693 = vector.shape_cast %parallel_loop3A_692 : vector<1x16xf32> to vector<16xf32>
        %parallel_loop3A_694 = arith.addf %parallel_loop3A_689, %parallel_loop3A_693 : vector<16xf32>
        %parallel_loop3A_695 = arith.index_cast %scan3A_675 : i32 to index
        %parallel_loop3A_696 = arith.index_cast %parallel_loop3A_682 : i32 to index
        %parallel_loop3A_697 = tpu.vector_load %arg12[%parallel_loop3A_695, %parallel_loop3A_696] {strides = array<i32>} : memref<16x1024xf32, #tpu.memory_space<vmem>>, vector<1x16xf32>,
        %parallel_loop3A_698 = vector.shape_cast %parallel_loop3A_697 : vector<1x16xf32> to vector<16xf32>
        %parallel_loop3A_699 = vector.shape_cast %parallel_loop3A_694 : vector<16xf32> to vector<1x16xf32>
        tpu.vector_store %arg12[%parallel_loop3A_695, %parallel_loop3A_696], %parallel_loop3A_699 {strides = array<i32>} : memref<16x1024xf32, #tpu.memory_space<vmem>>, vector<1x16xf32>,
      } {sc.loop_unroll_factor = 4 : i64, sc.parallel_access}
      %scan3A_679 = arith.constant 0 : i32
      scf.yield %scan3A_679 : i32
    }
    %scan3A_561 = arith.constant 16 : i32
    %mul3A_562 = arith.constant 64 : i32
    %mul3A_563 = arith.muli %add3A, %mul3A_562 : i32
    %add3A_564 = arith.constant 0 : i32
    %add3A_565 = arith.addi %add3A_564, %mul3A_563 : i32
    %add3A_566 = arith.constant 48 : i32
    %add3A_567 = arith.addi %add3A_565, %add3A_566 : i32
    %dma_start3A_568 = arith.constant 0 : i32
    %dma_start3A_569 = tpu.memref_slice %arg5[%add3A_567, %dma_start3A_568] : memref<8192x1024xf32, #tpu.memory_space<hbm>> -> memref<16x1024xf32, #tpu.memory_space<hbm>>
    %dma_start3A_570 = arith.constant 0 : i32
    %dma_start3A_571 = tpu.memref_slice %arg5[%add3A_567, %dma_start3A_570] : memref<8192x1024xf32, #tpu.memory_space<hbm>> -> memref<16x1024xf32, #tpu.memory_space<hbm>>
    tpu.enqueue_dma source(%arg12 : memref<16x1024xf32, #tpu.memory_space<vmem>>) target(%dma_start3A_571 : memref<16x1024xf32, #tpu.memory_space<hbm>>) target_semaphore(%arg19 : memref<!tpu.dma_semaphore, #tpu.memory_space<semaphore_mem>>)
    %dma_start3A_572 = arith.constant 3 : i32
    %dma_start3A_573 = arith.constant 3 : i32
    %dma_start3A_574 = arith.constant 0 : i32
    %dma_start3A_575 = tpu.memref_slice %arg6[%dma_start3A_572, %dma_start3A_573, %dma_start3A_574] : memref<4x4x16xi32, #tpu.memory_space<vmem>> -> memref<1x1x16xi32, #tpu.memory_space<vmem>>
    %dma_start3A_576 = tpu.memref_squeeze %dma_start3A_575 : memref<1x1x16xi32, #tpu.memory_space<vmem>> -> memref<16xi32, #tpu.memory_space<vmem>>
    %dma_start3A_577 = arith.constant 0 : i32
    %dma_start3A_578 = arith.constant 0 : i32
    %dma_start3A_579 = tpu.memref_slice %arg3[%dma_start3A_577, %dma_start3A_578] : memref<50257x1024xf32, #tpu.memory_space<hbm>> -> memref<50257x1024xf32, #tpu.memory_space<hbm>>
    tpu.enqueue_indirect_dma source(%dma_start3A_579 : memref<50257x1024xf32, #tpu.memory_space<hbm>>) target(%arg7 : memref<16x1024xf32, #tpu.memory_space<vmem>>) offsets(%dma_start3A_576 : memref<16xi32, #tpu.memory_space<vmem>>) semaphore(%arg14 : memref<!tpu.dma_semaphore, #tpu.memory_space<semaphore_mem>>)
    %dma_wait3A_580 = arith.constant 1 : i32
    %dma_wait3A_581 = arith.constant 3 : i32
    %dma_wait3A_582 = arith.constant 0 : i32
    %dma_wait3A_583 = tpu.memref_slice %arg6[%dma_wait3A_580, %dma_wait3A_581, %dma_wait3A_582] : memref<4x4x16xi32, #tpu.memory_space<vmem>> -> memref<1x1x16xi32, #tpu.memory_space<vmem>>
    %dma_wait3A_584 = tpu.memref_squeeze %dma_wait3A_583 : memref<1x1x16xi32, #tpu.memory_space<vmem>> -> memref<16xi32, #tpu.memory_space<vmem>>
    %dma_wait3A_585 = arith.constant 0 : i32
    %dma_wait3A_586 = arith.constant 0 : i32
    %dma_wait3A_587 = tpu.memref_slice %arg3[%dma_wait3A_585, %dma_wait3A_586] : memref<50257x1024xf32, #tpu.memory_space<hbm>> -> memref<50257x1024xf32, #tpu.memory_space<hbm>>
    tpu.wait_indirect_dma semaphore(%arg15 : memref<!tpu.dma_semaphore, #tpu.memory_space<semaphore_mem>>) src(%dma_wait3A_587 : memref<50257x1024xf32, #tpu.memory_space<hbm>>) dst(%arg8 : memref<16x1024xf32, #tpu.memory_space<vmem>>)
    %dma_wait3A_588 = arith.constant 0 : i32
    %dma_wait3A_589 = tpu.memref_slice %arg5[%add3A_526, %dma_wait3A_588] : memref<8192x1024xf32, #tpu.memory_space<hbm>> -> memref<16x1024xf32, #tpu.memory_space<hbm>>
    %dma_wait3A_590 = arith.constant 0 : i32
    %dma_wait3A_591 = tpu.memref_slice %arg5[%add3A_526, %dma_wait3A_590] : memref<8192x1024xf32, #tpu.memory_space<hbm>> -> memref<16x1024xf32, #tpu.memory_space<hbm>>
    tpu.wait_dma2 semaphore(%arg20 : memref<!tpu.dma_semaphore, #tpu.memory_space<semaphore_mem>>) src(%arg13 : memref<16x1024xf32, #tpu.memory_space<vmem>>) dst(%dma_wait3A_591 : memref<16x1024xf32, #tpu.memory_space<hbm>>)
    %scan3A_592 = arith.constant 0 : i32
    %scan3A_593 = arith.constant 0 : i32
    %scan3A_594 = arith.constant 16 : i32
    %scan3A_595 = arith.addi %scan3A_593, %scan3A_594 : i32
    %scan3A_596 = arith.constant 1 : i32
    %scan3A_597 = scf.for %scan3A_675 = %scan3A_593 to %scan3A_595 step %scan3A_596 iter_args(%scan3A_676 = %scan3A_592) -> (i32)  : i32 {
      %parallel_loop3A = arith.constant 0 : i32
      %parallel_loop3A_677 = arith.constant 64 : i32
      %parallel_loop3A_678 = arith.constant 1 : i32
      scf.for %parallel_loop3A_680 = %parallel_loop3A to %parallel_loop3A_677 step %parallel_loop3A_678  : i32 {
        %parallel_loop3A_681 = arith.constant 16 : i32
        %parallel_loop3A_682 = arith.muli %parallel_loop3A_680, %parallel_loop3A_681 : i32
        %parallel_loop3A_683 = arith.index_cast %scan3A_675 : i32 to index
        %parallel_loop3A_684 = arith.index_cast %parallel_loop3A_682 : i32 to index
        %parallel_loop3A_685 = tpu.vector_load %arg8[%parallel_loop3A_683, %parallel_loop3A_684] {strides = array<i32>} : memref<16x1024xf32, #tpu.memory_space<vmem>>, vector<1x16xf32>,
        %parallel_loop3A_686 = vector.shape_cast %parallel_loop3A_685 : vector<1x16xf32> to vector<16xf32>
        %parallel_loop3A_687 = arith.constant 3.200000e+01 : f32
        %parallel_loop3A_688 = vector.broadcast %parallel_loop3A_687 : f32 to vector<16xf32>
        %parallel_loop3A_689 = arith.mulf %parallel_loop3A_686, %parallel_loop3A_688 : vector<16xf32>
        %parallel_loop3A_690 = arith.index_cast %scan3A_675 : i32 to index
        %parallel_loop3A_691 = arith.index_cast %parallel_loop3A_682 : i32 to index
        %parallel_loop3A_692 = tpu.vector_load %arg11[%parallel_loop3A_690, %parallel_loop3A_691] {strides = array<i32>} : memref<16x1024xf32, #tpu.memory_space<vmem>>, vector<1x16xf32>,
        %parallel_loop3A_693 = vector.shape_cast %parallel_loop3A_692 : vector<1x16xf32> to vector<16xf32>
        %parallel_loop3A_694 = arith.addf %parallel_loop3A_689, %parallel_loop3A_693 : vector<16xf32>
        %parallel_loop3A_695 = arith.index_cast %scan3A_675 : i32 to index
        %parallel_loop3A_696 = arith.index_cast %parallel_loop3A_682 : i32 to index
        %parallel_loop3A_697 = tpu.vector_load %arg13[%parallel_loop3A_695, %parallel_loop3A_696] {strides = array<i32>} : memref<16x1024xf32, #tpu.memory_space<vmem>>, vector<1x16xf32>,
        %parallel_loop3A_698 = vector.shape_cast %parallel_loop3A_697 : vector<1x16xf32> to vector<16xf32>
        %parallel_loop3A_699 = vector.shape_cast %parallel_loop3A_694 : vector<16xf32> to vector<1x16xf32>
        tpu.vector_store %arg13[%parallel_loop3A_695, %parallel_loop3A_696], %parallel_loop3A_699 {strides = array<i32>} : memref<16x1024xf32, #tpu.memory_space<vmem>>, vector<1x16xf32>,
      } {sc.loop_unroll_factor = 4 : i64, sc.parallel_access}
      %scan3A_679 = arith.constant 0 : i32
      scf.yield %scan3A_679 : i32
    }
    %scan3A_598 = arith.constant 16 : i32
    %mul3A_599 = arith.constant 64 : i32
    %mul3A_600 = arith.muli %add3A, %mul3A_599 : i32
    %add3A_601 = arith.constant 2048 : i32
    %add3A_602 = arith.addi %add3A_601, %mul3A_600 : i32
    %add3A_603 = arith.constant 48 : i32
    %add3A_604 = arith.addi %add3A_602, %add3A_603 : i32
    %dma_start3A_605 = arith.constant 0 : i32
    %dma_start3A_606 = tpu.memref_slice %arg5[%add3A_604, %dma_start3A_605] : memref<8192x1024xf32, #tpu.memory_space<hbm>> -> memref<16x1024xf32, #tpu.memory_space<hbm>>
    %dma_start3A_607 = arith.constant 0 : i32
    %dma_start3A_608 = tpu.memref_slice %arg5[%add3A_604, %dma_start3A_607] : memref<8192x1024xf32, #tpu.memory_space<hbm>> -> memref<16x1024xf32, #tpu.memory_space<hbm>>
    tpu.enqueue_dma source(%arg13 : memref<16x1024xf32, #tpu.memory_space<vmem>>) target(%dma_start3A_608 : memref<16x1024xf32, #tpu.memory_space<hbm>>) target_semaphore(%arg20 : memref<!tpu.dma_semaphore, #tpu.memory_space<semaphore_mem>>)
    %dma_wait3A_609 = arith.constant 2 : i32
    %dma_wait3A_610 = arith.constant 3 : i32
    %dma_wait3A_611 = arith.constant 0 : i32
    %dma_wait3A_612 = tpu.memref_slice %arg6[%dma_wait3A_609, %dma_wait3A_610, %dma_wait3A_611] : memref<4x4x16xi32, #tpu.memory_space<vmem>> -> memref<1x1x16xi32, #tpu.memory_space<vmem>>
    %dma_wait3A_613 = tpu.memref_squeeze %dma_wait3A_612 : memref<1x1x16xi32, #tpu.memory_space<vmem>> -> memref<16xi32, #tpu.memory_space<vmem>>
    %dma_wait3A_614 = arith.constant 0 : i32
    %dma_wait3A_615 = arith.constant 0 : i32
    %dma_wait3A_616 = tpu.memref_slice %arg3[%dma_wait3A_614, %dma_wait3A_615] : memref<50257x1024xf32, #tpu.memory_space<hbm>> -> memref<50257x1024xf32, #tpu.memory_space<hbm>>
    tpu.wait_indirect_dma semaphore(%arg16 : memref<!tpu.dma_semaphore, #tpu.memory_space<semaphore_mem>>) src(%dma_wait3A_616 : memref<50257x1024xf32, #tpu.memory_space<hbm>>) dst(%arg9 : memref<16x1024xf32, #tpu.memory_space<vmem>>)
    %dma_wait3A_617 = arith.constant 0 : i32
    %dma_wait3A_618 = tpu.memref_slice %arg5[%add3A_567, %dma_wait3A_617] : memref<8192x1024xf32, #tpu.memory_space<hbm>> -> memref<16x1024xf32, #tpu.memory_space<hbm>>
    %dma_wait3A_619 = arith.constant 0 : i32
    %dma_wait3A_620 = tpu.memref_slice %arg5[%add3A_567, %dma_wait3A_619] : memref<8192x1024xf32, #tpu.memory_space<hbm>> -> memref<16x1024xf32, #tpu.memory_space<hbm>>
    tpu.wait_dma2 semaphore(%arg19 : memref<!tpu.dma_semaphore, #tpu.memory_space<semaphore_mem>>) src(%arg12 : memref<16x1024xf32, #tpu.memory_space<vmem>>) dst(%dma_wait3A_620 : memref<16x1024xf32, #tpu.memory_space<hbm>>)
    %scan3A_621 = arith.constant 0 : i32
    %scan3A_622 = arith.constant 0 : i32
    %scan3A_623 = arith.constant 16 : i32
    %scan3A_624 = arith.addi %scan3A_622, %scan3A_623 : i32
    %scan3A_625 = arith.constant 1 : i32
    %scan3A_626 = scf.for %scan3A_675 = %scan3A_622 to %scan3A_624 step %scan3A_625 iter_args(%scan3A_676 = %scan3A_621) -> (i32)  : i32 {
      %parallel_loop3A = arith.constant 0 : i32
      %parallel_loop3A_677 = arith.constant 64 : i32
      %parallel_loop3A_678 = arith.constant 1 : i32
      scf.for %parallel_loop3A_680 = %parallel_loop3A to %parallel_loop3A_677 step %parallel_loop3A_678  : i32 {
        %parallel_loop3A_681 = arith.constant 16 : i32
        %parallel_loop3A_682 = arith.muli %parallel_loop3A_680, %parallel_loop3A_681 : i32
        %parallel_loop3A_683 = arith.index_cast %scan3A_675 : i32 to index
        %parallel_loop3A_684 = arith.index_cast %parallel_loop3A_682 : i32 to index
        %parallel_loop3A_685 = tpu.vector_load %arg9[%parallel_loop3A_683, %parallel_loop3A_684] {strides = array<i32>} : memref<16x1024xf32, #tpu.memory_space<vmem>>, vector<1x16xf32>,
        %parallel_loop3A_686 = vector.shape_cast %parallel_loop3A_685 : vector<1x16xf32> to vector<16xf32>
        %parallel_loop3A_687 = arith.constant 3.200000e+01 : f32
        %parallel_loop3A_688 = vector.broadcast %parallel_loop3A_687 : f32 to vector<16xf32>
        %parallel_loop3A_689 = arith.mulf %parallel_loop3A_686, %parallel_loop3A_688 : vector<16xf32>
        %parallel_loop3A_690 = arith.index_cast %scan3A_675 : i32 to index
        %parallel_loop3A_691 = arith.index_cast %parallel_loop3A_682 : i32 to index
        %parallel_loop3A_692 = tpu.vector_load %arg11[%parallel_loop3A_690, %parallel_loop3A_691] {strides = array<i32>} : memref<16x1024xf32, #tpu.memory_space<vmem>>, vector<1x16xf32>,
        %parallel_loop3A_693 = vector.shape_cast %parallel_loop3A_692 : vector<1x16xf32> to vector<16xf32>
        %parallel_loop3A_694 = arith.addf %parallel_loop3A_689, %parallel_loop3A_693 : vector<16xf32>
        %parallel_loop3A_695 = arith.index_cast %scan3A_675 : i32 to index
        %parallel_loop3A_696 = arith.index_cast %parallel_loop3A_682 : i32 to index
        %parallel_loop3A_697 = tpu.vector_load %arg12[%parallel_loop3A_695, %parallel_loop3A_696] {strides = array<i32>} : memref<16x1024xf32, #tpu.memory_space<vmem>>, vector<1x16xf32>,
        %parallel_loop3A_698 = vector.shape_cast %parallel_loop3A_697 : vector<1x16xf32> to vector<16xf32>
        %parallel_loop3A_699 = vector.shape_cast %parallel_loop3A_694 : vector<16xf32> to vector<1x16xf32>
        tpu.vector_store %arg12[%parallel_loop3A_695, %parallel_loop3A_696], %parallel_loop3A_699 {strides = array<i32>} : memref<16x1024xf32, #tpu.memory_space<vmem>>, vector<1x16xf32>,
      } {sc.loop_unroll_factor = 4 : i64, sc.parallel_access}
      %scan3A_679 = arith.constant 0 : i32
      scf.yield %scan3A_679 : i32
    }
    %scan3A_627 = arith.constant 16 : i32
    %mul3A_628 = arith.constant 64 : i32
    %mul3A_629 = arith.muli %add3A, %mul3A_628 : i32
    %add3A_630 = arith.constant 4096 : i32
    %add3A_631 = arith.addi %add3A_630, %mul3A_629 : i32
    %add3A_632 = arith.constant 48 : i32
    %add3A_633 = arith.addi %add3A_631, %add3A_632 : i32
    %dma_start3A_634 = arith.constant 0 : i32
    %dma_start3A_635 = tpu.memref_slice %arg5[%add3A_633, %dma_start3A_634] : memref<8192x1024xf32, #tpu.memory_space<hbm>> -> memref<16x1024xf32, #tpu.memory_space<hbm>>
    %dma_start3A_636 = arith.constant 0 : i32
    %dma_start3A_637 = tpu.memref_slice %arg5[%add3A_633, %dma_start3A_636] : memref<8192x1024xf32, #tpu.memory_space<hbm>> -> memref<16x1024xf32, #tpu.memory_space<hbm>>
    tpu.enqueue_dma source(%arg12 : memref<16x1024xf32, #tpu.memory_space<vmem>>) target(%dma_start3A_637 : memref<16x1024xf32, #tpu.memory_space<hbm>>) target_semaphore(%arg19 : memref<!tpu.dma_semaphore, #tpu.memory_space<semaphore_mem>>)
    %dma_wait3A_638 = arith.constant 3 : i32
    %dma_wait3A_639 = arith.constant 3 : i32
    %dma_wait3A_640 = arith.constant 0 : i32
    %dma_wait3A_641 = tpu.memref_slice %arg6[%dma_wait3A_638, %dma_wait3A_639, %dma_wait3A_640] : memref<4x4x16xi32, #tpu.memory_space<vmem>> -> memref<1x1x16xi32, #tpu.memory_space<vmem>>
    %dma_wait3A_642 = tpu.memref_squeeze %dma_wait3A_641 : memref<1x1x16xi32, #tpu.memory_space<vmem>> -> memref<16xi32, #tpu.memory_space<vmem>>
    %dma_wait3A_643 = arith.constant 0 : i32
    %dma_wait3A_644 = arith.constant 0 : i32
    %dma_wait3A_645 = tpu.memref_slice %arg3[%dma_wait3A_643, %dma_wait3A_644] : memref<50257x1024xf32, #tpu.memory_space<hbm>> -> memref<50257x1024xf32, #tpu.memory_space<hbm>>
    tpu.wait_indirect_dma semaphore(%arg14 : memref<!tpu.dma_semaphore, #tpu.memory_space<semaphore_mem>>) src(%dma_wait3A_645 : memref<50257x1024xf32, #tpu.memory_space<hbm>>) dst(%arg7 : memref<16x1024xf32, #tpu.memory_space<vmem>>)
    %dma_wait3A_646 = arith.constant 0 : i32
    %dma_wait3A_647 = tpu.memref_slice %arg5[%add3A_604, %dma_wait3A_646] : memref<8192x1024xf32, #tpu.memory_space<hbm>> -> memref<16x1024xf32, #tpu.memory_space<hbm>>
    %dma_wait3A_648 = arith.constant 0 : i32
    %dma_wait3A_649 = tpu.memref_slice %arg5[%add3A_604, %dma_wait3A_648] : memref<8192x1024xf32, #tpu.memory_space<hbm>> -> memref<16x1024xf32, #tpu.memory_space<hbm>>
    tpu.wait_dma2 semaphore(%arg20 : memref<!tpu.dma_semaphore, #tpu.memory_space<semaphore_mem>>) src(%arg13 : memref<16x1024xf32, #tpu.memory_space<vmem>>) dst(%dma_wait3A_649 : memref<16x1024xf32, #tpu.memory_space<hbm>>)
    %scan3A_650 = arith.constant 0 : i32
    %scan3A_651 = arith.constant 0 : i32
    %scan3A_652 = arith.constant 16 : i32
    %scan3A_653 = arith.addi %scan3A_651, %scan3A_652 : i32
    %scan3A_654 = arith.constant 1 : i32
    %scan3A_655 = scf.for %scan3A_675 = %scan3A_651 to %scan3A_653 step %scan3A_654 iter_args(%scan3A_676 = %scan3A_650) -> (i32)  : i32 {
      %parallel_loop3A = arith.constant 0 : i32
      %parallel_loop3A_677 = arith.constant 64 : i32
      %parallel_loop3A_678 = arith.constant 1 : i32
      scf.for %parallel_loop3A_680 = %parallel_loop3A to %parallel_loop3A_677 step %parallel_loop3A_678  : i32 {
        %parallel_loop3A_681 = arith.constant 16 : i32
        %parallel_loop3A_682 = arith.muli %parallel_loop3A_680, %parallel_loop3A_681 : i32
        %parallel_loop3A_683 = arith.index_cast %scan3A_675 : i32 to index
        %parallel_loop3A_684 = arith.index_cast %parallel_loop3A_682 : i32 to index
        %parallel_loop3A_685 = tpu.vector_load %arg7[%parallel_loop3A_683, %parallel_loop3A_684] {strides = array<i32>} : memref<16x1024xf32, #tpu.memory_space<vmem>>, vector<1x16xf32>,
        %parallel_loop3A_686 = vector.shape_cast %parallel_loop3A_685 : vector<1x16xf32> to vector<16xf32>
        %parallel_loop3A_687 = arith.constant 3.200000e+01 : f32
        %parallel_loop3A_688 = vector.broadcast %parallel_loop3A_687 : f32 to vector<16xf32>
        %parallel_loop3A_689 = arith.mulf %parallel_loop3A_686, %parallel_loop3A_688 : vector<16xf32>
        %parallel_loop3A_690 = arith.index_cast %scan3A_675 : i32 to index
        %parallel_loop3A_691 = arith.index_cast %parallel_loop3A_682 : i32 to index
        %parallel_loop3A_692 = tpu.vector_load %arg11[%parallel_loop3A_690, %parallel_loop3A_691] {strides = array<i32>} : memref<16x1024xf32, #tpu.memory_space<vmem>>, vector<1x16xf32>,
        %parallel_loop3A_693 = vector.shape_cast %parallel_loop3A_692 : vector<1x16xf32> to vector<16xf32>
        %parallel_loop3A_694 = arith.addf %parallel_loop3A_689, %parallel_loop3A_693 : vector<16xf32>
        %parallel_loop3A_695 = arith.index_cast %scan3A_675 : i32 to index
        %parallel_loop3A_696 = arith.index_cast %parallel_loop3A_682 : i32 to index
        %parallel_loop3A_697 = tpu.vector_load %arg13[%parallel_loop3A_695, %parallel_loop3A_696] {strides = array<i32>} : memref<16x1024xf32, #tpu.memory_space<vmem>>, vector<1x16xf32>,
        %parallel_loop3A_698 = vector.shape_cast %parallel_loop3A_697 : vector<1x16xf32> to vector<16xf32>
        %parallel_loop3A_699 = vector.shape_cast %parallel_loop3A_694 : vector<16xf32> to vector<1x16xf32>
        tpu.vector_store %arg13[%parallel_loop3A_695, %parallel_loop3A_696], %parallel_loop3A_699 {strides = array<i32>} : memref<16x1024xf32, #tpu.memory_space<vmem>>, vector<1x16xf32>,
      } {sc.loop_unroll_factor = 4 : i64, sc.parallel_access}
      %scan3A_679 = arith.constant 0 : i32
      scf.yield %scan3A_679 : i32
    }
    %scan3A_656 = arith.constant 16 : i32
    %mul3A_657 = arith.constant 64 : i32
    %mul3A_658 = arith.muli %add3A, %mul3A_657 : i32
    %add3A_659 = arith.constant 6144 : i32
    %add3A_660 = arith.addi %add3A_659, %mul3A_658 : i32
    %add3A_661 = arith.constant 48 : i32
    %add3A_662 = arith.addi %add3A_660, %add3A_661 : i32
    %dma_start3A_663 = arith.constant 0 : i32
    %dma_start3A_664 = tpu.memref_slice %arg5[%add3A_662, %dma_start3A_663] : memref<8192x1024xf32, #tpu.memory_space<hbm>> -> memref<16x1024xf32, #tpu.memory_space<hbm>>
    %dma_start3A_665 = arith.constant 0 : i32
    %dma_start3A_666 = tpu.memref_slice %arg5[%add3A_662, %dma_start3A_665] : memref<8192x1024xf32, #tpu.memory_space<hbm>> -> memref<16x1024xf32, #tpu.memory_space<hbm>>
    tpu.enqueue_dma source(%arg13 : memref<16x1024xf32, #tpu.memory_space<vmem>>) target(%dma_start3A_666 : memref<16x1024xf32, #tpu.memory_space<hbm>>) target_semaphore(%arg20 : memref<!tpu.dma_semaphore, #tpu.memory_space<semaphore_mem>>)
    %dma_wait3A_667 = arith.constant 0 : i32
    %dma_wait3A_668 = tpu.memref_slice %arg5[%add3A_633, %dma_wait3A_667] : memref<8192x1024xf32, #tpu.memory_space<hbm>> -> memref<16x1024xf32, #tpu.memory_space<hbm>>
    %dma_wait3A_669 = arith.constant 0 : i32
    %dma_wait3A_670 = tpu.memref_slice %arg5[%add3A_633, %dma_wait3A_669] : memref<8192x1024xf32, #tpu.memory_space<hbm>> -> memref<16x1024xf32, #tpu.memory_space<hbm>>
    tpu.wait_dma2 semaphore(%arg19 : memref<!tpu.dma_semaphore, #tpu.memory_space<semaphore_mem>>) src(%arg12 : memref<16x1024xf32, #tpu.memory_space<vmem>>) dst(%dma_wait3A_670 : memref<16x1024xf32, #tpu.memory_space<hbm>>)
    %dma_wait3A_671 = arith.constant 0 : i32
    %dma_wait3A_672 = tpu.memref_slice %arg5[%add3A_662, %dma_wait3A_671] : memref<8192x1024xf32, #tpu.memory_space<hbm>> -> memref<16x1024xf32, #tpu.memory_space<hbm>>
    %dma_wait3A_673 = arith.constant 0 : i32
    %dma_wait3A_674 = tpu.memref_slice %arg5[%add3A_662, %dma_wait3A_673] : memref<8192x1024xf32, #tpu.memory_space<hbm>> -> memref<16x1024xf32, #tpu.memory_space<hbm>>
    tpu.wait_dma2 semaphore(%arg20 : memref<!tpu.dma_semaphore, #tpu.memory_space<semaphore_mem>>) src(%arg13 : memref<16x1024xf32, #tpu.memory_space<vmem>>) dst(%dma_wait3A_674 : memref<16x1024xf32, #tpu.memory_space<hbm>>)
    return
  }
}

</mosaic_0001>

<sc_bundles>
// kernel: kernel.3.cloned.1.call-start
scs
__scs_entry_jumppad:
0x0: {  	(pc) =	sbr.rel $0x88, $3  }
0x1: {  	(tag) =	ssettag $0x0;
	lr =	simm.s32 $0x1  }
0x2: {  	[smem:$0x3F9E] =	sst lr;
	_ =	strace $0xD0000000  }
0x3: {  	_ = 	snop  }
0x4: {  	_ = 	snop  }
0x5: {  	_ = 	snop  }
0x6: {  	_ = 	snop  }
0x7: {  	_ = 	snop  }
__scs_overlays_trampoline_lowered:
0x8: {  	[smem:$0x3FAD] =	sst s0  }
0x9: {  	[smem:$0x3FAE] =	sst s1  }
0xa: {  	[smem:$0x3FAF] =	sst s2  }
0xb: {  	[smem:$0x3FB0] =	sst s3  }
0xc: {  	[smem:$0x3FB1] =	sst s4  }
0xd: {  	[smem:$0x3FB2] =	sst s5  }
0xe: {  	[smem:$0x3FB3] =	sst s6  }
0xf: {  	[smem:$0x3FB4] =	sst s7  }
0x10: {  	[smem:$0x3FB5] =	sst s8  }
0x11: {  	[smem:$0x3FB6] =	sst s9;
	s0 =	simm.s32 @!p0 $0x0  }
0x12: {  	s1 =	sld [smem:$0x3F9C];
	s0 =	simm.s32 @p0 $0x1  }
0x13: {  	[smem:$0x3FB7] =	sst s0;
	s0 =	simm.s32 @!p1 $0x0  }
0x14: {  	s2 =	sld [smem:$0x3F9B];
	s0 =	simm.s32 @p1 $0x1  }
0x15: {  	[smem:$0x3FB8] =	sst s0;
	s0 =	simm.s32 @!p2 $0x0  }
0x16: {  	s3 =	sld [smem:$0x3FDB];
	s0 =	simm.s32 @p2 $0x1  }
0x17: {  	s4 =	simm.s32 $0x1BF5;
	[smem:$0x3FBA] =	sst s0  }
0x18: {  	s0 =	sld [smem:$0x3F9D];
	_ =	swait.ge [sflag:s4], $0x0  }
0x19: {  	s7 =	sld [smem:$0x3F9E]  }
0x1a: {  	s8 =	sadd.s32 $0xFFFFE003, lr  }
0x1b: {  	s9 =	sadd.s32 $0xFFFFFEF7, lr;
	s5 =	simm.s32 $0xFFFFFFFF;
	p2 =	slt.u32 s8, $0xFFFFF086  }
0x1c: {  	p1 =	slt.u32 s9, $0xF7A;
	s5 =	simm.s32 @!p2 $0x0  }
0x1d: {  	s5 =	simm.s32 @p1 $0x1;
	p0 =	seq.s32 s7, s2  }
0x1e: {  	s7 =	smul.u32 @!p0 $0xF7A, s2;
	p2 =	seq.s32 @!p0 s5, $0x0  }
0x1f: {  	s9 =	smul.u32 $0xF7A, s1;
	s8 =	simm.s32 @!p0 $0x1BF5;
	p2 =	por !p2, p0  }
0x20: {  	[sflag:s8] =	ssyncset.s32 @!p0 $0xFFFFF086;
	s6 =	sadd.s32 @!p0 s3, s7;
	s7 =	simm.s32 @!p0 $0x108  }
0x21: {  	s3 =	sadd.s32 s3, s9;
	s6 =	sadd.s32 @!p0 $0x88, s6;
	s7 =	simm.s32 @p2 $0x1082  }
0x22: {  	[simem:s7], [sflag:s8] =	dma.local @!p0 [hbm:s6], $0xF7A  }
0x23: {  	s9 =	sor.u32 $0xD0000000, s2;
	s6 =	simm.s32 $0x108;
	_ =	swait.ge @!p0 [sflag:s8], $0x0  }
0x24: {  	s3 =	sadd.s32 $0x88, s3;
	s6 =	simm.s32 @!p1 $0x1082;
	[sflag:s4] =	ssyncset.s32 $0xFFFFF086  }
0x25: {  	[simem:s6], [sflag:s4] =	dma.local [hbm:s3], $0xF7A  }
0x26: {  	[smem:$0x3F9E] =	sst s1;
	(tag) =	ssettag s2;
	_ =	strace s9  }
0x27: {  	s1 =	sld [smem:$0x3FAE]  }
0x28: {  	s2 =	sld [smem:$0x3FAF]  }
0x29: {  	s4 =	sld [smem:$0x3FB1]  }
0x2a: {  	p0 =	seq.s32 s5, $0x0;
	s5 =	sld [smem:$0x3FB2]  }
0x2b: {  	s6 =	sld [smem:$0x3FB3]  }
0x2c: {  	s7 =	sld [smem:$0x3FB4]  }
0x2d: {  	s3 =	simm.s32 $0x108;
	s8 =	sld [smem:$0x3FB5]  }
0x2e: {  	s3 =	simm.s32 @!p0 $0x1082;
	s9 =	sld [smem:$0x3FB6]  }
0x2f: {  	lr =	sadd.s32 s0, s3;
	s0 =	sld [smem:$0x3FAD]  }
0x30: {  	s3 =	sld [smem:$0x3FB0]  }
0x31: {  	[smem:$0x3FB9] =	sst s10  }
0x32: {  	s10 =	sld [smem:$0x3FB7];
	_ =	sdelay $0x3  }
0x33: {  	p0 =	seq.s32 s10, $0x1;
	s10 =	sld [smem:$0x3FB9];
	_ =	sdelay $0x3  }
0x34: {  	[smem:$0x3FB9] =	sst s10  }
0x35: {  	s10 =	sld [smem:$0x3FB8];
	_ =	sdelay $0x3  }
0x36: {  	p1 =	seq.s32 s10, $0x1;
	s10 =	sld [smem:$0x3FB9];
	_ =	sdelay $0x3  }
0x37: {  	[smem:$0x3FB9] =	sst s10  }
0x38: {  	s10 =	sld [smem:$0x3FBA]  }
0x39: {  	_ = 	snop;
	(pc) =	sbr.ind lr, $3  }
0x3a: {  	_ = 	snop  }
0x3b: {  	_ = 	snop  }
0x3c: {  	p2 =	seq.s32 s10, $0x1;
	s10 =	sld [smem:$0x3FB9]  }
0x3d: {  	_ =	shalt  }
0x3e: {  	_ =	shalt  }
0x3f: {  	_ =	shalt  }
0x40: {  	_ =	shalt  }
0x41: {  	_ =	shalt  }
0x42: {  	_ =	shalt  }
0x43: {  	_ =	shalt  }
0x44: {  	_ =	shalt  }
0x45: {  	_ =	shalt  }
0x46: {  	_ =	shalt  }
0x47: {  	_ =	shalt  }
0x48: {  	_ =	shalt  }
0x49: {  	_ =	shalt  }
0x4a: {  	_ =	shalt  }
0x4b: {  	_ =	shalt  }
0x4c: {  	_ =	shalt  }
0x4d: {  	_ =	shalt  }
0x4e: {  	_ =	shalt  }
0x4f: {  	_ =	shalt  }
0x50: {  	_ =	shalt  }
0x51: {  	_ =	shalt  }
0x52: {  	_ =	shalt  }
0x53: {  	_ =	shalt  }
0x54: {  	_ =	shalt  }
0x55: {  	_ =	shalt  }
0x56: {  	_ =	shalt  }
0x57: {  	_ =	shalt  }
0x58: {  	_ =	shalt  }
0x59: {  	_ =	shalt  }
0x5a: {  	_ =	shalt  }
0x5b: {  	_ =	shalt  }
0x5c: {  	_ =	shalt  }
0x5d: {  	_ =	shalt  }
0x5e: {  	_ =	shalt  }
0x5f: {  	_ =	shalt  }
0x60: {  	_ =	shalt  }
0x61: {  	_ =	shalt  }
0x62: {  	_ =	shalt  }
0x63: {  	_ =	shalt  }
0x64: {  	_ =	shalt  }
0x65: {  	_ =	shalt  }
0x66: {  	_ =	shalt  }
0x67: {  	_ =	shalt  }
0x68: {  	_ =	shalt  }
0x69: {  	_ =	shalt  }
0x6a: {  	_ =	shalt  }
0x6b: {  	_ =	shalt  }
0x6c: {  	_ =	shalt  }
0x6d: {  	_ =	shalt  }
0x6e: {  	_ =	shalt  }
0x6f: {  	_ =	shalt  }
0x70: {  	_ =	shalt  }
0x71: {  	_ =	shalt  }
0x72: {  	_ =	shalt  }
0x73: {  	_ =	shalt  }
0x74: {  	_ =	shalt  }
0x75: {  	_ =	shalt  }
0x76: {  	_ =	shalt  }
0x77: {  	_ =	shalt  }
0x78: {  	_ =	shalt  }
0x79: {  	_ =	shalt  }
0x7a: {  	_ =	shalt  }
0x7b: {  	_ =	shalt  }
0x7c: {  	_ =	shalt  }
0x7d: {  	_ =	shalt  }
0x7e: {  	_ =	shalt  }
0x7f: {  	_ =	shalt  }
0x80: {  	_ =	shalt  }
0x81: {  	_ =	shalt  }
0x82: {  	_ =	shalt  }
0x83: {  	_ =	shalt  }
0x84: {  	_ =	shalt  }
0x85: {  	_ =	shalt  }
0x86: {  	_ =	shalt  }
0x87: {  	_ =	shalt  }
.Lfunc_end0:
.L_simem_size_0:
called_computation_lowered:
.L_overlay_start_0:
0x88: {  	s2 =	sld [smem:$0x3FD9]  }
0x89: {  	s3 =	sld [smem:$0x3FFE];
	_ =	sdelay $0x1  }
0x8a: {  	s1 =	srdreg.scid  }
0x8b: {  	s0 =	sand.u32 $0x1, s1  }
0x8c: {  	s17 =	sshll.u32 s0, $0xA;
	s2 =	sadd.s32 s3, s2  }
0x8d: {  	s2 =	sadd.s32 s2, s17  }
0x8e: {  	[smem:$0x3FC5] =	sst s2  }
0x8f: {  	_ = 	snop  }
0x90: {  	s2 =	sld [smem:$0x3FC8]  }
0x91: {  	s18 =	sld [smem:$0x3FC7]  }
0x92: {  	s4 =	sld [smem:$0x3FD0];
	(tm) =	ssettm $0x1  }
0x93: {  	s5 =	sld [smem:$0x3FFB];
	_ =	sdelay $0x3  }
0x94: {  	_ =	strace s5  }
0x95: {  	s5 =	sld [smem:$0x3FFC];
	_ =	sdelay $0x3  }
0x96: {  	_ =	strace s5  }
0x97: {  	s5 =	sld [smem:$0x3FFD];
	_ =	sdelay $0x3  }
0x98: {  	_ =	strace s5  }
0x99: {  	_ =	strace $0x8FFFFFFF  }
0x9a: {  	s19 =	sld [smem:$0x3FDB];
	_ =	sdelay $0x1  }
0x9b: {  	s6 =	simm.s32 $_scs_section_size  }
0x9c: {  	s7 =	simm.s32 $_size__tile_overlayer_lowered;
	s8 =	simm.s32 $_tile_overlayer_lowered  }
0x9d: {  	s22 =	simm.s32 $0x1BFF;
	s21 =	sshll.u32 s8, $0x1;
	s5 =	sadd.s32 s6, s19  }
0x9e: {  	s9 =	simm.s32 $0x0;
	s20 =	sshll.u32 s7, $0x1;
	s7 =	sadd.s32 s21, s5  }
0x9f: {  	[timem:s9], [sflag:s22] =	dma.local [hbm:s7], s20  }
0xa0: {  	_ =	swait.ge [sflag:s22], s20  }
0xa1: {  	s6 =	ssub.s32 $0x0, s20;
	[sflag:s22] =	ssyncset.done $0x0  }
0xa2: {  	[sflag:s22] =	ssyncadd.s32 s6;
	_ =	sdelay $0x1  }
0xa3: {  	s23 =	simm.s32 $0x1B8B  }
0xa4: {  	_ =	swait.ge [sflag:s23], $0x1  }
0xa5: {  	[sflag:s23] =	ssyncset.done $0x0  }
0xa6: {  	s25 =	simm.s32 $0x1B8E;
	s24 =	sld [smem:$0x3FFE];
	[sflag:s23] =	ssyncadd.s32 $0xFFFFFFFF  }
0xa7: {  	s26 =	simm.s32 $execute0_lowered;
	[smem:$0x3FD2] =	sst s25  }
0xa8: {  	s7 =	sshll.u32 s26, $0x1;
	_ =	strace $0x80000046;
	[dreg:$0x1] =	wrdreg $0xFFFFFFFF  }
0xa9: {  	s28 =	simm.s32 $_size_execute0_lowered;
	s5 =	sadd.s32 s5, s7;
	[dreg:$0x0] =	wrdreg $0x0  }
0xaa: {  	s7 =	sshll.u32 s28, $0x1;
	[dreg:$0x2] =	wrdreg s5  }
0xab: {  	[dreg:$0x3] =	wrdreg s7  }
0xac: {  	[dreg:$0x4] =	wrdreg $0xC0  }
0xad: {  	_ =	task [dreg:s9], $0x5FFFF  }
0xae: {  	[dreg:$0x1] =	wrdreg $0xFFFFFFFF  }
0xaf: {  	[dreg:$0x0] =	wrdreg $0x60  }
0xb0: {  	[dreg:$0x2] =	wrdreg s24  }
0xb1: {  	[dreg:$0x3] =	wrdreg s2  }
0xb2: {  	[dreg:$0x4] =	wrdreg s18  }
0xb3: {  	[dreg:$0x5] =	wrdreg s4  }
0xb4: {  	[dreg:$0x6] =	wrdreg $0x9  }
0xb5: {  	_ =	task.clear_ibuf [dreg:s9], $0x7FFFF;
	_ =	strace $0x90000046  }
0xb6: {  	s29 =	simm.s32 $0x9;
	_ =	strace $0x80000048  }
0xb7: {  	_ =	swait.ge [sflag:s29], $0x1  }
0xb8: {  	[sflag:s29] =	ssyncadd.s32 $0xFFFFFFFF  }
0xb9: {  	_ =	strace $0x90000048  }
0xba: {  	_ =	sfence  }
0xbb: {  	s30 =	sld [smem:$0x0];
	_ =	sdelay $0x2  }
0xbc: {  	s31 =	sshll.u32 s1, $0xD;
	s1 =	sshrl.u32 s1, $0x2  }
0xbd: {  	s3 =	sand.u32 $0x4000, s31;
	s1 =	sadd.s32 s1, s30  }
0xbe: {  	s0 =	sor.u32 s3, s0;
	s1 =	sshll.u32 s1, $0x11  }
0xbf: {  	s0 =	sor.u32 s1, s0  }
0xc0: {  	s0 =	sadd.s32 $0x8F2B, s0  }
0xc1: {  	[sflag:s0] =	ssyncadd.remote.s32 $0x1  }
0xc2: {  	_ =	sfence.sel $0xFFFF  }
0xc3: {  	[dreg:$0x0] =	wrdreg $0xFFFFFFFF;
	(pc) =	sbr.abs _section_cstart, $3  }
0xc4: {  	[dreg:$0x1] =	wrdreg $0xFFFFFFFF  }
0xc5: {  	_ =	task.clear_ibuf [dreg:s9], $0x2FFFF;
	_ =	strace $0x9FFFFFFF  }
0xc6: {  	(tm) =	ssettm $0x7FFFFFFF  }
0xc7: {  	_ =	shalt  }
tec
execute0_lowered:
.L_overlay_start_1:
0x0: {  	(tag) =	ssettag $0x1  }
0x1: {  	s0 =	rddreg [dreg:$0x0]  }
0x2: {  	s1 =	rddreg [dreg:$0x1]  }
0x3: {  	s2 =	rddreg [dreg:$0x2]  }
0x4: {  	s4 =	rddreg [dreg:$0x3];
	s3 =	srdreg.scid  }
0x5: {  	s8 =	stileid.u32;
	s5 =	sand.u32 $0x1, s3;
	s3 =	simm.s32 $0x0  }
0x6: {  	s7 =	sshll.u32 s8, $0x7;
	s8 =	sshll.u32 s8, $0xE;
	s6 =	sshll.u32 s5, $0x6  }
0x7: {  	[smem:$0x7FF] =	sst s3;
	s10 =	ssub.s32 $0x2, s5;
	s5 =	sshll.u32 s5, $0xD  }
0x8: {  	s6 =	sor.u32 s6, s7;
	_ =	strace $0x80000047;
	s5 =	sor.u32 s5, s8  }
0x9: {  	s11 =	sshrl.u32 s10, $0x1;
	s0 =	sadd.s32 s6, s0;
	s13 =	sadd.s32 s2, s5  }
0xa: {  	s9 =	ssub.s32 s10, s11;
	s11 =	sadd.s32 s4, s5;
	[dreg:$0x6] =	wrdreg s13  }
0xb: {  	s12 =	sadd.s32 $0x400, s0;
	[dreg:$0xa] =	wrdreg s11  }
0xc: {  	s10 =	sadd.s32 $0xC00, s0;
	[dreg:$0x5] =	wrdreg s12  }
0xd: {  	s14 =	sor.u32 $0x800, s5;
	s0 =	sadd.s32 $0x1400, s0;
	[dreg:$0x7] =	wrdreg s10  }
0xe: {  	s15 =	sadd.s32 s2, s14;
	[dreg:$0x8] =	wrdreg s0  }
0xf: {  	s16 =	sadd.s32 $0x40000, s11;
	[dreg:$0x9] =	wrdreg s15  }
0x10: {  	s18 =	sor.u32 $0x1000, s5;
	s17 =	sadd.s32 $0x80000, s11;
	[dreg:$0xb] =	wrdreg s16  }
0x11: {  	s19 =	sadd.s32 s2, s18;
	[dreg:$0xc] =	wrdreg s17  }
0x12: {  	s20 =	sadd.s32 $0x40800, s11;
	[dreg:$0xe] =	wrdreg s19  }
0x13: {  	s21 =	sadd.s32 $0x80800, s11;
	[dreg:$0x10] =	wrdreg s20  }
0x14: {  	s5 =	sor.u32 $0x1800, s5;
	s22 =	sadd.s32 $0xC0800, s11;
	[dreg:$0x11] =	wrdreg s21  }
0x15: {  	s2 =	sadd.s32 s2, s5;
	[dreg:$0x12] =	wrdreg s22  }
0x16: {  	s7 =	sadd.s32 $0x200, s1;
	s23 =	sadd.s32 s4, s5;
	[dreg:$0x13] =	wrdreg s2  }
0x17: {  	s8 =	sadd.s32 $0x300, s1;
	s24 =	sadd.s32 $0x41000, s11;
	[dreg:$0x15] =	wrdreg s23  }
0x18: {  	s6 =	sadd.s32 $0x100, s1;
	s25 =	smax.u32 s9, $0x1;
	[dreg:$0x16] =	wrdreg s24  }
0x19: {  	s26 =	sadd.s32 $0x81000, s11;
	s28 =	sadd.s32 $0xC1000, s11;
	[dreg:$0x17] =	wrdreg s25  }
0x1a: {  	s29 =	sadd.s32 $0x41800, s11;
	s30 =	sadd.s32 $0x81800, s11;
	[dreg:$0x18] =	wrdreg s26  }
0x1b: {  	s31 =	sadd.s32 $0xC1800, s11;
	s5 =	simm.s32 $0x1800;
	[dreg:$0x19] =	wrdreg s28  }
0x1c: {  	s9 =	simm.s32 $0x2000;
	s13 =	simm.s32 $0x3800;
	[dreg:$0x1a] =	wrdreg s29  }
0x1d: {  	s12 =	sadd.s32 $0xC0000, s11;
	s10 =	sadd.s32 s4, s14;
	[dreg:$0x1b] =	wrdreg s30  }
0x1e: {  	s0 =	sadd.s32 s4, s18;
	[dreg:$0x1c] =	wrdreg s31;
	s11 =	simm.s32 $0x3000  }
0x1f: {  	s14 =	simm.s32 $0x4000;
	s23 =	simm.s32 $0x1;
	s15 =	simm.s32 $0x4  }
0x20: {  	s16 =	simm.s32 $0x14800;
	s17 =	simm.s32 $0x2;
	s18 =	simm.s32 $0x18800  }
0x21: {  	v2 =	vlaneseq.u32;
	s19 =	simm.s32 $0x3;
	s20 =	simm.s32 $0x6;
	[dreg:$0xd] =	wrdreg s12  }
0x22: {  	vm0 =	vmmov $0xffff;
	v1 =	vshrl.u32 v2, $0x3;
	s21 =	simm.s32 $0x7;
	s22 =	simm.s32 $0x5;
	[dreg:$0xf] =	wrdreg s10  }
0x23: {  	v0 =	vand.u32 $0x7, v2;
	v2 =	vor.u32 $0x8, v2;
	v1 =	vmul.u32 $0x8, v1;
	s24 =	simm.s32 $0x0;
	[dreg:$0x14] =	wrdreg s0;
	s10 =	simm.s32 $0x2800  }
.LBB2_1:
0x24: {  	s0 =	rddreg [dreg:$0x5];
	s2 =	simm.s32 $0x9  }
0x25: {  	[tilespmem:s3], [sflag:$0x9] =	stream.linear.gather [hbm4b:s0+s3], $0x200, $0x38;
	[tilespmem:$0x1C800] =	vst v63  }
0x26: {  	_ =	swait.ge [sflag:s2], $0x200  }
0x27: {  	[sflag:s2] =	ssyncset.done $0x0  }
0x28: {  	s4 =	simm.s32 $0xC800;
	s31 =	rddreg [dreg:$0x6];
	[sflag:s2] =	ssyncadd.s32 $0xFFFFFE00  }
0x29: {  	[tilespmem:s4], [sflag:$0x4] =	stream.linear.gather [hbm4b:s31+s3], $0x4000, $0x38;
	[tilespmem:$0x1C800] =	vst v63  }
0x2a: {  	v3 =	vld [tilespmem:$0x0];
	_ =	sdelay $0x4  }
0x2b: {  	v4 =	vshll.u32 v3, $0x3  }
0x2c: {  	v3 =	vand.u32 $0x7, v3;
	v4 =	vand.u32 $0xFFFFFFC0, v4  }
0x2d: {  	v3 =	vor.u32 v3, v4  }
0x2e: {  	v4 =	vperm.xlane v3, v0;
	_ =	sdelay $0x1  }
0x2f: {  	v4 =	vadd.s32 v1, v4;
	_ =	sdelay $0x3  }
0x30: {  	s12 =	simm.s32 $0x800  }
0x31: {  	[tilespmem:s12], [sflag:$0x1] =	stream.indirect_vreg.gather [hbm4b:s1+s3], $0x80, v4, vm0, $0xb8;
	[tilespmem:$0x1C800] =	vst v63  }
0x32: {  	s25 =	simm.s32 $0x1000;
	v3 =	vperm.xlane v3, v2  }
0x33: {  	[tilespmem:s25], [sflag:$0x1] =	stream.indirect_vreg.gather [hbm4b:s6+s3], $0x80, v4, vm0, $0xb8;
	[tilespmem:$0x1C800] =	vst v63  }
0x34: {  	v3 =	vadd.s32 v1, v3  }
0x35: {  	[tilespmem:s5], [sflag:$0x1] =	stream.indirect_vreg.gather [hbm4b:s7+s3], $0x80, v4, vm0, $0xb8;
	[tilespmem:$0x1C800] =	vst v63  }
0x36: {  	_ = 	snop  }
0x37: {  	[tilespmem:s9], [sflag:$0x1] =	stream.indirect_vreg.gather [hbm4b:s8+s3], $0x80, v4, vm0, $0xb8;
	[tilespmem:$0x1C800] =	vst v63  }
0x38: {  	_ = 	snop  }
0x39: {  	[tilespmem:s10], [sflag:$0x1] =	stream.indirect_vreg.gather [hbm4b:s1+s3], $0x80, v3, vm0, $0xb8;
	[tilespmem:$0x1C800] =	vst v63  }
0x3a: {  	_ = 	snop  }
0x3b: {  	[tilespmem:s11], [sflag:$0x1] =	stream.indirect_vreg.gather [hbm4b:s6+s3], $0x80, v3, vm0, $0xb8;
	[tilespmem:$0x1C800] =	vst v63  }
0x3c: {  	_ = 	snop  }
0x3d: {  	[tilespmem:s13], [sflag:$0x1] =	stream.indirect_vreg.gather [hbm4b:s7+s3], $0x80, v3, vm0, $0xb8;
	[tilespmem:$0x1C800] =	vst v63  }
0x3e: {  	_ = 	snop  }
0x3f: {  	[tilespmem:s14], [sflag:$0x1] =	stream.indirect_vreg.gather [hbm4b:s8+s3], $0x80, v3, vm0, $0xb8;
	[tilespmem:$0x1C800] =	vst v63  }
0x40: {  	s26 =	rddreg [dreg:$0x7];
	s4 =	simm.s32 $0x200  }
0x41: {  	[tilespmem:s4], [sflag:$0x9] =	stream.linear.gather [hbm4b:s26+s3], $0x200, $0x38;
	[tilespmem:$0x1C800] =	vst v63  }
0x42: {  	_ =	swait.ge [sflag:s2], $0x200  }
0x43: {  	[sflag:s2] =	ssyncset.done $0x0  }
0x44: {  	[sflag:s2] =	ssyncadd.s32 $0xFFFFFE00  }
0x45: {  	v3 =	vld [tilespmem:$0x200];
	_ =	sdelay $0x4  }
0x46: {  	v62 =	vshll.u32 v3, $0x3  }
0x47: {  	v3 =	vand.u32 $0x7, v3;
	v4 =	vand.u32 $0xFFFFFFC0, v62  }
0x48: {  	v3 =	vor.u32 v3, v4  }
0x49: {  	v4 =	vperm.xlane v3, v0;
	_ =	sdelay $0x1  }
0x4a: {  	v4 =	vadd.s32 v1, v4;
	_ =	sdelay $0x3  }
0x4b: {  	s28 =	simm.s32 $0x4800  }
0x4c: {  	[tilespmem:s28], [sflag:$0x2] =	stream.indirect_vreg.gather [hbm4b:s1+s3], $0x80, v4, vm0, $0xb8;
	[tilespmem:$0x1C800] =	vst v63  }
0x4d: {  	s29 =	simm.s32 $0x5000;
	v3 =	vperm.xlane v3, v2  }
0x4e: {  	[tilespmem:s29], [sflag:$0x2] =	stream.indirect_vreg.gather [hbm4b:s6+s3], $0x80, v4, vm0, $0xb8;
	[tilespmem:$0x1C800] =	vst v63  }
0x4f: {  	s30 =	simm.s32 $0x5800;
	v3 =	vadd.s32 v1, v3  }
0x50: {  	[tilespmem:s30], [sflag:$0x2] =	stream.indirect_vreg.gather [hbm4b:s7+s3], $0x80, v4, vm0, $0xb8;
	[tilespmem:$0x1C800] =	vst v63  }
0x51: {  	s31 =	simm.s32 $0x6000  }
0x52: {  	[tilespmem:s31], [sflag:$0x2] =	stream.indirect_vreg.gather [hbm4b:s8+s3], $0x80, v4, vm0, $0xb8;
	[tilespmem:$0x1C800] =	vst v63  }
0x53: {  	s2 =	simm.s32 $0x6800  }
0x54: {  	[tilespmem:s2], [sflag:$0x2] =	stream.indirect_vreg.gather [hbm4b:s1+s3], $0x80, v3, vm0, $0xb8;
	[tilespmem:$0x1C800] =	vst v63  }
0x55: {  	s12 =	simm.s32 $0x7000  }
0x56: {  	[tilespmem:s12], [sflag:$0x2] =	stream.indirect_vreg.gather [hbm4b:s6+s3], $0x80, v3, vm0, $0xb8;
	[tilespmem:$0x1C800] =	vst v63  }
0x57: {  	s25 =	simm.s32 $0x7800  }
0x58: {  	[tilespmem:s25], [sflag:$0x2] =	stream.indirect_vreg.gather [hbm4b:s7+s3], $0x80, v3, vm0, $0xb8;
	[tilespmem:$0x1C800] =	vst v63  }
0x59: {  	s26 =	simm.s32 $0x8000  }
0x5a: {  	[tilespmem:s26], [sflag:$0x2] =	stream.indirect_vreg.gather [hbm4b:s8+s3], $0x80, v3, vm0, $0xb8;
	[tilespmem:$0x1C800] =	vst v63  }
0x5b: {  	s28 =	rddreg [dreg:$0x8];
	s29 =	simm.s32 $0x400  }
0x5c: {  	[tilespmem:s29], [sflag:$0x8] =	stream.strided.gather [hbm4b:s28+s4], $0x400, s14, s4, $0x38;
	[tilespmem:$0x1C800] =	vst v63  }
0x5d: {  	s30 =	rddreg [dreg:$0x9];
	s31 =	simm.s32 $0x10800;
	s2 =	simm.s32 $0x8  }
0x5e: {  	[tilespmem:s31], [sflag:$0x5] =	stream.linear.gather [hbm4b:s30+s3], $0x4000, $0x38;
	[tilespmem:$0x1C800] =	vst v63  }
0x5f: {  	_ =	swait.ge [sflag:s2], $0x400  }
0x60: {  	[sflag:s2] =	ssyncset.done $0x0  }
0x61: {  	[sflag:s2] =	ssyncadd.s32 $0xFFFFFC00  }
0x62: {  	v3 =	vld [tilespmem:$0x400];
	_ =	sdelay $0x4  }
0x63: {  	v63 =	vshll.u32 v3, $0x3  }
0x64: {  	v3 =	vand.u32 $0x7, v3;
	v4 =	vand.u32 $0xFFFFFFC0, v63  }
0x65: {  	v3 =	vor.u32 v3, v4  }
0x66: {  	v4 =	vperm.xlane v3, v0;
	_ =	sdelay $0x1  }
0x67: {  	v4 =	vadd.s32 v1, v4;
	_ =	sdelay $0x3  }
0x68: {  	s4 =	simm.s32 $0x8800  }
0x69: {  	[tilespmem:s4], [sflag:$0x3] =	stream.indirect_vreg.gather [hbm4b:s1+s3], $0x80, v4, vm0, $0xb8;
	[tilespmem:$0x1C800] =	vst v63  }
0x6a: {  	s12 =	simm.s32 $0x9000;
	v3 =	vperm.xlane v3, v2  }
0x6b: {  	[tilespmem:s12], [sflag:$0x3] =	stream.indirect_vreg.gather [hbm4b:s6+s3], $0x80, v4, vm0, $0xb8;
	[tilespmem:$0x1C800] =	vst v63  }
0x6c: {  	s25 =	simm.s32 $0x9800;
	v3 =	vadd.s32 v1, v3  }
0x6d: {  	[tilespmem:s25], [sflag:$0x3] =	stream.indirect_vreg.gather [hbm4b:s7+s3], $0x80, v4, vm0, $0xb8;
	[tilespmem:$0x1C800] =	vst v63  }
0x6e: {  	s26 =	simm.s32 $0xA000  }
0x6f: {  	[tilespmem:s26], [sflag:$0x3] =	stream.indirect_vreg.gather [hbm4b:s8+s3], $0x80, v4, vm0, $0xb8;
	[tilespmem:$0x1C800] =	vst v63  }
0x70: {  	s28 =	simm.s32 $0xA800  }
0x71: {  	[tilespmem:s28], [sflag:$0x3] =	stream.indirect_vreg.gather [hbm4b:s1+s3], $0x80, v3, vm0, $0xb8;
	[tilespmem:$0x1C800] =	vst v63  }
0x72: {  	s29 =	simm.s32 $0xB000  }
0x73: {  	[tilespmem:s29], [sflag:$0x3] =	stream.indirect_vreg.gather [hbm4b:s6+s3], $0x80, v3, vm0, $0xb8;
	[tilespmem:$0x1C800] =	vst v63  }
0x74: {  	s30 =	simm.s32 $0xB800  }
0x75: {  	[tilespmem:s30], [sflag:$0x3] =	stream.indirect_vreg.gather [hbm4b:s7+s3], $0x80, v3, vm0, $0xb8;
	[tilespmem:$0x1C800] =	vst v63  }
0x76: {  	s31 =	simm.s32 $0xC000  }
0x77: {  	[tilespmem:s31], [sflag:$0x3] =	stream.indirect_vreg.gather [hbm4b:s8+s3], $0x80, v3, vm0, $0xb8;
	[tilespmem:$0x1C800] =	vst v63  }
0x78: {  	_ =	swait.ge [sflag:s23], $0x4000  }
0x79: {  	[sflag:s23] =	ssyncset.done $0x0  }
0x7a: {  	[sflag:s23] =	ssyncadd.s32 $0xFFFFC000  }
0x7b: {  	_ =	swait.ge [sflag:s15], $0x4000  }
0x7c: {  	[sflag:s15] =	ssyncset.done $0x0  }
0x7d: {  	s25 =	simm.s32 $0x0;
	[sflag:s15] =	ssyncadd.s32 $0xFFFFC000  }
.LBB2_2:
0x7e: {  	s0 =	sshll.u32 s25, $0xA;
	s12 =	sshll.u32 s25, $0x7  }
0x7f: {  	s26 =	simm.s32 $0x0;
	s0 =	sand.u32 $0x2000, s0;
	s12 =	sand.u32 $0x380, s12  }
0x80: {  	s29 =	sor.u32 s0, s12;
	s12 =	sand.u32 $0x40, s26  }
0x81: {  	s26 =	sand.u32 $0x1C00, s26;
	s0 =	sor.u32 s12, s29  }
0x82: {  	s26 =	sor.u32 s26, s0  }
0x83: {  	v3 =	vld [tilespmem:s26+$0x830]  }
0x84: {  	v4 =	vld [tilespmem:s26+$0x800]  }
0x85: {  	v5 =	vld [tilespmem:s26+$0xC830]  }
0x86: {  	v6 =	vld [tilespmem:s26+$0x810]  }
0x87: {  	s2 =	simm.s32 $0x40;
	v8 =	vld [tilespmem:s26+$0x820]  }
0x88: {  	s30 =	simm.s32 $0x200;
	s0 =	sand.u32 $0x40, s2;
	v9 =	vld [tilespmem:s26+$0xC800]  }
0x89: {  	s4 =	sand.u32 $0x1C00, s30;
	s0 =	sor.u32 s0, s29;
	v10 =	vld [tilespmem:s26+$0xC810]  }
0x8a: {  	v11 =	vld [tilespmem:s26+$0xC820];
	s28 =	sor.u32 s4, s0;
	v3 =	vmul.f32 $3.200000000e+01, v3  }
0x8b: {  	v7 =	vld [tilespmem:s28+$0x830];
	v4 =	vmul.f32 $3.200000000e+01, v4  }
0x8c: {  	v6 =	vmul.f32 $3.200000000e+01, v6;
	v12 =	vadd.f32 v5, v3;
	v3 =	vld [tilespmem:s28+$0x800]  }
0x8d: {  	v8 =	vmul.f32 $3.200000000e+01, v8;
	v13 =	vadd.f32 v9, v4;
	v5 =	vld [tilespmem:s28+$0xC830]  }
0x8e: {  	v4 =	vld [tilespmem:s28+$0x810];
	v9 =	vadd.f32 v10, v6;
	[tilespmem:s26+$0x14830] =	vst v12  }
0x8f: {  	s31 =	simm.s32 $0x4;
	s12 =	simm.s32 $0x80;
	v6 =	vld [tilespmem:s28+$0x820];
	v8 =	vadd.f32 v11, v8;
	[tilespmem:s26+$0x14800] =	vst v13  }
.LBB2_3:
0x90: {  	s0 =	sand.u32 $0x40, s12;
	s31 =	sadd.s32 $0x4, s31;
	v10 =	vld [tilespmem:s28+$0xC800];
	v7 =	vmul.f32 $3.200000000e+01, v7;
	s30 =	sadd.s32 $0x200, s30;
	[tilespmem:s26+$0x14810] =	vst v9  }
0x91: {  	s2 =	sand.u32 $0x1C00, s30;
	s0 =	sor.u32 s0, s29;
	p0 =	slt.u32 s31, $0x3C;
	v9 =	vmul.f32 $3.200000000e+01, v3;
	v11 =	vld [tilespmem:s28+$0xC810];
	[tilespmem:s26+$0x14820] =	vst v8  }
0x92: {  	s26 =	smov.u32 s28;
	v8 =	vld [tilespmem:s28+$0xC820];
	v5 =	vadd.f32 v5, v7;
	s28 =	sor.u32 s2, s0  }
.Ltmp0:
0x93: {  	v7 =	vld [tilespmem:s28+$0x830];
	v12 =	vmul.f32 $3.200000000e+01, v4;
	(pc) =	sbr.rel @p0 .LBB2_3-.Ltmp0, $4  }
0x94: {  	v3 =	vld [tilespmem:s28+$0x800];
	v13 =	vmul.f32 $3.200000000e+01, v6;
	[tilespmem:s26+$0x14830] =	vst v5  }
0x95: {  	v5 =	vld [tilespmem:s28+$0xC830];
	v10 =	vadd.f32 v10, v9  }
0x96: {  	v4 =	vld [tilespmem:s28+$0x810];
	v9 =	vadd.f32 v11, v12  }
0x97: {  	s12 =	sadd.s32 $0x40, s12;
	v6 =	vld [tilespmem:s28+$0x820];
	[tilespmem:s26+$0x14800] =	vst v10;
	v8 =	vadd.f32 v8, v13  }
0x98: {  	v10 =	vld [tilespmem:s28+$0xC800]  }
0x99: {  	v11 =	vld [tilespmem:s28+$0xC810]  }
0x9a: {  	v7 =	vmul.f32 $3.200000000e+01, v7;
	v12 =	vld [tilespmem:s28+$0xC820]  }
0x9b: {  	s25 =	sadd.s32 $0x1, s25;
	v3 =	vmul.f32 $3.200000000e+01, v3  }
0x9c: {  	[tilespmem:s26+$0x14810] =	vst v9;
	p0 =	sne.s32 s25, $0x10;
	v5 =	vadd.f32 v5, v7;
	v4 =	vmul.f32 $3.200000000e+01, v4  }
.Ltmp1:
0x9d: {  	[tilespmem:s26+$0x14820] =	vst v8;
	v6 =	vmul.f32 $3.200000000e+01, v6;
	v3 =	vadd.f32 v10, v3;
	(pc) =	sbr.rel @p0 .LBB2_2-.Ltmp1, $4  }
0x9e: {  	[tilespmem:s28+$0x14830] =	vst v5;
	v4 =	vadd.f32 v11, v4  }
0x9f: {  	[tilespmem:s28+$0x14800] =	vst v3;
	v3 =	vadd.f32 v12, v6  }
0xa0: {  	[tilespmem:s28+$0x14810] =	vst v4  }
0xa1: {  	[tilespmem:s28+$0x14820] =	vst v3  }
0xa2: {  	s25 =	simm.s32 $0x0;
	s0 =	rddreg [dreg:$0xa]  }
0xa3: {  	[hbm4b:s0+s25] =	stream.linear.scatter [tilespmem:s16], [sflag:$0x6], $0x4000, $0x38;
	[tilespmem:$0x1C800] =	vst v63  }
0xa4: {  	v3 =	vld [tilespmem:$0x600];
	_ =	sdelay $0x4  }
0xa5: {  	v4 =	vshll.u32 v3, $0x3  }
0xa6: {  	v3 =	vand.u32 $0x7, v3;
	v4 =	vand.u32 $0xFFFFFFC0, v4  }
0xa7: {  	v3 =	vor.u32 v3, v4  }
0xa8: {  	v4 =	vperm.xlane v3, v0;
	_ =	sdelay $0x1  }
0xa9: {  	v4 =	vadd.s32 v1, v4;
	_ =	sdelay $0x3  }
0xaa: {  	s30 =	simm.s32 $0x800  }
0xab: {  	[tilespmem:s30], [sflag:$0x1] =	stream.indirect_vreg.gather [hbm4b:s1+s25], $0x80, v4, vm0, $0xb8;
	[tilespmem:$0x1C800] =	vst v63  }
0xac: {  	s31 =	simm.s32 $0x1000;
	v3 =	vperm.xlane v3, v2  }
0xad: {  	[tilespmem:s31], [sflag:$0x1] =	stream.indirect_vreg.gather [hbm4b:s6+s25], $0x80, v4, vm0, $0xb8;
	[tilespmem:$0x1C800] =	vst v63  }
0xae: {  	v3 =	vadd.s32 v1, v3  }
0xaf: {  	[tilespmem:s5], [sflag:$0x1] =	stream.indirect_vreg.gather [hbm4b:s7+s25], $0x80, v4, vm0, $0xb8;
	[tilespmem:$0x1C800] =	vst v63  }
0xb0: {  	_ = 	snop  }
0xb1: {  	[tilespmem:s9], [sflag:$0x1] =	stream.indirect_vreg.gather [hbm4b:s8+s25], $0x80, v4, vm0, $0xb8;
	[tilespmem:$0x1C800] =	vst v63  }
0xb2: {  	_ = 	snop  }
0xb3: {  	[tilespmem:s10], [sflag:$0x1] =	stream.indirect_vreg.gather [hbm4b:s1+s25], $0x80, v3, vm0, $0xb8;
	[tilespmem:$0x1C800] =	vst v63  }
0xb4: {  	_ = 	snop  }
0xb5: {  	[tilespmem:s11], [sflag:$0x1] =	stream.indirect_vreg.gather [hbm4b:s6+s25], $0x80, v3, vm0, $0xb8;
	[tilespmem:$0x1C800] =	vst v63  }
0xb6: {  	_ = 	snop  }
0xb7: {  	[tilespmem:s13], [sflag:$0x1] =	stream.indirect_vreg.gather [hbm4b:s7+s25], $0x80, v3, vm0, $0xb8;
	[tilespmem:$0x1C800] =	vst v63  }
0xb8: {  	_ = 	snop  }
0xb9: {  	[tilespmem:s14], [sflag:$0x1] =	stream.indirect_vreg.gather [hbm4b:s8+s25], $0x80, v3, vm0, $0xb8;
	[tilespmem:$0x1C800] =	vst v63  }
0xba: {  	_ =	swait.ge [sflag:s17], $0x4000  }
0xbb: {  	[sflag:s17] =	ssyncset.done $0x0  }
0xbc: {  	s26 =	simm.s32 $0x0;
	[sflag:s17] =	ssyncadd.s32 $0xFFFFC000  }
.LBB2_6:
0xbd: {  	s0 =	sshll.u32 s26, $0xA;
	s2 =	sshll.u32 s26, $0x7  }
0xbe: {  	s0 =	sand.u32 $0x2000, s0;
	s2 =	sand.u32 $0x380, s2  }
0xbf: {  	s4 =	sand.u32 $0x40, s25;
	s30 =	sor.u32 s0, s2  }
0xc0: {  	s12 =	sand.u32 $0x1C00, s25;
	s0 =	sor.u32 s4, s30  }
0xc1: {  	s28 =	sor.u32 s12, s0  }
0xc2: {  	v3 =	vld [tilespmem:s28+$0x4830]  }
0xc3: {  	v4 =	vld [tilespmem:s28+$0x4800]  }
0xc4: {  	v5 =	vld [tilespmem:s28+$0xC830]  }
0xc5: {  	v6 =	vld [tilespmem:s28+$0x4810]  }
0xc6: {  	s4 =	simm.s32 $0x40;
	v8 =	vld [tilespmem:s28+$0x4820]  }
0xc7: {  	s31 =	simm.s32 $0x200;
	s0 =	sand.u32 $0x40, s4;
	v9 =	vld [tilespmem:s28+$0xC800]  }
0xc8: {  	s12 =	sand.u32 $0x1C00, s31;
	s0 =	sor.u32 s0, s30;
	v10 =	vld [tilespmem:s28+$0xC810]  }
0xc9: {  	v11 =	vld [tilespmem:s28+$0xC820];
	s29 =	sor.u32 s12, s0;
	v3 =	vmul.f32 $3.200000000e+01, v3  }
0xca: {  	v7 =	vld [tilespmem:s29+$0x4830];
	v4 =	vmul.f32 $3.200000000e+01, v4  }
0xcb: {  	v6 =	vmul.f32 $3.200000000e+01, v6;
	v12 =	vadd.f32 v5, v3;
	v3 =	vld [tilespmem:s29+$0x4800]  }
0xcc: {  	v8 =	vmul.f32 $3.200000000e+01, v8;
	v13 =	vadd.f32 v9, v4;
	v5 =	vld [tilespmem:s29+$0xC830]  }
0xcd: {  	v4 =	vld [tilespmem:s29+$0x4810];
	v9 =	vadd.f32 v10, v6;
	[tilespmem:s28+$0x18830] =	vst v12  }
0xce: {  	s12 =	simm.s32 $0x4;
	s0 =	simm.s32 $0x80;
	v6 =	vld [tilespmem:s29+$0x4820];
	v8 =	vadd.f32 v11, v8;
	[tilespmem:s28+$0x18800] =	vst v13  }
.LBB2_7:
0xcf: {  	s2 =	sand.u32 $0x40, s0;
	s12 =	sadd.s32 $0x4, s12;
	v10 =	vld [tilespmem:s29+$0xC800];
	v7 =	vmul.f32 $3.200000000e+01, v7;
	s31 =	sadd.s32 $0x200, s31;
	[tilespmem:s28+$0x18810] =	vst v9  }
0xd0: {  	s4 =	sand.u32 $0x1C00, s31;
	s2 =	sor.u32 s2, s30;
	p0 =	slt.u32 s12, $0x3C;
	v9 =	vmul.f32 $3.200000000e+01, v3;
	v11 =	vld [tilespmem:s29+$0xC810];
	[tilespmem:s28+$0x18820] =	vst v8  }
0xd1: {  	s28 =	smov.u32 s29;
	v8 =	vld [tilespmem:s29+$0xC820];
	v5 =	vadd.f32 v5, v7;
	s29 =	sor.u32 s4, s2  }
.Ltmp2:
0xd2: {  	v7 =	vld [tilespmem:s29+$0x4830];
	v12 =	vmul.f32 $3.200000000e+01, v4;
	(pc) =	sbr.rel @p0 .LBB2_7-.Ltmp2, $4  }
0xd3: {  	v3 =	vld [tilespmem:s29+$0x4800];
	v13 =	vmul.f32 $3.200000000e+01, v6;
	[tilespmem:s28+$0x18830] =	vst v5  }
0xd4: {  	v5 =	vld [tilespmem:s29+$0xC830];
	v10 =	vadd.f32 v10, v9  }
0xd5: {  	v4 =	vld [tilespmem:s29+$0x4810];
	v9 =	vadd.f32 v11, v12  }
0xd6: {  	s0 =	sadd.s32 $0x40, s0;
	v6 =	vld [tilespmem:s29+$0x4820];
	[tilespmem:s28+$0x18800] =	vst v10;
	v8 =	vadd.f32 v8, v13  }
0xd7: {  	v10 =	vld [tilespmem:s29+$0xC800]  }
0xd8: {  	v11 =	vld [tilespmem:s29+$0xC810]  }
0xd9: {  	v7 =	vmul.f32 $3.200000000e+01, v7;
	v12 =	vld [tilespmem:s29+$0xC820]  }
0xda: {  	s26 =	sadd.s32 $0x1, s26;
	v3 =	vmul.f32 $3.200000000e+01, v3  }
0xdb: {  	[tilespmem:s28+$0x18810] =	vst v9;
	p0 =	sne.s32 s26, $0x10;
	v5 =	vadd.f32 v5, v7;
	v4 =	vmul.f32 $3.200000000e+01, v4  }
.Ltmp3:
0xdc: {  	[tilespmem:s28+$0x18820] =	vst v8;
	v6 =	vmul.f32 $3.200000000e+01, v6;
	v3 =	vadd.f32 v10, v3;
	(pc) =	sbr.rel @p0 .LBB2_6-.Ltmp3, $4  }
0xdd: {  	[tilespmem:s29+$0x18830] =	vst v5;
	v4 =	vadd.f32 v11, v4  }
0xde: {  	[tilespmem:s29+$0x18800] =	vst v3;
	v3 =	vadd.f32 v12, v6  }
0xdf: {  	[tilespmem:s29+$0x18810] =	vst v4  }
0xe0: {  	[tilespmem:s29+$0x18820] =	vst v3  }
0xe1: {  	s25 =	simm.s32 $0x0;
	s0 =	rddreg [dreg:$0xb]  }
0xe2: {  	[hbm4b:s0+s25] =	stream.linear.scatter [tilespmem:s18], [sflag:$0x7], $0x4000, $0x38;
	[tilespmem:$0x1C800] =	vst v63  }
0xe3: {  	v3 =	vld [tilespmem:$0x80];
	_ =	sdelay $0x4  }
0xe4: {  	v4 =	vshll.u32 v3, $0x3  }
0xe5: {  	v3 =	vand.u32 $0x7, v3;
	v4 =	vand.u32 $0xFFFFFFC0, v4  }
0xe6: {  	v3 =	vor.u32 v3, v4  }
0xe7: {  	v4 =	vperm.xlane v3, v0;
	_ =	sdelay $0x1  }
0xe8: {  	v4 =	vadd.s32 v1, v4;
	_ =	sdelay $0x3  }
0xe9: {  	s2 =	simm.s32 $0x4800  }
0xea: {  	[tilespmem:s2], [sflag:$0x2] =	stream.indirect_vreg.gather [hbm4b:s1+s25], $0x80, v4, vm0, $0xb8;
	[tilespmem:$0x1C800] =	vst v63  }
0xeb: {  	s4 =	simm.s32 $0x5000;
	v3 =	vperm.xlane v3, v2  }
0xec: {  	[tilespmem:s4], [sflag:$0x2] =	stream.indirect_vreg.gather [hbm4b:s6+s25], $0x80, v4, vm0, $0xb8;
	[tilespmem:$0x1C800] =	vst v63  }
0xed: {  	s12 =	simm.s32 $0x5800;
	v3 =	vadd.s32 v1, v3  }
0xee: {  	[tilespmem:s12], [sflag:$0x2] =	stream.indirect_vreg.gather [hbm4b:s7+s25], $0x80, v4, vm0, $0xb8;
	[tilespmem:$0x1C800] =	vst v63  }
0xef: {  	s26 =	simm.s32 $0x6000  }
0xf0: {  	[tilespmem:s26], [sflag:$0x2] =	stream.indirect_vreg.gather [hbm4b:s8+s25], $0x80, v4, vm0, $0xb8;
	[tilespmem:$0x1C800] =	vst v63  }
0xf1: {  	s28 =	simm.s32 $0x6800  }
0xf2: {  	[tilespmem:s28], [sflag:$0x2] =	stream.indirect_vreg.gather [hbm4b:s1+s25], $0x80, v3, vm0, $0xb8;
	[tilespmem:$0x1C800] =	vst v63  }
0xf3: {  	s29 =	simm.s32 $0x7000  }
0xf4: {  	[tilespmem:s29], [sflag:$0x2] =	stream.indirect_vreg.gather [hbm4b:s6+s25], $0x80, v3, vm0, $0xb8;
	[tilespmem:$0x1C800] =	vst v63  }
0xf5: {  	s30 =	simm.s32 $0x7800  }
0xf6: {  	[tilespmem:s30], [sflag:$0x2] =	stream.indirect_vreg.gather [hbm4b:s7+s25], $0x80, v3, vm0, $0xb8;
	[tilespmem:$0x1C800] =	vst v63  }
0xf7: {  	s31 =	simm.s32 $0x8000  }
0xf8: {  	[tilespmem:s31], [sflag:$0x2] =	stream.indirect_vreg.gather [hbm4b:s8+s25], $0x80, v3, vm0, $0xb8;
	[tilespmem:$0x1C800] =	vst v63  }
0xf9: {  	_ =	swait.ge [sflag:s19], $0x4000  }
0xfa: {  	[sflag:s19] =	ssyncset.done $0x0  }
0xfb: {  	[sflag:s19] =	ssyncadd.s32 $0xFFFFC000  }
0xfc: {  	_ =	swait.ge [sflag:s20], $0x4000  }
0xfd: {  	[sflag:s20] =	ssyncset.done $0x0  }
0xfe: {  	s26 =	simm.s32 $0x0;
	[sflag:s20] =	ssyncadd.s32 $0xFFFFC000  }
.LBB2_10:
0xff: {  	s0 =	sshll.u32 s26, $0xA;
	s2 =	sshll.u32 s26, $0x7  }
0x100: {  	s0 =	sand.u32 $0x2000, s0;
	s2 =	sand.u32 $0x380, s2  }
0x101: {  	s4 =	sand.u32 $0x40, s25;
	s30 =	sor.u32 s0, s2  }
0x102: {  	s12 =	sand.u32 $0x1C00, s25;
	s0 =	sor.u32 s4, s30  }
0x103: {  	s28 =	sor.u32 s12, s0  }
0x104: {  	v3 =	vld [tilespmem:s28+$0x8830]  }
0x105: {  	v4 =	vld [tilespmem:s28+$0x8800]  }
0x106: {  	v5 =	vld [tilespmem:s28+$0xC830]  }
0x107: {  	v6 =	vld [tilespmem:s28+$0x8810]  }
0x108: {  	s4 =	simm.s32 $0x40;
	v8 =	vld [tilespmem:s28+$0x8820]  }
0x109: {  	s31 =	simm.s32 $0x200;
	s0 =	sand.u32 $0x40, s4;
	v9 =	vld [tilespmem:s28+$0xC800]  }
0x10a: {  	s12 =	sand.u32 $0x1C00, s31;
	s0 =	sor.u32 s0, s30;
	v10 =	vld [tilespmem:s28+$0xC810]  }
0x10b: {  	v11 =	vld [tilespmem:s28+$0xC820];
	s29 =	sor.u32 s12, s0;
	v3 =	vmul.f32 $3.200000000e+01, v3  }
0x10c: {  	v7 =	vld [tilespmem:s29+$0x8830];
	v4 =	vmul.f32 $3.200000000e+01, v4  }
0x10d: {  	v6 =	vmul.f32 $3.200000000e+01, v6;
	v12 =	vadd.f32 v5, v3;
	v3 =	vld [tilespmem:s29+$0x8800]  }
0x10e: {  	v8 =	vmul.f32 $3.200000000e+01, v8;
	v13 =	vadd.f32 v9, v4;
	v5 =	vld [tilespmem:s29+$0xC830]  }
0x10f: {  	v4 =	vld [tilespmem:s29+$0x8810];
	v9 =	vadd.f32 v10, v6;
	[tilespmem:s28+$0x14830] =	vst v12  }
0x110: {  	s12 =	simm.s32 $0x4;
	s0 =	simm.s32 $0x80;
	v6 =	vld [tilespmem:s29+$0x8820];
	v8 =	vadd.f32 v11, v8;
	[tilespmem:s28+$0x14800] =	vst v13  }
.LBB2_11:
0x111: {  	s2 =	sand.u32 $0x40, s0;
	s12 =	sadd.s32 $0x4, s12;
	v10 =	vld [tilespmem:s29+$0xC800];
	v7 =	vmul.f32 $3.200000000e+01, v7;
	s31 =	sadd.s32 $0x200, s31;
	[tilespmem:s28+$0x14810] =	vst v9  }
0x112: {  	s4 =	sand.u32 $0x1C00, s31;
	s2 =	sor.u32 s2, s30;
	p0 =	slt.u32 s12, $0x3C;
	v9 =	vmul.f32 $3.200000000e+01, v3;
	v11 =	vld [tilespmem:s29+$0xC810];
	[tilespmem:s28+$0x14820] =	vst v8  }
0x113: {  	s28 =	smov.u32 s29;
	v8 =	vld [tilespmem:s29+$0xC820];
	v5 =	vadd.f32 v5, v7;
	s29 =	sor.u32 s4, s2  }
.Ltmp4:
0x114: {  	v7 =	vld [tilespmem:s29+$0x8830];
	v12 =	vmul.f32 $3.200000000e+01, v4;
	(pc) =	sbr.rel @p0 .LBB2_11-.Ltmp4, $4  }
0x115: {  	v3 =	vld [tilespmem:s29+$0x8800];
	v13 =	vmul.f32 $3.200000000e+01, v6;
	[tilespmem:s28+$0x14830] =	vst v5  }
0x116: {  	v5 =	vld [tilespmem:s29+$0xC830];
	v10 =	vadd.f32 v10, v9  }
0x117: {  	v4 =	vld [tilespmem:s29+$0x8810];
	v9 =	vadd.f32 v11, v12  }
0x118: {  	s0 =	sadd.s32 $0x40, s0;
	v6 =	vld [tilespmem:s29+$0x8820];
	[tilespmem:s28+$0x14800] =	vst v10;
	v8 =	vadd.f32 v8, v13  }
0x119: {  	v10 =	vld [tilespmem:s29+$0xC800]  }
0x11a: {  	v11 =	vld [tilespmem:s29+$0xC810]  }
0x11b: {  	v7 =	vmul.f32 $3.200000000e+01, v7;
	v12 =	vld [tilespmem:s29+$0xC820]  }
0x11c: {  	s26 =	sadd.s32 $0x1, s26;
	v3 =	vmul.f32 $3.200000000e+01, v3  }
0x11d: {  	[tilespmem:s28+$0x14810] =	vst v9;
	p0 =	sne.s32 s26, $0x10;
	v5 =	vadd.f32 v5, v7;
	v4 =	vmul.f32 $3.200000000e+01, v4  }
.Ltmp5:
0x11e: {  	[tilespmem:s28+$0x14820] =	vst v8;
	v6 =	vmul.f32 $3.200000000e+01, v6;
	v3 =	vadd.f32 v10, v3;
	(pc) =	sbr.rel @p0 .LBB2_10-.Ltmp5, $4  }
0x11f: {  	[tilespmem:s29+$0x14830] =	vst v5;
	v4 =	vadd.f32 v11, v4  }
0x120: {  	[tilespmem:s29+$0x14800] =	vst v3;
	v3 =	vadd.f32 v12, v6  }
0x121: {  	[tilespmem:s29+$0x14810] =	vst v4  }
0x122: {  	[tilespmem:s29+$0x14820] =	vst v3  }
0x123: {  	s25 =	simm.s32 $0x0;
	s0 =	rddreg [dreg:$0xc]  }
0x124: {  	[hbm4b:s0+s25] =	stream.linear.scatter [tilespmem:s16], [sflag:$0x6], $0x4000, $0x38;
	[tilespmem:$0x1C800] =	vst v63  }
0x125: {  	v3 =	vld [tilespmem:$0x280];
	_ =	sdelay $0x4  }
0x126: {  	v4 =	vshll.u32 v3, $0x3  }
0x127: {  	v3 =	vand.u32 $0x7, v3;
	v4 =	vand.u32 $0xFFFFFFC0, v4  }
0x128: {  	v3 =	vor.u32 v3, v4  }
0x129: {  	v4 =	vperm.xlane v3, v0;
	_ =	sdelay $0x1  }
0x12a: {  	v4 =	vadd.s32 v1, v4;
	_ =	sdelay $0x3  }
0x12b: {  	s2 =	simm.s32 $0x8800  }
0x12c: {  	[tilespmem:s2], [sflag:$0x3] =	stream.indirect_vreg.gather [hbm4b:s1+s25], $0x80, v4, vm0, $0xb8;
	[tilespmem:$0x1C800] =	vst v63  }
0x12d: {  	s4 =	simm.s32 $0x9000;
	v3 =	vperm.xlane v3, v2  }
0x12e: {  	[tilespmem:s4], [sflag:$0x3] =	stream.indirect_vreg.gather [hbm4b:s6+s25], $0x80, v4, vm0, $0xb8;
	[tilespmem:$0x1C800] =	vst v63  }
0x12f: {  	s12 =	simm.s32 $0x9800;
	v3 =	vadd.s32 v1, v3  }
0x130: {  	[tilespmem:s12], [sflag:$0x3] =	stream.indirect_vreg.gather [hbm4b:s7+s25], $0x80, v4, vm0, $0xb8;
	[tilespmem:$0x1C800] =	vst v63  }
0x131: {  	s26 =	simm.s32 $0xA000  }
0x132: {  	[tilespmem:s26], [sflag:$0x3] =	stream.indirect_vreg.gather [hbm4b:s8+s25], $0x80, v4, vm0, $0xb8;
	[tilespmem:$0x1C800] =	vst v63  }
0x133: {  	s28 =	simm.s32 $0xA800  }
0x134: {  	[tilespmem:s28], [sflag:$0x3] =	stream.indirect_vreg.gather [hbm4b:s1+s25], $0x80, v3, vm0, $0xb8;
	[tilespmem:$0x1C800] =	vst v63  }
0x135: {  	s29 =	simm.s32 $0xB000  }
0x136: {  	[tilespmem:s29], [sflag:$0x3] =	stream.indirect_vreg.gather [hbm4b:s6+s25], $0x80, v3, vm0, $0xb8;
	[tilespmem:$0x1C800] =	vst v63  }
0x137: {  	s30 =	simm.s32 $0xB800  }
0x138: {  	[tilespmem:s30], [sflag:$0x3] =	stream.indirect_vreg.gather [hbm4b:s7+s25], $0x80, v3, vm0, $0xb8;
	[tilespmem:$0x1C800] =	vst v63  }
0x139: {  	s31 =	simm.s32 $0xC000  }
0x13a: {  	[tilespmem:s31], [sflag:$0x3] =	stream.indirect_vreg.gather [hbm4b:s8+s25], $0x80, v3, vm0, $0xb8;
	[tilespmem:$0x1C800] =	vst v63  }
0x13b: {  	_ =	swait.ge [sflag:s23], $0x4000  }
0x13c: {  	[sflag:s23] =	ssyncset.done $0x0  }
0x13d: {  	[sflag:s23] =	ssyncadd.s32 $0xFFFFC000  }
0x13e: {  	_ =	swait.ge [sflag:s21], $0x4000  }
0x13f: {  	[sflag:s21] =	ssyncset.done $0x0  }
0x140: {  	s26 =	simm.s32 $0x0;
	[sflag:s21] =	ssyncadd.s32 $0xFFFFC000  }
.LBB2_14:
0x141: {  	s0 =	sshll.u32 s26, $0xA;
	s2 =	sshll.u32 s26, $0x7  }
0x142: {  	s0 =	sand.u32 $0x2000, s0;
	s2 =	sand.u32 $0x380, s2  }
0x143: {  	s4 =	sand.u32 $0x40, s25;
	s30 =	sor.u32 s0, s2  }
0x144: {  	s12 =	sand.u32 $0x1C00, s25;
	s0 =	sor.u32 s4, s30  }
0x145: {  	s28 =	sor.u32 s12, s0  }
0x146: {  	v3 =	vld [tilespmem:s28+$0x830]  }
0x147: {  	v4 =	vld [tilespmem:s28+$0x800]  }
0x148: {  	v5 =	vld [tilespmem:s28+$0xC830]  }
0x149: {  	v6 =	vld [tilespmem:s28+$0x810]  }
0x14a: {  	s4 =	simm.s32 $0x40;
	v8 =	vld [tilespmem:s28+$0x820]  }
0x14b: {  	s31 =	simm.s32 $0x200;
	s0 =	sand.u32 $0x40, s4;
	v9 =	vld [tilespmem:s28+$0xC800]  }
0x14c: {  	s12 =	sand.u32 $0x1C00, s31;
	s0 =	sor.u32 s0, s30;
	v10 =	vld [tilespmem:s28+$0xC810]  }
0x14d: {  	v11 =	vld [tilespmem:s28+$0xC820];
	s29 =	sor.u32 s12, s0;
	v3 =	vmul.f32 $3.200000000e+01, v3  }
0x14e: {  	v7 =	vld [tilespmem:s29+$0x830];
	v4 =	vmul.f32 $3.200000000e+01, v4  }
0x14f: {  	v6 =	vmul.f32 $3.200000000e+01, v6;
	v12 =	vadd.f32 v5, v3;
	v3 =	vld [tilespmem:s29+$0x800]  }
0x150: {  	v8 =	vmul.f32 $3.200000000e+01, v8;
	v13 =	vadd.f32 v9, v4;
	v5 =	vld [tilespmem:s29+$0xC830]  }
0x151: {  	v4 =	vld [tilespmem:s29+$0x810];
	v9 =	vadd.f32 v10, v6;
	[tilespmem:s28+$0x18830] =	vst v12  }
0x152: {  	s12 =	simm.s32 $0x4;
	s0 =	simm.s32 $0x80;
	v6 =	vld [tilespmem:s29+$0x820];
	v8 =	vadd.f32 v11, v8;
	[tilespmem:s28+$0x18800] =	vst v13  }
.LBB2_15:
0x153: {  	s2 =	sand.u32 $0x40, s0;
	s12 =	sadd.s32 $0x4, s12;
	v10 =	vld [tilespmem:s29+$0xC800];
	v7 =	vmul.f32 $3.200000000e+01, v7;
	s31 =	sadd.s32 $0x200, s31;
	[tilespmem:s28+$0x18810] =	vst v9  }
0x154: {  	s4 =	sand.u32 $0x1C00, s31;
	s2 =	sor.u32 s2, s30;
	p0 =	slt.u32 s12, $0x3C;
	v9 =	vmul.f32 $3.200000000e+01, v3;
	v11 =	vld [tilespmem:s29+$0xC810];
	[tilespmem:s28+$0x18820] =	vst v8  }
0x155: {  	s28 =	smov.u32 s29;
	v8 =	vld [tilespmem:s29+$0xC820];
	v5 =	vadd.f32 v5, v7;
	s29 =	sor.u32 s4, s2  }
.Ltmp6:
0x156: {  	v7 =	vld [tilespmem:s29+$0x830];
	v12 =	vmul.f32 $3.200000000e+01, v4;
	(pc) =	sbr.rel @p0 .LBB2_15-.Ltmp6, $4  }
0x157: {  	v3 =	vld [tilespmem:s29+$0x800];
	v13 =	vmul.f32 $3.200000000e+01, v6;
	[tilespmem:s28+$0x18830] =	vst v5  }
0x158: {  	v5 =	vld [tilespmem:s29+$0xC830];
	v10 =	vadd.f32 v10, v9  }
0x159: {  	v4 =	vld [tilespmem:s29+$0x810];
	v9 =	vadd.f32 v11, v12  }
0x15a: {  	s0 =	sadd.s32 $0x40, s0;
	v6 =	vld [tilespmem:s29+$0x820];
	[tilespmem:s28+$0x18800] =	vst v10;
	v8 =	vadd.f32 v8, v13  }
0x15b: {  	v10 =	vld [tilespmem:s29+$0xC800]  }
0x15c: {  	v11 =	vld [tilespmem:s29+$0xC810]  }
0x15d: {  	v7 =	vmul.f32 $3.200000000e+01, v7;
	v12 =	vld [tilespmem:s29+$0xC820]  }
0x15e: {  	s26 =	sadd.s32 $0x1, s26;
	v3 =	vmul.f32 $3.200000000e+01, v3  }
0x15f: {  	[tilespmem:s28+$0x18810] =	vst v9;
	p0 =	sne.s32 s26, $0x10;
	v5 =	vadd.f32 v5, v7;
	v4 =	vmul.f32 $3.200000000e+01, v4  }
.Ltmp7:
0x160: {  	[tilespmem:s28+$0x18820] =	vst v8;
	v6 =	vmul.f32 $3.200000000e+01, v6;
	v3 =	vadd.f32 v10, v3;
	(pc) =	sbr.rel @p0 .LBB2_14-.Ltmp7, $4  }
0x161: {  	[tilespmem:s29+$0x18830] =	vst v5;
	v4 =	vadd.f32 v11, v4  }
0x162: {  	[tilespmem:s29+$0x18800] =	vst v3;
	v3 =	vadd.f32 v12, v6  }
0x163: {  	[tilespmem:s29+$0x18810] =	vst v4  }
0x164: {  	[tilespmem:s29+$0x18820] =	vst v3  }
0x165: {  	s25 =	simm.s32 $0x0;
	s0 =	rddreg [dreg:$0xd]  }
0x166: {  	[hbm4b:s0+s25] =	stream.linear.scatter [tilespmem:s18], [sflag:$0x7], $0x4000, $0x38;
	[tilespmem:$0x1C800] =	vst v63  }
0x167: {  	v3 =	vld [tilespmem:$0x480];
	_ =	sdelay $0x4  }
0x168: {  	v4 =	vshll.u32 v3, $0x3  }
0x169: {  	v3 =	vand.u32 $0x7, v3;
	v4 =	vand.u32 $0xFFFFFFC0, v4  }
0x16a: {  	v3 =	vor.u32 v3, v4  }
0x16b: {  	v4 =	vperm.xlane v3, v0;
	_ =	sdelay $0x1  }
0x16c: {  	v4 =	vadd.s32 v1, v4;
	_ =	sdelay $0x3  }
0x16d: {  	s29 =	simm.s32 $0x800  }
0x16e: {  	[tilespmem:s29], [sflag:$0x1] =	stream.indirect_vreg.gather [hbm4b:s1+s25], $0x80, v4, vm0, $0xb8;
	[tilespmem:$0x1C800] =	vst v63  }
0x16f: {  	s30 =	simm.s32 $0x1000;
	v3 =	vperm.xlane v3, v2  }
0x170: {  	[tilespmem:s30], [sflag:$0x1] =	stream.indirect_vreg.gather [hbm4b:s6+s25], $0x80, v4, vm0, $0xb8;
	[tilespmem:$0x1C800] =	vst v63  }
0x171: {  	v3 =	vadd.s32 v1, v3  }
0x172: {  	[tilespmem:s5], [sflag:$0x1] =	stream.indirect_vreg.gather [hbm4b:s7+s25], $0x80, v4, vm0, $0xb8;
	[tilespmem:$0x1C800] =	vst v63  }
0x173: {  	_ = 	snop  }
0x174: {  	[tilespmem:s9], [sflag:$0x1] =	stream.indirect_vreg.gather [hbm4b:s8+s25], $0x80, v4, vm0, $0xb8;
	[tilespmem:$0x1C800] =	vst v63  }
0x175: {  	_ = 	snop  }
0x176: {  	[tilespmem:s10], [sflag:$0x1] =	stream.indirect_vreg.gather [hbm4b:s1+s25], $0x80, v3, vm0, $0xb8;
	[tilespmem:$0x1C800] =	vst v63  }
0x177: {  	_ = 	snop  }
0x178: {  	[tilespmem:s11], [sflag:$0x1] =	stream.indirect_vreg.gather [hbm4b:s6+s25], $0x80, v3, vm0, $0xb8;
	[tilespmem:$0x1C800] =	vst v63  }
0x179: {  	_ = 	snop  }
0x17a: {  	[tilespmem:s13], [sflag:$0x1] =	stream.indirect_vreg.gather [hbm4b:s7+s25], $0x80, v3, vm0, $0xb8;
	[tilespmem:$0x1C800] =	vst v63  }
0x17b: {  	_ = 	snop  }
0x17c: {  	[tilespmem:s14], [sflag:$0x1] =	stream.indirect_vreg.gather [hbm4b:s8+s25], $0x80, v3, vm0, $0xb8;
	[tilespmem:$0x1C800] =	vst v63  }
0x17d: {  	s31 =	rddreg [dreg:$0xe];
	s2 =	simm.s32 $0xC800  }
0x17e: {  	[tilespmem:s2], [sflag:$0x4] =	stream.linear.gather [hbm4b:s31+s25], $0x4000, $0x38;
	[tilespmem:$0x1C800] =	vst v63  }
0x17f: {  	_ =	swait.ge [sflag:s17], $0x4000  }
0x180: {  	[sflag:s17] =	ssyncset.done $0x0  }
0x181: {  	[sflag:s17] =	ssyncadd.s32 $0xFFFFC000  }
0x182: {  	_ =	swait.ge [sflag:s22], $0x4000  }
0x183: {  	[sflag:s22] =	ssyncset.done $0x0  }
0x184: {  	[sflag:s22] =	ssyncadd.s32 $0xFFFFC000  }
0x185: {  	_ =	swait.ge [sflag:s20], $0x4000  }
0x186: {  	[sflag:s20] =	ssyncset.done $0x0  }
0x187: {  	s26 =	simm.s32 $0x0;
	[sflag:s20] =	ssyncadd.s32 $0xFFFFC000  }
.LBB2_18:
0x188: {  	s0 =	sshll.u32 s26, $0xA;
	s2 =	sshll.u32 s26, $0x7  }
0x189: {  	s0 =	sand.u32 $0x2000, s0;
	s2 =	sand.u32 $0x380, s2  }
0x18a: {  	s4 =	sand.u32 $0x40, s25;
	s30 =	sor.u32 s0, s2  }
0x18b: {  	s12 =	sand.u32 $0x1C00, s25;
	s0 =	sor.u32 s4, s30  }
0x18c: {  	s28 =	sor.u32 s12, s0  }
0x18d: {  	v3 =	vld [tilespmem:s28+$0x4830]  }
0x18e: {  	v4 =	vld [tilespmem:s28+$0x4800]  }
0x18f: {  	v5 =	vld [tilespmem:s28+$0x10830]  }
0x190: {  	v6 =	vld [tilespmem:s28+$0x4810]  }
0x191: {  	s4 =	simm.s32 $0x40;
	v8 =	vld [tilespmem:s28+$0x4820]  }
0x192: {  	s31 =	simm.s32 $0x200;
	s0 =	sand.u32 $0x40, s4;
	v9 =	vld [tilespmem:s28+$0x10800]  }
0x193: {  	s12 =	sand.u32 $0x1C00, s31;
	s0 =	sor.u32 s0, s30;
	v10 =	vld [tilespmem:s28+$0x10810]  }
0x194: {  	v11 =	vld [tilespmem:s28+$0x10820];
	s29 =	sor.u32 s12, s0;
	v3 =	vmul.f32 $3.200000000e+01, v3  }
0x195: {  	v7 =	vld [tilespmem:s29+$0x4830];
	v4 =	vmul.f32 $3.200000000e+01, v4  }
0x196: {  	v6 =	vmul.f32 $3.200000000e+01, v6;
	v12 =	vadd.f32 v5, v3;
	v3 =	vld [tilespmem:s29+$0x4800]  }
0x197: {  	v8 =	vmul.f32 $3.200000000e+01, v8;
	v13 =	vadd.f32 v9, v4;
	v5 =	vld [tilespmem:s29+$0x10830]  }
0x198: {  	v4 =	vld [tilespmem:s29+$0x4810];
	v9 =	vadd.f32 v10, v6;
	[tilespmem:s28+$0x14830] =	vst v12  }
0x199: {  	s12 =	simm.s32 $0x4;
	s0 =	simm.s32 $0x80;
	v6 =	vld [tilespmem:s29+$0x4820];
	v8 =	vadd.f32 v11, v8;
	[tilespmem:s28+$0x14800] =	vst v13  }
.LBB2_19:
0x19a: {  	s2 =	sand.u32 $0x40, s0;
	s12 =	sadd.s32 $0x4, s12;
	v10 =	vld [tilespmem:s29+$0x10800];
	v7 =	vmul.f32 $3.200000000e+01, v7;
	s31 =	sadd.s32 $0x200, s31;
	[tilespmem:s28+$0x14810] =	vst v9  }
0x19b: {  	s4 =	sand.u32 $0x1C00, s31;
	s2 =	sor.u32 s2, s30;
	p0 =	slt.u32 s12, $0x3C;
	v9 =	vmul.f32 $3.200000000e+01, v3;
	v11 =	vld [tilespmem:s29+$0x10810];
	[tilespmem:s28+$0x14820] =	vst v8  }
0x19c: {  	s28 =	smov.u32 s29;
	v8 =	vld [tilespmem:s29+$0x10820];
	v5 =	vadd.f32 v5, v7;
	s29 =	sor.u32 s4, s2  }
.Ltmp8:
0x19d: {  	v7 =	vld [tilespmem:s29+$0x4830];
	v12 =	vmul.f32 $3.200000000e+01, v4;
	(pc) =	sbr.rel @p0 .LBB2_19-.Ltmp8, $4  }
0x19e: {  	v3 =	vld [tilespmem:s29+$0x4800];
	v13 =	vmul.f32 $3.200000000e+01, v6;
	[tilespmem:s28+$0x14830] =	vst v5  }
0x19f: {  	v5 =	vld [tilespmem:s29+$0x10830];
	v10 =	vadd.f32 v10, v9  }
0x1a0: {  	v4 =	vld [tilespmem:s29+$0x4810];
	v9 =	vadd.f32 v11, v12  }
0x1a1: {  	s0 =	sadd.s32 $0x40, s0;
	v6 =	vld [tilespmem:s29+$0x4820];
	[tilespmem:s28+$0x14800] =	vst v10;
	v8 =	vadd.f32 v8, v13  }
0x1a2: {  	v10 =	vld [tilespmem:s29+$0x10800]  }
0x1a3: {  	v11 =	vld [tilespmem:s29+$0x10810]  }
0x1a4: {  	v7 =	vmul.f32 $3.200000000e+01, v7;
	v12 =	vld [tilespmem:s29+$0x10820]  }
0x1a5: {  	s26 =	sadd.s32 $0x1, s26;
	v3 =	vmul.f32 $3.200000000e+01, v3  }
0x1a6: {  	[tilespmem:s28+$0x14810] =	vst v9;
	p0 =	sne.s32 s26, $0x10;
	v5 =	vadd.f32 v5, v7;
	v4 =	vmul.f32 $3.200000000e+01, v4  }
.Ltmp9:
0x1a7: {  	[tilespmem:s28+$0x14820] =	vst v8;
	v6 =	vmul.f32 $3.200000000e+01, v6;
	v3 =	vadd.f32 v10, v3;
	(pc) =	sbr.rel @p0 .LBB2_18-.Ltmp9, $4  }
0x1a8: {  	[tilespmem:s29+$0x14830] =	vst v5;
	v4 =	vadd.f32 v11, v4  }
0x1a9: {  	[tilespmem:s29+$0x14800] =	vst v3;
	v3 =	vadd.f32 v12, v6  }
0x1aa: {  	[tilespmem:s29+$0x14810] =	vst v4  }
0x1ab: {  	[tilespmem:s29+$0x14820] =	vst v3  }
0x1ac: {  	s25 =	simm.s32 $0x0;
	s0 =	rddreg [dreg:$0xf]  }
0x1ad: {  	[hbm4b:s0+s25] =	stream.linear.scatter [tilespmem:s16], [sflag:$0x6], $0x4000, $0x38;
	[tilespmem:$0x1C800] =	vst v63  }
0x1ae: {  	v3 =	vld [tilespmem:$0x680];
	_ =	sdelay $0x4  }
0x1af: {  	v4 =	vshll.u32 v3, $0x3  }
0x1b0: {  	v3 =	vand.u32 $0x7, v3;
	v4 =	vand.u32 $0xFFFFFFC0, v4  }
0x1b1: {  	v3 =	vor.u32 v3, v4  }
0x1b2: {  	v4 =	vperm.xlane v3, v0;
	_ =	sdelay $0x1  }
0x1b3: {  	v4 =	vadd.s32 v1, v4;
	_ =	sdelay $0x3  }
0x1b4: {  	s2 =	simm.s32 $0x4800  }
0x1b5: {  	[tilespmem:s2], [sflag:$0x2] =	stream.indirect_vreg.gather [hbm4b:s1+s25], $0x80, v4, vm0, $0xb8;
	[tilespmem:$0x1C800] =	vst v63  }
0x1b6: {  	s4 =	simm.s32 $0x5000;
	v3 =	vperm.xlane v3, v2  }
0x1b7: {  	[tilespmem:s4], [sflag:$0x2] =	stream.indirect_vreg.gather [hbm4b:s6+s25], $0x80, v4, vm0, $0xb8;
	[tilespmem:$0x1C800] =	vst v63  }
0x1b8: {  	s12 =	simm.s32 $0x5800;
	v3 =	vadd.s32 v1, v3  }
0x1b9: {  	[tilespmem:s12], [sflag:$0x2] =	stream.indirect_vreg.gather [hbm4b:s7+s25], $0x80, v4, vm0, $0xb8;
	[tilespmem:$0x1C800] =	vst v63  }
0x1ba: {  	s26 =	simm.s32 $0x6000  }
0x1bb: {  	[tilespmem:s26], [sflag:$0x2] =	stream.indirect_vreg.gather [hbm4b:s8+s25], $0x80, v4, vm0, $0xb8;
	[tilespmem:$0x1C800] =	vst v63  }
0x1bc: {  	s28 =	simm.s32 $0x6800  }
0x1bd: {  	[tilespmem:s28], [sflag:$0x2] =	stream.indirect_vreg.gather [hbm4b:s1+s25], $0x80, v3, vm0, $0xb8;
	[tilespmem:$0x1C800] =	vst v63  }
0x1be: {  	s29 =	simm.s32 $0x7000  }
0x1bf: {  	[tilespmem:s29], [sflag:$0x2] =	stream.indirect_vreg.gather [hbm4b:s6+s25], $0x80, v3, vm0, $0xb8;
	[tilespmem:$0x1C800] =	vst v63  }
0x1c0: {  	s30 =	simm.s32 $0x7800  }
0x1c1: {  	[tilespmem:s30], [sflag:$0x2] =	stream.indirect_vreg.gather [hbm4b:s7+s25], $0x80, v3, vm0, $0xb8;
	[tilespmem:$0x1C800] =	vst v63  }
0x1c2: {  	s31 =	simm.s32 $0x8000  }
0x1c3: {  	[tilespmem:s31], [sflag:$0x2] =	stream.indirect_vreg.gather [hbm4b:s8+s25], $0x80, v3, vm0, $0xb8;
	[tilespmem:$0x1C800] =	vst v63  }
0x1c4: {  	_ =	swait.ge [sflag:s19], $0x4000  }
0x1c5: {  	[sflag:s19] =	ssyncset.done $0x0  }
0x1c6: {  	[sflag:s19] =	ssyncadd.s32 $0xFFFFC000  }
0x1c7: {  	_ =	swait.ge [sflag:s21], $0x4000  }
0x1c8: {  	[sflag:s21] =	ssyncset.done $0x0  }
0x1c9: {  	s26 =	simm.s32 $0x0;
	[sflag:s21] =	ssyncadd.s32 $0xFFFFC000  }
.LBB2_22:
0x1ca: {  	s0 =	sshll.u32 s26, $0xA;
	s2 =	sshll.u32 s26, $0x7  }
0x1cb: {  	s0 =	sand.u32 $0x2000, s0;
	s2 =	sand.u32 $0x380, s2  }
0x1cc: {  	s4 =	sand.u32 $0x40, s25;
	s30 =	sor.u32 s0, s2  }
0x1cd: {  	s12 =	sand.u32 $0x1C00, s25;
	s0 =	sor.u32 s4, s30  }
0x1ce: {  	s28 =	sor.u32 s12, s0  }
0x1cf: {  	v3 =	vld [tilespmem:s28+$0x8830]  }
0x1d0: {  	v4 =	vld [tilespmem:s28+$0x8800]  }
0x1d1: {  	v5 =	vld [tilespmem:s28+$0x10830]  }
0x1d2: {  	v6 =	vld [tilespmem:s28+$0x8810]  }
0x1d3: {  	s4 =	simm.s32 $0x40;
	v8 =	vld [tilespmem:s28+$0x8820]  }
0x1d4: {  	s31 =	simm.s32 $0x200;
	s0 =	sand.u32 $0x40, s4;
	v9 =	vld [tilespmem:s28+$0x10800]  }
0x1d5: {  	s12 =	sand.u32 $0x1C00, s31;
	s0 =	sor.u32 s0, s30;
	v10 =	vld [tilespmem:s28+$0x10810]  }
0x1d6: {  	v11 =	vld [tilespmem:s28+$0x10820];
	s29 =	sor.u32 s12, s0;
	v3 =	vmul.f32 $3.200000000e+01, v3  }
0x1d7: {  	v7 =	vld [tilespmem:s29+$0x8830];
	v4 =	vmul.f32 $3.200000000e+01, v4  }
0x1d8: {  	v6 =	vmul.f32 $3.200000000e+01, v6;
	v12 =	vadd.f32 v5, v3;
	v3 =	vld [tilespmem:s29+$0x8800]  }
0x1d9: {  	v8 =	vmul.f32 $3.200000000e+01, v8;
	v13 =	vadd.f32 v9, v4;
	v5 =	vld [tilespmem:s29+$0x10830]  }
0x1da: {  	v4 =	vld [tilespmem:s29+$0x8810];
	v9 =	vadd.f32 v10, v6;
	[tilespmem:s28+$0x18830] =	vst v12  }
0x1db: {  	s12 =	simm.s32 $0x4;
	s0 =	simm.s32 $0x80;
	v6 =	vld [tilespmem:s29+$0x8820];
	v8 =	vadd.f32 v11, v8;
	[tilespmem:s28+$0x18800] =	vst v13  }
.LBB2_23:
0x1dc: {  	s2 =	sand.u32 $0x40, s0;
	s12 =	sadd.s32 $0x4, s12;
	v10 =	vld [tilespmem:s29+$0x10800];
	v7 =	vmul.f32 $3.200000000e+01, v7;
	s31 =	sadd.s32 $0x200, s31;
	[tilespmem:s28+$0x18810] =	vst v9  }
0x1dd: {  	s4 =	sand.u32 $0x1C00, s31;
	s2 =	sor.u32 s2, s30;
	p0 =	slt.u32 s12, $0x3C;
	v9 =	vmul.f32 $3.200000000e+01, v3;
	v11 =	vld [tilespmem:s29+$0x10810];
	[tilespmem:s28+$0x18820] =	vst v8  }
0x1de: {  	s28 =	smov.u32 s29;
	v8 =	vld [tilespmem:s29+$0x10820];
	v5 =	vadd.f32 v5, v7;
	s29 =	sor.u32 s4, s2  }
.Ltmp10:
0x1df: {  	v7 =	vld [tilespmem:s29+$0x8830];
	v12 =	vmul.f32 $3.200000000e+01, v4;
	(pc) =	sbr.rel @p0 .LBB2_23-.Ltmp10, $4  }
0x1e0: {  	v3 =	vld [tilespmem:s29+$0x8800];
	v13 =	vmul.f32 $3.200000000e+01, v6;
	[tilespmem:s28+$0x18830] =	vst v5  }
0x1e1: {  	v5 =	vld [tilespmem:s29+$0x10830];
	v10 =	vadd.f32 v10, v9  }
0x1e2: {  	v4 =	vld [tilespmem:s29+$0x8810];
	v9 =	vadd.f32 v11, v12  }
0x1e3: {  	s0 =	sadd.s32 $0x40, s0;
	v6 =	vld [tilespmem:s29+$0x8820];
	[tilespmem:s28+$0x18800] =	vst v10;
	v8 =	vadd.f32 v8, v13  }
0x1e4: {  	v10 =	vld [tilespmem:s29+$0x10800]  }
0x1e5: {  	v11 =	vld [tilespmem:s29+$0x10810]  }
0x1e6: {  	v7 =	vmul.f32 $3.200000000e+01, v7;
	v12 =	vld [tilespmem:s29+$0x10820]  }
0x1e7: {  	s26 =	sadd.s32 $0x1, s26;
	v3 =	vmul.f32 $3.200000000e+01, v3  }
0x1e8: {  	[tilespmem:s28+$0x18810] =	vst v9;
	p0 =	sne.s32 s26, $0x10;
	v5 =	vadd.f32 v5, v7;
	v4 =	vmul.f32 $3.200000000e+01, v4  }
.Ltmp11:
0x1e9: {  	[tilespmem:s28+$0x18820] =	vst v8;
	v6 =	vmul.f32 $3.200000000e+01, v6;
	v3 =	vadd.f32 v10, v3;
	(pc) =	sbr.rel @p0 .LBB2_22-.Ltmp11, $4  }
0x1ea: {  	[tilespmem:s29+$0x18830] =	vst v5;
	v4 =	vadd.f32 v11, v4  }
0x1eb: {  	[tilespmem:s29+$0x18800] =	vst v3;
	v3 =	vadd.f32 v12, v6  }
0x1ec: {  	[tilespmem:s29+$0x18810] =	vst v4  }
0x1ed: {  	[tilespmem:s29+$0x18820] =	vst v3  }
0x1ee: {  	s25 =	simm.s32 $0x0;
	s0 =	rddreg [dreg:$0x10]  }
0x1ef: {  	[hbm4b:s0+s25] =	stream.linear.scatter [tilespmem:s18], [sflag:$0x7], $0x4000, $0x38;
	[tilespmem:$0x1C800] =	vst v63  }
0x1f0: {  	v3 =	vld [tilespmem:$0x100];
	_ =	sdelay $0x4  }
0x1f1: {  	v4 =	vshll.u32 v3, $0x3  }
0x1f2: {  	v3 =	vand.u32 $0x7, v3;
	v4 =	vand.u32 $0xFFFFFFC0, v4  }
0x1f3: {  	v3 =	vor.u32 v3, v4  }
0x1f4: {  	v4 =	vperm.xlane v3, v0;
	_ =	sdelay $0x1  }
0x1f5: {  	v4 =	vadd.s32 v1, v4;
	_ =	sdelay $0x3  }
0x1f6: {  	s2 =	simm.s32 $0x8800  }
0x1f7: {  	[tilespmem:s2], [sflag:$0x3] =	stream.indirect_vreg.gather [hbm4b:s1+s25], $0x80, v4, vm0, $0xb8;
	[tilespmem:$0x1C800] =	vst v63  }
0x1f8: {  	s4 =	simm.s32 $0x9000;
	v3 =	vperm.xlane v3, v2  }
0x1f9: {  	[tilespmem:s4], [sflag:$0x3] =	stream.indirect_vreg.gather [hbm4b:s6+s25], $0x80, v4, vm0, $0xb8;
	[tilespmem:$0x1C800] =	vst v63  }
0x1fa: {  	s12 =	simm.s32 $0x9800;
	v3 =	vadd.s32 v1, v3  }
0x1fb: {  	[tilespmem:s12], [sflag:$0x3] =	stream.indirect_vreg.gather [hbm4b:s7+s25], $0x80, v4, vm0, $0xb8;
	[tilespmem:$0x1C800] =	vst v63  }
0x1fc: {  	s26 =	simm.s32 $0xA000  }
0x1fd: {  	[tilespmem:s26], [sflag:$0x3] =	stream.indirect_vreg.gather [hbm4b:s8+s25], $0x80, v4, vm0, $0xb8;
	[tilespmem:$0x1C800] =	vst v63  }
0x1fe: {  	s28 =	simm.s32 $0xA800  }
0x1ff: {  	[tilespmem:s28], [sflag:$0x3] =	stream.indirect_vreg.gather [hbm4b:s1+s25], $0x80, v3, vm0, $0xb8;
	[tilespmem:$0x1C800] =	vst v63  }
0x200: {  	s29 =	simm.s32 $0xB000  }
0x201: {  	[tilespmem:s29], [sflag:$0x3] =	stream.indirect_vreg.gather [hbm4b:s6+s25], $0x80, v3, vm0, $0xb8;
	[tilespmem:$0x1C800] =	vst v63  }
0x202: {  	s30 =	simm.s32 $0xB800  }
0x203: {  	[tilespmem:s30], [sflag:$0x3] =	stream.indirect_vreg.gather [hbm4b:s7+s25], $0x80, v3, vm0, $0xb8;
	[tilespmem:$0x1C800] =	vst v63  }
0x204: {  	s31 =	simm.s32 $0xC000  }
0x205: {  	[tilespmem:s31], [sflag:$0x3] =	stream.indirect_vreg.gather [hbm4b:s8+s25], $0x80, v3, vm0, $0xb8;
	[tilespmem:$0x1C800] =	vst v63  }
0x206: {  	_ =	swait.ge [sflag:s23], $0x4000  }
0x207: {  	[sflag:s23] =	ssyncset.done $0x0  }
0x208: {  	[sflag:s23] =	ssyncadd.s32 $0xFFFFC000  }
0x209: {  	_ =	swait.ge [sflag:s20], $0x4000  }
0x20a: {  	[sflag:s20] =	ssyncset.done $0x0  }
0x20b: {  	s26 =	simm.s32 $0x0;
	[sflag:s20] =	ssyncadd.s32 $0xFFFFC000  }
.LBB2_26:
0x20c: {  	s0 =	sshll.u32 s26, $0xA;
	s2 =	sshll.u32 s26, $0x7  }
0x20d: {  	s0 =	sand.u32 $0x2000, s0;
	s2 =	sand.u32 $0x380, s2  }
0x20e: {  	s4 =	sand.u32 $0x40, s25;
	s30 =	sor.u32 s0, s2  }
0x20f: {  	s12 =	sand.u32 $0x1C00, s25;
	s0 =	sor.u32 s4, s30  }
0x210: {  	s28 =	sor.u32 s12, s0  }
0x211: {  	v3 =	vld [tilespmem:s28+$0x830]  }
0x212: {  	v4 =	vld [tilespmem:s28+$0x800]  }
0x213: {  	v5 =	vld [tilespmem:s28+$0x10830]  }
0x214: {  	v6 =	vld [tilespmem:s28+$0x810]  }
0x215: {  	s4 =	simm.s32 $0x40;
	v8 =	vld [tilespmem:s28+$0x820]  }
0x216: {  	s31 =	simm.s32 $0x200;
	s0 =	sand.u32 $0x40, s4;
	v9 =	vld [tilespmem:s28+$0x10800]  }
0x217: {  	s12 =	sand.u32 $0x1C00, s31;
	s0 =	sor.u32 s0, s30;
	v10 =	vld [tilespmem:s28+$0x10810]  }
0x218: {  	v11 =	vld [tilespmem:s28+$0x10820];
	s29 =	sor.u32 s12, s0;
	v3 =	vmul.f32 $3.200000000e+01, v3  }
0x219: {  	v7 =	vld [tilespmem:s29+$0x830];
	v4 =	vmul.f32 $3.200000000e+01, v4  }
0x21a: {  	v6 =	vmul.f32 $3.200000000e+01, v6;
	v12 =	vadd.f32 v5, v3;
	v3 =	vld [tilespmem:s29+$0x800]  }
0x21b: {  	v8 =	vmul.f32 $3.200000000e+01, v8;
	v13 =	vadd.f32 v9, v4;
	v5 =	vld [tilespmem:s29+$0x10830]  }
0x21c: {  	v4 =	vld [tilespmem:s29+$0x810];
	v9 =	vadd.f32 v10, v6;
	[tilespmem:s28+$0x14830] =	vst v12  }
0x21d: {  	s12 =	simm.s32 $0x4;
	s0 =	simm.s32 $0x80;
	v6 =	vld [tilespmem:s29+$0x820];
	v8 =	vadd.f32 v11, v8;
	[tilespmem:s28+$0x14800] =	vst v13  }
.LBB2_27:
0x21e: {  	s2 =	sand.u32 $0x40, s0;
	s12 =	sadd.s32 $0x4, s12;
	v10 =	vld [tilespmem:s29+$0x10800];
	v7 =	vmul.f32 $3.200000000e+01, v7;
	s31 =	sadd.s32 $0x200, s31;
	[tilespmem:s28+$0x14810] =	vst v9  }
0x21f: {  	s4 =	sand.u32 $0x1C00, s31;
	s2 =	sor.u32 s2, s30;
	p0 =	slt.u32 s12, $0x3C;
	v9 =	vmul.f32 $3.200000000e+01, v3;
	v11 =	vld [tilespmem:s29+$0x10810];
	[tilespmem:s28+$0x14820] =	vst v8  }
0x220: {  	s28 =	smov.u32 s29;
	v8 =	vld [tilespmem:s29+$0x10820];
	v5 =	vadd.f32 v5, v7;
	s29 =	sor.u32 s4, s2  }
.Ltmp12:
0x221: {  	v7 =	vld [tilespmem:s29+$0x830];
	v12 =	vmul.f32 $3.200000000e+01, v4;
	(pc) =	sbr.rel @p0 .LBB2_27-.Ltmp12, $4  }
0x222: {  	v3 =	vld [tilespmem:s29+$0x800];
	v13 =	vmul.f32 $3.200000000e+01, v6;
	[tilespmem:s28+$0x14830] =	vst v5  }
0x223: {  	v5 =	vld [tilespmem:s29+$0x10830];
	v10 =	vadd.f32 v10, v9  }
0x224: {  	v4 =	vld [tilespmem:s29+$0x810];
	v9 =	vadd.f32 v11, v12  }
0x225: {  	s0 =	sadd.s32 $0x40, s0;
	v6 =	vld [tilespmem:s29+$0x820];
	[tilespmem:s28+$0x14800] =	vst v10;
	v8 =	vadd.f32 v8, v13  }
0x226: {  	v10 =	vld [tilespmem:s29+$0x10800]  }
0x227: {  	v11 =	vld [tilespmem:s29+$0x10810]  }
0x228: {  	v7 =	vmul.f32 $3.200000000e+01, v7;
	v12 =	vld [tilespmem:s29+$0x10820]  }
0x229: {  	s26 =	sadd.s32 $0x1, s26;
	v3 =	vmul.f32 $3.200000000e+01, v3  }
0x22a: {  	[tilespmem:s28+$0x14810] =	vst v9;
	p0 =	sne.s32 s26, $0x10;
	v5 =	vadd.f32 v5, v7;
	v4 =	vmul.f32 $3.200000000e+01, v4  }
.Ltmp13:
0x22b: {  	[tilespmem:s28+$0x14820] =	vst v8;
	v6 =	vmul.f32 $3.200000000e+01, v6;
	v3 =	vadd.f32 v10, v3;
	(pc) =	sbr.rel @p0 .LBB2_26-.Ltmp13, $4  }
0x22c: {  	[tilespmem:s29+$0x14830] =	vst v5;
	v4 =	vadd.f32 v11, v4  }
0x22d: {  	[tilespmem:s29+$0x14800] =	vst v3;
	v3 =	vadd.f32 v12, v6  }
0x22e: {  	[tilespmem:s29+$0x14810] =	vst v4  }
0x22f: {  	[tilespmem:s29+$0x14820] =	vst v3  }
0x230: {  	s25 =	simm.s32 $0x0;
	s0 =	rddreg [dreg:$0x11]  }
0x231: {  	[hbm4b:s0+s25] =	stream.linear.scatter [tilespmem:s16], [sflag:$0x6], $0x4000, $0x38;
	[tilespmem:$0x1C800] =	vst v63  }
0x232: {  	v3 =	vld [tilespmem:$0x300];
	_ =	sdelay $0x4  }
0x233: {  	v4 =	vshll.u32 v3, $0x3  }
0x234: {  	v3 =	vand.u32 $0x7, v3;
	v4 =	vand.u32 $0xFFFFFFC0, v4  }
0x235: {  	v3 =	vor.u32 v3, v4  }
0x236: {  	v4 =	vperm.xlane v3, v0;
	_ =	sdelay $0x1  }
0x237: {  	v4 =	vadd.s32 v1, v4;
	_ =	sdelay $0x3  }
0x238: {  	s30 =	simm.s32 $0x800  }
0x239: {  	[tilespmem:s30], [sflag:$0x1] =	stream.indirect_vreg.gather [hbm4b:s1+s25], $0x80, v4, vm0, $0xb8;
	[tilespmem:$0x1C800] =	vst v63  }
0x23a: {  	s31 =	simm.s32 $0x1000;
	v3 =	vperm.xlane v3, v2  }
0x23b: {  	[tilespmem:s31], [sflag:$0x1] =	stream.indirect_vreg.gather [hbm4b:s6+s25], $0x80, v4, vm0, $0xb8;
	[tilespmem:$0x1C800] =	vst v63  }
0x23c: {  	v3 =	vadd.s32 v1, v3  }
0x23d: {  	[tilespmem:s5], [sflag:$0x1] =	stream.indirect_vreg.gather [hbm4b:s7+s25], $0x80, v4, vm0, $0xb8;
	[tilespmem:$0x1C800] =	vst v63  }
0x23e: {  	_ = 	snop  }
0x23f: {  	[tilespmem:s9], [sflag:$0x1] =	stream.indirect_vreg.gather [hbm4b:s8+s25], $0x80, v4, vm0, $0xb8;
	[tilespmem:$0x1C800] =	vst v63  }
0x240: {  	_ = 	snop  }
0x241: {  	[tilespmem:s10], [sflag:$0x1] =	stream.indirect_vreg.gather [hbm4b:s1+s25], $0x80, v3, vm0, $0xb8;
	[tilespmem:$0x1C800] =	vst v63  }
0x242: {  	_ = 	snop  }
0x243: {  	[tilespmem:s11], [sflag:$0x1] =	stream.indirect_vreg.gather [hbm4b:s6+s25], $0x80, v3, vm0, $0xb8;
	[tilespmem:$0x1C800] =	vst v63  }
0x244: {  	_ = 	snop  }
0x245: {  	[tilespmem:s13], [sflag:$0x1] =	stream.indirect_vreg.gather [hbm4b:s7+s25], $0x80, v3, vm0, $0xb8;
	[tilespmem:$0x1C800] =	vst v63  }
0x246: {  	_ = 	snop  }
0x247: {  	[tilespmem:s14], [sflag:$0x1] =	stream.indirect_vreg.gather [hbm4b:s8+s25], $0x80, v3, vm0, $0xb8;
	[tilespmem:$0x1C800] =	vst v63  }
0x248: {  	_ =	swait.ge [sflag:s17], $0x4000  }
0x249: {  	[sflag:s17] =	ssyncset.done $0x0  }
0x24a: {  	[sflag:s17] =	ssyncadd.s32 $0xFFFFC000  }
0x24b: {  	_ =	swait.ge [sflag:s21], $0x4000  }
0x24c: {  	[sflag:s21] =	ssyncset.done $0x0  }
0x24d: {  	s26 =	simm.s32 $0x0;
	[sflag:s21] =	ssyncadd.s32 $0xFFFFC000  }
.LBB2_30:
0x24e: {  	s0 =	sshll.u32 s26, $0xA;
	s2 =	sshll.u32 s26, $0x7  }
0x24f: {  	s0 =	sand.u32 $0x2000, s0;
	s2 =	sand.u32 $0x380, s2  }
0x250: {  	s4 =	sand.u32 $0x40, s25;
	s30 =	sor.u32 s0, s2  }
0x251: {  	s12 =	sand.u32 $0x1C00, s25;
	s0 =	sor.u32 s4, s30  }
0x252: {  	s28 =	sor.u32 s12, s0  }
0x253: {  	v3 =	vld [tilespmem:s28+$0x4830]  }
0x254: {  	v4 =	vld [tilespmem:s28+$0x4800]  }
0x255: {  	v5 =	vld [tilespmem:s28+$0x10830]  }
0x256: {  	v6 =	vld [tilespmem:s28+$0x4810]  }
0x257: {  	s4 =	simm.s32 $0x40;
	v8 =	vld [tilespmem:s28+$0x4820]  }
0x258: {  	s31 =	simm.s32 $0x200;
	s0 =	sand.u32 $0x40, s4;
	v9 =	vld [tilespmem:s28+$0x10800]  }
0x259: {  	s12 =	sand.u32 $0x1C00, s31;
	s0 =	sor.u32 s0, s30;
	v10 =	vld [tilespmem:s28+$0x10810]  }
0x25a: {  	v11 =	vld [tilespmem:s28+$0x10820];
	s29 =	sor.u32 s12, s0;
	v3 =	vmul.f32 $3.200000000e+01, v3  }
0x25b: {  	v7 =	vld [tilespmem:s29+$0x4830];
	v4 =	vmul.f32 $3.200000000e+01, v4  }
0x25c: {  	v6 =	vmul.f32 $3.200000000e+01, v6;
	v12 =	vadd.f32 v5, v3;
	v3 =	vld [tilespmem:s29+$0x4800]  }
0x25d: {  	v8 =	vmul.f32 $3.200000000e+01, v8;
	v13 =	vadd.f32 v9, v4;
	v5 =	vld [tilespmem:s29+$0x10830]  }
0x25e: {  	v4 =	vld [tilespmem:s29+$0x4810];
	v9 =	vadd.f32 v10, v6;
	[tilespmem:s28+$0x18830] =	vst v12  }
0x25f: {  	s12 =	simm.s32 $0x4;
	s0 =	simm.s32 $0x80;
	v6 =	vld [tilespmem:s29+$0x4820];
	v8 =	vadd.f32 v11, v8;
	[tilespmem:s28+$0x18800] =	vst v13  }
.LBB2_31:
0x260: {  	s2 =	sand.u32 $0x40, s0;
	s12 =	sadd.s32 $0x4, s12;
	v10 =	vld [tilespmem:s29+$0x10800];
	v7 =	vmul.f32 $3.200000000e+01, v7;
	s31 =	sadd.s32 $0x200, s31;
	[tilespmem:s28+$0x18810] =	vst v9  }
0x261: {  	s4 =	sand.u32 $0x1C00, s31;
	s2 =	sor.u32 s2, s30;
	p0 =	slt.u32 s12, $0x3C;
	v9 =	vmul.f32 $3.200000000e+01, v3;
	v11 =	vld [tilespmem:s29+$0x10810];
	[tilespmem:s28+$0x18820] =	vst v8  }
0x262: {  	s28 =	smov.u32 s29;
	v8 =	vld [tilespmem:s29+$0x10820];
	v5 =	vadd.f32 v5, v7;
	s29 =	sor.u32 s4, s2  }
.Ltmp14:
0x263: {  	v7 =	vld [tilespmem:s29+$0x4830];
	v12 =	vmul.f32 $3.200000000e+01, v4;
	(pc) =	sbr.rel @p0 .LBB2_31-.Ltmp14, $4  }
0x264: {  	v3 =	vld [tilespmem:s29+$0x4800];
	v13 =	vmul.f32 $3.200000000e+01, v6;
	[tilespmem:s28+$0x18830] =	vst v5  }
0x265: {  	v5 =	vld [tilespmem:s29+$0x10830];
	v10 =	vadd.f32 v10, v9  }
0x266: {  	v4 =	vld [tilespmem:s29+$0x4810];
	v9 =	vadd.f32 v11, v12  }
0x267: {  	s0 =	sadd.s32 $0x40, s0;
	v6 =	vld [tilespmem:s29+$0x4820];
	[tilespmem:s28+$0x18800] =	vst v10;
	v8 =	vadd.f32 v8, v13  }
0x268: {  	v10 =	vld [tilespmem:s29+$0x10800]  }
0x269: {  	v11 =	vld [tilespmem:s29+$0x10810]  }
0x26a: {  	v7 =	vmul.f32 $3.200000000e+01, v7;
	v12 =	vld [tilespmem:s29+$0x10820]  }
0x26b: {  	s26 =	sadd.s32 $0x1, s26;
	v3 =	vmul.f32 $3.200000000e+01, v3  }
0x26c: {  	[tilespmem:s28+$0x18810] =	vst v9;
	p0 =	sne.s32 s26, $0x10;
	v5 =	vadd.f32 v5, v7;
	v4 =	vmul.f32 $3.200000000e+01, v4  }
.Ltmp15:
0x26d: {  	[tilespmem:s28+$0x18820] =	vst v8;
	v6 =	vmul.f32 $3.200000000e+01, v6;
	v3 =	vadd.f32 v10, v3;
	(pc) =	sbr.rel @p0 .LBB2_30-.Ltmp15, $4  }
0x26e: {  	[tilespmem:s29+$0x18830] =	vst v5;
	v4 =	vadd.f32 v11, v4  }
0x26f: {  	[tilespmem:s29+$0x18800] =	vst v3;
	v3 =	vadd.f32 v12, v6  }
0x270: {  	[tilespmem:s29+$0x18810] =	vst v4  }
0x271: {  	[tilespmem:s29+$0x18820] =	vst v3  }
0x272: {  	s25 =	simm.s32 $0x0;
	s0 =	rddreg [dreg:$0x12]  }
0x273: {  	[hbm4b:s0+s25] =	stream.linear.scatter [tilespmem:s18], [sflag:$0x7], $0x4000, $0x38;
	[tilespmem:$0x1C800] =	vst v63  }
0x274: {  	v3 =	vld [tilespmem:$0x500];
	_ =	sdelay $0x4  }
0x275: {  	v4 =	vshll.u32 v3, $0x3  }
0x276: {  	v3 =	vand.u32 $0x7, v3;
	v4 =	vand.u32 $0xFFFFFFC0, v4  }
0x277: {  	v3 =	vor.u32 v3, v4  }
0x278: {  	v4 =	vperm.xlane v3, v0;
	_ =	sdelay $0x1  }
0x279: {  	v4 =	vadd.s32 v1, v4;
	_ =	sdelay $0x3  }
0x27a: {  	s31 =	simm.s32 $0x4800  }
0x27b: {  	[tilespmem:s31], [sflag:$0x2] =	stream.indirect_vreg.gather [hbm4b:s1+s25], $0x80, v4, vm0, $0xb8;
	[tilespmem:$0x1C800] =	vst v63  }
0x27c: {  	s2 =	simm.s32 $0x5000;
	v3 =	vperm.xlane v3, v2  }
0x27d: {  	[tilespmem:s2], [sflag:$0x2] =	stream.indirect_vreg.gather [hbm4b:s6+s25], $0x80, v4, vm0, $0xb8;
	[tilespmem:$0x1C800] =	vst v63  }
0x27e: {  	s4 =	simm.s32 $0x5800;
	v3 =	vadd.s32 v1, v3  }
0x27f: {  	[tilespmem:s4], [sflag:$0x2] =	stream.indirect_vreg.gather [hbm4b:s7+s25], $0x80, v4, vm0, $0xb8;
	[tilespmem:$0x1C800] =	vst v63  }
0x280: {  	s12 =	simm.s32 $0x6000  }
0x281: {  	[tilespmem:s12], [sflag:$0x2] =	stream.indirect_vreg.gather [hbm4b:s8+s25], $0x80, v4, vm0, $0xb8;
	[tilespmem:$0x1C800] =	vst v63  }
0x282: {  	s26 =	simm.s32 $0x6800  }
0x283: {  	[tilespmem:s26], [sflag:$0x2] =	stream.indirect_vreg.gather [hbm4b:s1+s25], $0x80, v3, vm0, $0xb8;
	[tilespmem:$0x1C800] =	vst v63  }
0x284: {  	s28 =	simm.s32 $0x7000  }
0x285: {  	[tilespmem:s28], [sflag:$0x2] =	stream.indirect_vreg.gather [hbm4b:s6+s25], $0x80, v3, vm0, $0xb8;
	[tilespmem:$0x1C800] =	vst v63  }
0x286: {  	s29 =	simm.s32 $0x7800  }
0x287: {  	[tilespmem:s29], [sflag:$0x2] =	stream.indirect_vreg.gather [hbm4b:s7+s25], $0x80, v3, vm0, $0xb8;
	[tilespmem:$0x1C800] =	vst v63  }
0x288: {  	s30 =	simm.s32 $0x8000  }
0x289: {  	[tilespmem:s30], [sflag:$0x2] =	stream.indirect_vreg.gather [hbm4b:s8+s25], $0x80, v3, vm0, $0xb8;
	[tilespmem:$0x1C800] =	vst v63  }
0x28a: {  	s31 =	rddreg [dreg:$0x13];
	s2 =	simm.s32 $0x10800  }
0x28b: {  	[tilespmem:s2], [sflag:$0x5] =	stream.linear.gather [hbm4b:s31+s25], $0x4000, $0x38;
	[tilespmem:$0x1C800] =	vst v63  }
0x28c: {  	_ =	swait.ge [sflag:s19], $0x4000  }
0x28d: {  	[sflag:s19] =	ssyncset.done $0x0  }
0x28e: {  	[sflag:s19] =	ssyncadd.s32 $0xFFFFC000  }
0x28f: {  	_ =	swait.ge [sflag:s15], $0x4000  }
0x290: {  	[sflag:s15] =	ssyncset.done $0x0  }
0x291: {  	[sflag:s15] =	ssyncadd.s32 $0xFFFFC000  }
0x292: {  	_ =	swait.ge [sflag:s20], $0x4000  }
0x293: {  	[sflag:s20] =	ssyncset.done $0x0  }
0x294: {  	s26 =	simm.s32 $0x0;
	[sflag:s20] =	ssyncadd.s32 $0xFFFFC000  }
.LBB2_34:
0x295: {  	s0 =	sshll.u32 s26, $0xA;
	s2 =	sshll.u32 s26, $0x7  }
0x296: {  	s0 =	sand.u32 $0x2000, s0;
	s2 =	sand.u32 $0x380, s2  }
0x297: {  	s4 =	sand.u32 $0x40, s25;
	s30 =	sor.u32 s0, s2  }
0x298: {  	s12 =	sand.u32 $0x1C00, s25;
	s0 =	sor.u32 s4, s30  }
0x299: {  	s28 =	sor.u32 s12, s0  }
0x29a: {  	v3 =	vld [tilespmem:s28+$0x8830]  }
0x29b: {  	v4 =	vld [tilespmem:s28+$0x8800]  }
0x29c: {  	v5 =	vld [tilespmem:s28+$0xC830]  }
0x29d: {  	v6 =	vld [tilespmem:s28+$0x8810]  }
0x29e: {  	s4 =	simm.s32 $0x40;
	v8 =	vld [tilespmem:s28+$0x8820]  }
0x29f: {  	s31 =	simm.s32 $0x200;
	s0 =	sand.u32 $0x40, s4;
	v9 =	vld [tilespmem:s28+$0xC800]  }
0x2a0: {  	s12 =	sand.u32 $0x1C00, s31;
	s0 =	sor.u32 s0, s30;
	v10 =	vld [tilespmem:s28+$0xC810]  }
0x2a1: {  	v11 =	vld [tilespmem:s28+$0xC820];
	s29 =	sor.u32 s12, s0;
	v3 =	vmul.f32 $3.200000000e+01, v3  }
0x2a2: {  	v7 =	vld [tilespmem:s29+$0x8830];
	v4 =	vmul.f32 $3.200000000e+01, v4  }
0x2a3: {  	v6 =	vmul.f32 $3.200000000e+01, v6;
	v12 =	vadd.f32 v5, v3;
	v3 =	vld [tilespmem:s29+$0x8800]  }
0x2a4: {  	v8 =	vmul.f32 $3.200000000e+01, v8;
	v13 =	vadd.f32 v9, v4;
	v5 =	vld [tilespmem:s29+$0xC830]  }
0x2a5: {  	v4 =	vld [tilespmem:s29+$0x8810];
	v9 =	vadd.f32 v10, v6;
	[tilespmem:s28+$0x14830] =	vst v12  }
0x2a6: {  	s12 =	simm.s32 $0x4;
	s0 =	simm.s32 $0x80;
	v6 =	vld [tilespmem:s29+$0x8820];
	v8 =	vadd.f32 v11, v8;
	[tilespmem:s28+$0x14800] =	vst v13  }
.LBB2_35:
0x2a7: {  	s2 =	sand.u32 $0x40, s0;
	s12 =	sadd.s32 $0x4, s12;
	v10 =	vld [tilespmem:s29+$0xC800];
	v7 =	vmul.f32 $3.200000000e+01, v7;
	s31 =	sadd.s32 $0x200, s31;
	[tilespmem:s28+$0x14810] =	vst v9  }
0x2a8: {  	s4 =	sand.u32 $0x1C00, s31;
	s2 =	sor.u32 s2, s30;
	p0 =	slt.u32 s12, $0x3C;
	v9 =	vmul.f32 $3.200000000e+01, v3;
	v11 =	vld [tilespmem:s29+$0xC810];
	[tilespmem:s28+$0x14820] =	vst v8  }
0x2a9: {  	s28 =	smov.u32 s29;
	v8 =	vld [tilespmem:s29+$0xC820];
	v5 =	vadd.f32 v5, v7;
	s29 =	sor.u32 s4, s2  }
.Ltmp16:
0x2aa: {  	v7 =	vld [tilespmem:s29+$0x8830];
	v12 =	vmul.f32 $3.200000000e+01, v4;
	(pc) =	sbr.rel @p0 .LBB2_35-.Ltmp16, $4  }
0x2ab: {  	v3 =	vld [tilespmem:s29+$0x8800];
	v13 =	vmul.f32 $3.200000000e+01, v6;
	[tilespmem:s28+$0x14830] =	vst v5  }
0x2ac: {  	v5 =	vld [tilespmem:s29+$0xC830];
	v10 =	vadd.f32 v10, v9  }
0x2ad: {  	v4 =	vld [tilespmem:s29+$0x8810];
	v9 =	vadd.f32 v11, v12  }
0x2ae: {  	s0 =	sadd.s32 $0x40, s0;
	v6 =	vld [tilespmem:s29+$0x8820];
	[tilespmem:s28+$0x14800] =	vst v10;
	v8 =	vadd.f32 v8, v13  }
0x2af: {  	v10 =	vld [tilespmem:s29+$0xC800]  }
0x2b0: {  	v11 =	vld [tilespmem:s29+$0xC810]  }
0x2b1: {  	v7 =	vmul.f32 $3.200000000e+01, v7;
	v12 =	vld [tilespmem:s29+$0xC820]  }
0x2b2: {  	s26 =	sadd.s32 $0x1, s26;
	v3 =	vmul.f32 $3.200000000e+01, v3  }
0x2b3: {  	[tilespmem:s28+$0x14810] =	vst v9;
	p0 =	sne.s32 s26, $0x10;
	v5 =	vadd.f32 v5, v7;
	v4 =	vmul.f32 $3.200000000e+01, v4  }
.Ltmp17:
0x2b4: {  	[tilespmem:s28+$0x14820] =	vst v8;
	v6 =	vmul.f32 $3.200000000e+01, v6;
	v3 =	vadd.f32 v10, v3;
	(pc) =	sbr.rel @p0 .LBB2_34-.Ltmp17, $4  }
0x2b5: {  	[tilespmem:s29+$0x14830] =	vst v5;
	v4 =	vadd.f32 v11, v4  }
0x2b6: {  	[tilespmem:s29+$0x14800] =	vst v3;
	v3 =	vadd.f32 v12, v6  }
0x2b7: {  	[tilespmem:s29+$0x14810] =	vst v4  }
0x2b8: {  	[tilespmem:s29+$0x14820] =	vst v3  }
0x2b9: {  	s25 =	simm.s32 $0x0;
	s0 =	rddreg [dreg:$0x14]  }
0x2ba: {  	[hbm4b:s0+s25] =	stream.linear.scatter [tilespmem:s16], [sflag:$0x6], $0x4000, $0x38;
	[tilespmem:$0x1C800] =	vst v63  }
0x2bb: {  	v3 =	vld [tilespmem:$0x700];
	_ =	sdelay $0x4  }
0x2bc: {  	v4 =	vshll.u32 v3, $0x3  }
0x2bd: {  	v3 =	vand.u32 $0x7, v3;
	v4 =	vand.u32 $0xFFFFFFC0, v4  }
0x2be: {  	v3 =	vor.u32 v3, v4  }
0x2bf: {  	v4 =	vperm.xlane v3, v0;
	_ =	sdelay $0x1  }
0x2c0: {  	v4 =	vadd.s32 v1, v4;
	_ =	sdelay $0x3  }
0x2c1: {  	s2 =	simm.s32 $0x8800  }
0x2c2: {  	[tilespmem:s2], [sflag:$0x3] =	stream.indirect_vreg.gather [hbm4b:s1+s25], $0x80, v4, vm0, $0xb8;
	[tilespmem:$0x1C800] =	vst v63  }
0x2c3: {  	s4 =	simm.s32 $0x9000;
	v3 =	vperm.xlane v3, v2  }
0x2c4: {  	[tilespmem:s4], [sflag:$0x3] =	stream.indirect_vreg.gather [hbm4b:s6+s25], $0x80, v4, vm0, $0xb8;
	[tilespmem:$0x1C800] =	vst v63  }
0x2c5: {  	s12 =	simm.s32 $0x9800;
	v3 =	vadd.s32 v1, v3  }
0x2c6: {  	[tilespmem:s12], [sflag:$0x3] =	stream.indirect_vreg.gather [hbm4b:s7+s25], $0x80, v4, vm0, $0xb8;
	[tilespmem:$0x1C800] =	vst v63  }
0x2c7: {  	s26 =	simm.s32 $0xA000  }
0x2c8: {  	[tilespmem:s26], [sflag:$0x3] =	stream.indirect_vreg.gather [hbm4b:s8+s25], $0x80, v4, vm0, $0xb8;
	[tilespmem:$0x1C800] =	vst v63  }
0x2c9: {  	s28 =	simm.s32 $0xA800  }
0x2ca: {  	[tilespmem:s28], [sflag:$0x3] =	stream.indirect_vreg.gather [hbm4b:s1+s25], $0x80, v3, vm0, $0xb8;
	[tilespmem:$0x1C800] =	vst v63  }
0x2cb: {  	s29 =	simm.s32 $0xB000  }
0x2cc: {  	[tilespmem:s29], [sflag:$0x3] =	stream.indirect_vreg.gather [hbm4b:s6+s25], $0x80, v3, vm0, $0xb8;
	[tilespmem:$0x1C800] =	vst v63  }
0x2cd: {  	s30 =	simm.s32 $0xB800  }
0x2ce: {  	[tilespmem:s30], [sflag:$0x3] =	stream.indirect_vreg.gather [hbm4b:s7+s25], $0x80, v3, vm0, $0xb8;
	[tilespmem:$0x1C800] =	vst v63  }
0x2cf: {  	s31 =	simm.s32 $0xC000  }
0x2d0: {  	[tilespmem:s31], [sflag:$0x3] =	stream.indirect_vreg.gather [hbm4b:s8+s25], $0x80, v3, vm0, $0xb8;
	[tilespmem:$0x1C800] =	vst v63  }
0x2d1: {  	_ =	swait.ge [sflag:s23], $0x4000  }
0x2d2: {  	[sflag:s23] =	ssyncset.done $0x0  }
0x2d3: {  	[sflag:s23] =	ssyncadd.s32 $0xFFFFC000  }
0x2d4: {  	_ =	swait.ge [sflag:s21], $0x4000  }
0x2d5: {  	[sflag:s21] =	ssyncset.done $0x0  }
0x2d6: {  	s26 =	simm.s32 $0x0;
	[sflag:s21] =	ssyncadd.s32 $0xFFFFC000  }
.LBB2_38:
0x2d7: {  	s0 =	sshll.u32 s26, $0xA;
	s2 =	sshll.u32 s26, $0x7  }
0x2d8: {  	s0 =	sand.u32 $0x2000, s0;
	s2 =	sand.u32 $0x380, s2  }
0x2d9: {  	s4 =	sand.u32 $0x40, s25;
	s30 =	sor.u32 s0, s2  }
0x2da: {  	s12 =	sand.u32 $0x1C00, s25;
	s0 =	sor.u32 s4, s30  }
0x2db: {  	s28 =	sor.u32 s12, s0  }
0x2dc: {  	v3 =	vld [tilespmem:s28+$0x830]  }
0x2dd: {  	v4 =	vld [tilespmem:s28+$0x800]  }
0x2de: {  	v5 =	vld [tilespmem:s28+$0xC830]  }
0x2df: {  	v6 =	vld [tilespmem:s28+$0x810]  }
0x2e0: {  	s4 =	simm.s32 $0x40;
	v8 =	vld [tilespmem:s28+$0x820]  }
0x2e1: {  	s31 =	simm.s32 $0x200;
	s0 =	sand.u32 $0x40, s4;
	v9 =	vld [tilespmem:s28+$0xC800]  }
0x2e2: {  	s12 =	sand.u32 $0x1C00, s31;
	s0 =	sor.u32 s0, s30;
	v10 =	vld [tilespmem:s28+$0xC810]  }
0x2e3: {  	v11 =	vld [tilespmem:s28+$0xC820];
	s29 =	sor.u32 s12, s0;
	v3 =	vmul.f32 $3.200000000e+01, v3  }
0x2e4: {  	v7 =	vld [tilespmem:s29+$0x830];
	v4 =	vmul.f32 $3.200000000e+01, v4  }
0x2e5: {  	v6 =	vmul.f32 $3.200000000e+01, v6;
	v12 =	vadd.f32 v5, v3;
	v3 =	vld [tilespmem:s29+$0x800]  }
0x2e6: {  	v8 =	vmul.f32 $3.200000000e+01, v8;
	v13 =	vadd.f32 v9, v4;
	v5 =	vld [tilespmem:s29+$0xC830]  }
0x2e7: {  	v4 =	vld [tilespmem:s29+$0x810];
	v9 =	vadd.f32 v10, v6;
	[tilespmem:s28+$0x18830] =	vst v12  }
0x2e8: {  	s12 =	simm.s32 $0x4;
	s0 =	simm.s32 $0x80;
	v6 =	vld [tilespmem:s29+$0x820];
	v8 =	vadd.f32 v11, v8;
	[tilespmem:s28+$0x18800] =	vst v13  }
.LBB2_39:
0x2e9: {  	s2 =	sand.u32 $0x40, s0;
	s12 =	sadd.s32 $0x4, s12;
	v10 =	vld [tilespmem:s29+$0xC800];
	v7 =	vmul.f32 $3.200000000e+01, v7;
	s31 =	sadd.s32 $0x200, s31;
	[tilespmem:s28+$0x18810] =	vst v9  }
0x2ea: {  	s4 =	sand.u32 $0x1C00, s31;
	s2 =	sor.u32 s2, s30;
	p0 =	slt.u32 s12, $0x3C;
	v9 =	vmul.f32 $3.200000000e+01, v3;
	v11 =	vld [tilespmem:s29+$0xC810];
	[tilespmem:s28+$0x18820] =	vst v8  }
0x2eb: {  	s28 =	smov.u32 s29;
	v8 =	vld [tilespmem:s29+$0xC820];
	v5 =	vadd.f32 v5, v7;
	s29 =	sor.u32 s4, s2  }
.Ltmp18:
0x2ec: {  	v7 =	vld [tilespmem:s29+$0x830];
	v12 =	vmul.f32 $3.200000000e+01, v4;
	(pc) =	sbr.rel @p0 .LBB2_39-.Ltmp18, $4  }
0x2ed: {  	v3 =	vld [tilespmem:s29+$0x800];
	v13 =	vmul.f32 $3.200000000e+01, v6;
	[tilespmem:s28+$0x18830] =	vst v5  }
0x2ee: {  	v5 =	vld [tilespmem:s29+$0xC830];
	v10 =	vadd.f32 v10, v9  }
0x2ef: {  	v4 =	vld [tilespmem:s29+$0x810];
	v9 =	vadd.f32 v11, v12  }
0x2f0: {  	s0 =	sadd.s32 $0x40, s0;
	v6 =	vld [tilespmem:s29+$0x820];
	[tilespmem:s28+$0x18800] =	vst v10;
	v8 =	vadd.f32 v8, v13  }
0x2f1: {  	v10 =	vld [tilespmem:s29+$0xC800]  }
0x2f2: {  	v11 =	vld [tilespmem:s29+$0xC810]  }
0x2f3: {  	v7 =	vmul.f32 $3.200000000e+01, v7;
	v12 =	vld [tilespmem:s29+$0xC820]  }
0x2f4: {  	s26 =	sadd.s32 $0x1, s26;
	v3 =	vmul.f32 $3.200000000e+01, v3  }
0x2f5: {  	[tilespmem:s28+$0x18810] =	vst v9;
	p0 =	sne.s32 s26, $0x10;
	v5 =	vadd.f32 v5, v7;
	v4 =	vmul.f32 $3.200000000e+01, v4  }
.Ltmp19:
0x2f6: {  	[tilespmem:s28+$0x18820] =	vst v8;
	v6 =	vmul.f32 $3.200000000e+01, v6;
	v3 =	vadd.f32 v10, v3;
	(pc) =	sbr.rel @p0 .LBB2_38-.Ltmp19, $4  }
0x2f7: {  	[tilespmem:s29+$0x18830] =	vst v5;
	v4 =	vadd.f32 v11, v4  }
0x2f8: {  	[tilespmem:s29+$0x18800] =	vst v3;
	v3 =	vadd.f32 v12, v6  }
0x2f9: {  	[tilespmem:s29+$0x18810] =	vst v4  }
0x2fa: {  	[tilespmem:s29+$0x18820] =	vst v3  }
0x2fb: {  	s25 =	simm.s32 $0x0;
	s0 =	rddreg [dreg:$0x16]  }
0x2fc: {  	[hbm4b:s0+s25] =	stream.linear.scatter [tilespmem:s18], [sflag:$0x7], $0x4000, $0x38;
	[tilespmem:$0x1C800] =	vst v63  }
0x2fd: {  	v3 =	vld [tilespmem:$0x180];
	_ =	sdelay $0x4  }
0x2fe: {  	v4 =	vshll.u32 v3, $0x3  }
0x2ff: {  	v3 =	vand.u32 $0x7, v3;
	v4 =	vand.u32 $0xFFFFFFC0, v4  }
0x300: {  	v3 =	vor.u32 v3, v4  }
0x301: {  	v4 =	vperm.xlane v3, v0;
	_ =	sdelay $0x1  }
0x302: {  	v4 =	vadd.s32 v1, v4;
	_ =	sdelay $0x3  }
0x303: {  	s30 =	simm.s32 $0x800  }
0x304: {  	[tilespmem:s30], [sflag:$0x1] =	stream.indirect_vreg.gather [hbm4b:s1+s25], $0x80, v4, vm0, $0xb8;
	[tilespmem:$0x1C800] =	vst v63  }
0x305: {  	s31 =	simm.s32 $0x1000;
	v3 =	vperm.xlane v3, v2  }
0x306: {  	[tilespmem:s31], [sflag:$0x1] =	stream.indirect_vreg.gather [hbm4b:s6+s25], $0x80, v4, vm0, $0xb8;
	[tilespmem:$0x1C800] =	vst v63  }
0x307: {  	v3 =	vadd.s32 v1, v3  }
0x308: {  	[tilespmem:s5], [sflag:$0x1] =	stream.indirect_vreg.gather [hbm4b:s7+s25], $0x80, v4, vm0, $0xb8;
	[tilespmem:$0x1C800] =	vst v63  }
0x309: {  	_ = 	snop  }
0x30a: {  	[tilespmem:s9], [sflag:$0x1] =	stream.indirect_vreg.gather [hbm4b:s8+s25], $0x80, v4, vm0, $0xb8;
	[tilespmem:$0x1C800] =	vst v63  }
0x30b: {  	_ = 	snop  }
0x30c: {  	[tilespmem:s10], [sflag:$0x1] =	stream.indirect_vreg.gather [hbm4b:s1+s25], $0x80, v3, vm0, $0xb8;
	[tilespmem:$0x1C800] =	vst v63  }
0x30d: {  	_ = 	snop  }
0x30e: {  	[tilespmem:s11], [sflag:$0x1] =	stream.indirect_vreg.gather [hbm4b:s6+s25], $0x80, v3, vm0, $0xb8;
	[tilespmem:$0x1C800] =	vst v63  }
0x30f: {  	_ = 	snop  }
0x310: {  	[tilespmem:s13], [sflag:$0x1] =	stream.indirect_vreg.gather [hbm4b:s7+s25], $0x80, v3, vm0, $0xb8;
	[tilespmem:$0x1C800] =	vst v63  }
0x311: {  	_ = 	snop  }
0x312: {  	[tilespmem:s14], [sflag:$0x1] =	stream.indirect_vreg.gather [hbm4b:s8+s25], $0x80, v3, vm0, $0xb8;
	[tilespmem:$0x1C800] =	vst v63  }
0x313: {  	_ =	swait.ge [sflag:s17], $0x4000  }
0x314: {  	[sflag:s17] =	ssyncset.done $0x0  }
0x315: {  	[sflag:s17] =	ssyncadd.s32 $0xFFFFC000  }
0x316: {  	_ =	swait.ge [sflag:s20], $0x4000  }
0x317: {  	[sflag:s20] =	ssyncset.done $0x0  }
0x318: {  	s26 =	simm.s32 $0x0;
	[sflag:s20] =	ssyncadd.s32 $0xFFFFC000  }
.LBB2_42:
0x319: {  	s0 =	sshll.u32 s26, $0xA;
	s2 =	sshll.u32 s26, $0x7  }
0x31a: {  	s0 =	sand.u32 $0x2000, s0;
	s2 =	sand.u32 $0x380, s2  }
0x31b: {  	s4 =	sand.u32 $0x40, s25;
	s30 =	sor.u32 s0, s2  }
0x31c: {  	s12 =	sand.u32 $0x1C00, s25;
	s0 =	sor.u32 s4, s30  }
0x31d: {  	s28 =	sor.u32 s12, s0  }
0x31e: {  	v3 =	vld [tilespmem:s28+$0x4830]  }
0x31f: {  	v4 =	vld [tilespmem:s28+$0x4800]  }
0x320: {  	v5 =	vld [tilespmem:s28+$0xC830]  }
0x321: {  	v6 =	vld [tilespmem:s28+$0x4810]  }
0x322: {  	s4 =	simm.s32 $0x40;
	v8 =	vld [tilespmem:s28+$0x4820]  }
0x323: {  	s31 =	simm.s32 $0x200;
	s0 =	sand.u32 $0x40, s4;
	v9 =	vld [tilespmem:s28+$0xC800]  }
0x324: {  	s12 =	sand.u32 $0x1C00, s31;
	s0 =	sor.u32 s0, s30;
	v10 =	vld [tilespmem:s28+$0xC810]  }
0x325: {  	v11 =	vld [tilespmem:s28+$0xC820];
	s29 =	sor.u32 s12, s0;
	v3 =	vmul.f32 $3.200000000e+01, v3  }
0x326: {  	v7 =	vld [tilespmem:s29+$0x4830];
	v4 =	vmul.f32 $3.200000000e+01, v4  }
0x327: {  	v6 =	vmul.f32 $3.200000000e+01, v6;
	v12 =	vadd.f32 v5, v3;
	v3 =	vld [tilespmem:s29+$0x4800]  }
0x328: {  	v8 =	vmul.f32 $3.200000000e+01, v8;
	v13 =	vadd.f32 v9, v4;
	v5 =	vld [tilespmem:s29+$0xC830]  }
0x329: {  	v4 =	vld [tilespmem:s29+$0x4810];
	v9 =	vadd.f32 v10, v6;
	[tilespmem:s28+$0x14830] =	vst v12  }
0x32a: {  	s12 =	simm.s32 $0x4;
	s0 =	simm.s32 $0x80;
	v6 =	vld [tilespmem:s29+$0x4820];
	v8 =	vadd.f32 v11, v8;
	[tilespmem:s28+$0x14800] =	vst v13  }
.LBB2_43:
0x32b: {  	s2 =	sand.u32 $0x40, s0;
	s12 =	sadd.s32 $0x4, s12;
	v10 =	vld [tilespmem:s29+$0xC800];
	v7 =	vmul.f32 $3.200000000e+01, v7;
	s31 =	sadd.s32 $0x200, s31;
	[tilespmem:s28+$0x14810] =	vst v9  }
0x32c: {  	s4 =	sand.u32 $0x1C00, s31;
	s2 =	sor.u32 s2, s30;
	p0 =	slt.u32 s12, $0x3C;
	v9 =	vmul.f32 $3.200000000e+01, v3;
	v11 =	vld [tilespmem:s29+$0xC810];
	[tilespmem:s28+$0x14820] =	vst v8  }
0x32d: {  	s28 =	smov.u32 s29;
	v8 =	vld [tilespmem:s29+$0xC820];
	v5 =	vadd.f32 v5, v7;
	s29 =	sor.u32 s4, s2  }
.Ltmp20:
0x32e: {  	v7 =	vld [tilespmem:s29+$0x4830];
	v12 =	vmul.f32 $3.200000000e+01, v4;
	(pc) =	sbr.rel @p0 .LBB2_43-.Ltmp20, $4  }
0x32f: {  	v3 =	vld [tilespmem:s29+$0x4800];
	v13 =	vmul.f32 $3.200000000e+01, v6;
	[tilespmem:s28+$0x14830] =	vst v5  }
0x330: {  	v5 =	vld [tilespmem:s29+$0xC830];
	v10 =	vadd.f32 v10, v9  }
0x331: {  	v4 =	vld [tilespmem:s29+$0x4810];
	v9 =	vadd.f32 v11, v12  }
0x332: {  	s0 =	sadd.s32 $0x40, s0;
	v6 =	vld [tilespmem:s29+$0x4820];
	[tilespmem:s28+$0x14800] =	vst v10;
	v8 =	vadd.f32 v8, v13  }
0x333: {  	v10 =	vld [tilespmem:s29+$0xC800]  }
0x334: {  	v11 =	vld [tilespmem:s29+$0xC810]  }
0x335: {  	v7 =	vmul.f32 $3.200000000e+01, v7;
	v12 =	vld [tilespmem:s29+$0xC820]  }
0x336: {  	s26 =	sadd.s32 $0x1, s26;
	v3 =	vmul.f32 $3.200000000e+01, v3  }
0x337: {  	[tilespmem:s28+$0x14810] =	vst v9;
	p0 =	sne.s32 s26, $0x10;
	v5 =	vadd.f32 v5, v7;
	v4 =	vmul.f32 $3.200000000e+01, v4  }
.Ltmp21:
0x338: {  	[tilespmem:s28+$0x14820] =	vst v8;
	v6 =	vmul.f32 $3.200000000e+01, v6;
	v3 =	vadd.f32 v10, v3;
	(pc) =	sbr.rel @p0 .LBB2_42-.Ltmp21, $4  }
0x339: {  	[tilespmem:s29+$0x14830] =	vst v5;
	v4 =	vadd.f32 v11, v4  }
0x33a: {  	[tilespmem:s29+$0x14800] =	vst v3;
	v3 =	vadd.f32 v12, v6  }
0x33b: {  	[tilespmem:s29+$0x14810] =	vst v4  }
0x33c: {  	[tilespmem:s29+$0x14820] =	vst v3  }
0x33d: {  	s25 =	simm.s32 $0x0;
	s0 =	rddreg [dreg:$0x18]  }
0x33e: {  	[hbm4b:s0+s25] =	stream.linear.scatter [tilespmem:s16], [sflag:$0x6], $0x4000, $0x38;
	[tilespmem:$0x1C800] =	vst v63  }
0x33f: {  	v3 =	vld [tilespmem:$0x380];
	_ =	sdelay $0x4  }
0x340: {  	v4 =	vshll.u32 v3, $0x3  }
0x341: {  	v3 =	vand.u32 $0x7, v3;
	v4 =	vand.u32 $0xFFFFFFC0, v4  }
0x342: {  	v3 =	vor.u32 v3, v4  }
0x343: {  	v4 =	vperm.xlane v3, v0;
	_ =	sdelay $0x1  }
0x344: {  	v4 =	vadd.s32 v1, v4;
	_ =	sdelay $0x3  }
0x345: {  	s2 =	simm.s32 $0x4800  }
0x346: {  	[tilespmem:s2], [sflag:$0x2] =	stream.indirect_vreg.gather [hbm4b:s1+s25], $0x80, v4, vm0, $0xb8;
	[tilespmem:$0x1C800] =	vst v63  }
0x347: {  	s4 =	simm.s32 $0x5000;
	v3 =	vperm.xlane v3, v2  }
0x348: {  	[tilespmem:s4], [sflag:$0x2] =	stream.indirect_vreg.gather [hbm4b:s6+s25], $0x80, v4, vm0, $0xb8;
	[tilespmem:$0x1C800] =	vst v63  }
0x349: {  	s12 =	simm.s32 $0x5800;
	v3 =	vadd.s32 v1, v3  }
0x34a: {  	[tilespmem:s12], [sflag:$0x2] =	stream.indirect_vreg.gather [hbm4b:s7+s25], $0x80, v4, vm0, $0xb8;
	[tilespmem:$0x1C800] =	vst v63  }
0x34b: {  	s26 =	simm.s32 $0x6000  }
0x34c: {  	[tilespmem:s26], [sflag:$0x2] =	stream.indirect_vreg.gather [hbm4b:s8+s25], $0x80, v4, vm0, $0xb8;
	[tilespmem:$0x1C800] =	vst v63  }
0x34d: {  	s28 =	simm.s32 $0x6800  }
0x34e: {  	[tilespmem:s28], [sflag:$0x2] =	stream.indirect_vreg.gather [hbm4b:s1+s25], $0x80, v3, vm0, $0xb8;
	[tilespmem:$0x1C800] =	vst v63  }
0x34f: {  	s29 =	simm.s32 $0x7000  }
0x350: {  	[tilespmem:s29], [sflag:$0x2] =	stream.indirect_vreg.gather [hbm4b:s6+s25], $0x80, v3, vm0, $0xb8;
	[tilespmem:$0x1C800] =	vst v63  }
0x351: {  	s30 =	simm.s32 $0x7800  }
0x352: {  	[tilespmem:s30], [sflag:$0x2] =	stream.indirect_vreg.gather [hbm4b:s7+s25], $0x80, v3, vm0, $0xb8;
	[tilespmem:$0x1C800] =	vst v63  }
0x353: {  	s31 =	simm.s32 $0x8000  }
0x354: {  	[tilespmem:s31], [sflag:$0x2] =	stream.indirect_vreg.gather [hbm4b:s8+s25], $0x80, v3, vm0, $0xb8;
	[tilespmem:$0x1C800] =	vst v63  }
0x355: {  	_ =	swait.ge [sflag:s19], $0x4000  }
0x356: {  	[sflag:s19] =	ssyncset.done $0x0  }
0x357: {  	[sflag:s19] =	ssyncadd.s32 $0xFFFFC000  }
0x358: {  	_ =	swait.ge [sflag:s21], $0x4000  }
0x359: {  	[sflag:s21] =	ssyncset.done $0x0  }
0x35a: {  	s26 =	simm.s32 $0x0;
	[sflag:s21] =	ssyncadd.s32 $0xFFFFC000  }
.LBB2_46:
0x35b: {  	s0 =	sshll.u32 s26, $0xA;
	s2 =	sshll.u32 s26, $0x7  }
0x35c: {  	s0 =	sand.u32 $0x2000, s0;
	s2 =	sand.u32 $0x380, s2  }
0x35d: {  	s4 =	sand.u32 $0x40, s25;
	s30 =	sor.u32 s0, s2  }
0x35e: {  	s12 =	sand.u32 $0x1C00, s25;
	s0 =	sor.u32 s4, s30  }
0x35f: {  	s28 =	sor.u32 s12, s0  }
0x360: {  	v3 =	vld [tilespmem:s28+$0x8830]  }
0x361: {  	v4 =	vld [tilespmem:s28+$0x8800]  }
0x362: {  	v5 =	vld [tilespmem:s28+$0xC830]  }
0x363: {  	v6 =	vld [tilespmem:s28+$0x8810]  }
0x364: {  	s4 =	simm.s32 $0x40;
	v8 =	vld [tilespmem:s28+$0x8820]  }
0x365: {  	s31 =	simm.s32 $0x200;
	s0 =	sand.u32 $0x40, s4;
	v9 =	vld [tilespmem:s28+$0xC800]  }
0x366: {  	s12 =	sand.u32 $0x1C00, s31;
	s0 =	sor.u32 s0, s30;
	v10 =	vld [tilespmem:s28+$0xC810]  }
0x367: {  	v11 =	vld [tilespmem:s28+$0xC820];
	s29 =	sor.u32 s12, s0;
	v3 =	vmul.f32 $3.200000000e+01, v3  }
0x368: {  	v7 =	vld [tilespmem:s29+$0x8830];
	v4 =	vmul.f32 $3.200000000e+01, v4  }
0x369: {  	v6 =	vmul.f32 $3.200000000e+01, v6;
	v12 =	vadd.f32 v5, v3;
	v3 =	vld [tilespmem:s29+$0x8800]  }
0x36a: {  	v8 =	vmul.f32 $3.200000000e+01, v8;
	v13 =	vadd.f32 v9, v4;
	v5 =	vld [tilespmem:s29+$0xC830]  }
0x36b: {  	v4 =	vld [tilespmem:s29+$0x8810];
	v9 =	vadd.f32 v10, v6;
	[tilespmem:s28+$0x18830] =	vst v12  }
0x36c: {  	s12 =	simm.s32 $0x4;
	s0 =	simm.s32 $0x80;
	v6 =	vld [tilespmem:s29+$0x8820];
	v8 =	vadd.f32 v11, v8;
	[tilespmem:s28+$0x18800] =	vst v13  }
.LBB2_47:
0x36d: {  	s2 =	sand.u32 $0x40, s0;
	s12 =	sadd.s32 $0x4, s12;
	v10 =	vld [tilespmem:s29+$0xC800];
	v7 =	vmul.f32 $3.200000000e+01, v7;
	s31 =	sadd.s32 $0x200, s31;
	[tilespmem:s28+$0x18810] =	vst v9  }
0x36e: {  	s4 =	sand.u32 $0x1C00, s31;
	s2 =	sor.u32 s2, s30;
	p0 =	slt.u32 s12, $0x3C;
	v9 =	vmul.f32 $3.200000000e+01, v3;
	v11 =	vld [tilespmem:s29+$0xC810];
	[tilespmem:s28+$0x18820] =	vst v8  }
0x36f: {  	s28 =	smov.u32 s29;
	v8 =	vld [tilespmem:s29+$0xC820];
	v5 =	vadd.f32 v5, v7;
	s29 =	sor.u32 s4, s2  }
.Ltmp22:
0x370: {  	v7 =	vld [tilespmem:s29+$0x8830];
	v12 =	vmul.f32 $3.200000000e+01, v4;
	(pc) =	sbr.rel @p0 .LBB2_47-.Ltmp22, $4  }
0x371: {  	v3 =	vld [tilespmem:s29+$0x8800];
	v13 =	vmul.f32 $3.200000000e+01, v6;
	[tilespmem:s28+$0x18830] =	vst v5  }
0x372: {  	v5 =	vld [tilespmem:s29+$0xC830];
	v10 =	vadd.f32 v10, v9  }
0x373: {  	v4 =	vld [tilespmem:s29+$0x8810];
	v9 =	vadd.f32 v11, v12  }
0x374: {  	s0 =	sadd.s32 $0x40, s0;
	v6 =	vld [tilespmem:s29+$0x8820];
	[tilespmem:s28+$0x18800] =	vst v10;
	v8 =	vadd.f32 v8, v13  }
0x375: {  	v10 =	vld [tilespmem:s29+$0xC800]  }
0x376: {  	v11 =	vld [tilespmem:s29+$0xC810]  }
0x377: {  	v7 =	vmul.f32 $3.200000000e+01, v7;
	v12 =	vld [tilespmem:s29+$0xC820]  }
0x378: {  	s26 =	sadd.s32 $0x1, s26;
	v3 =	vmul.f32 $3.200000000e+01, v3  }
0x379: {  	[tilespmem:s28+$0x18810] =	vst v9;
	p0 =	sne.s32 s26, $0x10;
	v5 =	vadd.f32 v5, v7;
	v4 =	vmul.f32 $3.200000000e+01, v4  }
.Ltmp23:
0x37a: {  	[tilespmem:s28+$0x18820] =	vst v8;
	v6 =	vmul.f32 $3.200000000e+01, v6;
	v3 =	vadd.f32 v10, v3;
	(pc) =	sbr.rel @p0 .LBB2_46-.Ltmp23, $4  }
0x37b: {  	[tilespmem:s29+$0x18830] =	vst v5;
	v4 =	vadd.f32 v11, v4  }
0x37c: {  	[tilespmem:s29+$0x18800] =	vst v3;
	v3 =	vadd.f32 v12, v6  }
0x37d: {  	[tilespmem:s29+$0x18810] =	vst v4  }
0x37e: {  	[tilespmem:s29+$0x18820] =	vst v3  }
0x37f: {  	s25 =	simm.s32 $0x0;
	s0 =	rddreg [dreg:$0x19]  }
0x380: {  	[hbm4b:s0+s25] =	stream.linear.scatter [tilespmem:s18], [sflag:$0x7], $0x4000, $0x38;
	[tilespmem:$0x1C800] =	vst v63  }
0x381: {  	v3 =	vld [tilespmem:$0x580];
	_ =	sdelay $0x4  }
0x382: {  	v4 =	vshll.u32 v3, $0x3  }
0x383: {  	v3 =	vand.u32 $0x7, v3;
	v4 =	vand.u32 $0xFFFFFFC0, v4  }
0x384: {  	v3 =	vor.u32 v3, v4  }
0x385: {  	v4 =	vperm.xlane v3, v0;
	_ =	sdelay $0x1  }
0x386: {  	v4 =	vadd.s32 v1, v4;
	_ =	sdelay $0x3  }
0x387: {  	s2 =	simm.s32 $0x8800  }
0x388: {  	[tilespmem:s2], [sflag:$0x3] =	stream.indirect_vreg.gather [hbm4b:s1+s25], $0x80, v4, vm0, $0xb8;
	[tilespmem:$0x1C800] =	vst v63  }
0x389: {  	s4 =	simm.s32 $0x9000;
	v3 =	vperm.xlane v3, v2  }
0x38a: {  	[tilespmem:s4], [sflag:$0x3] =	stream.indirect_vreg.gather [hbm4b:s6+s25], $0x80, v4, vm0, $0xb8;
	[tilespmem:$0x1C800] =	vst v63  }
0x38b: {  	s12 =	simm.s32 $0x9800;
	v3 =	vadd.s32 v1, v3  }
0x38c: {  	[tilespmem:s12], [sflag:$0x3] =	stream.indirect_vreg.gather [hbm4b:s7+s25], $0x80, v4, vm0, $0xb8;
	[tilespmem:$0x1C800] =	vst v63  }
0x38d: {  	s26 =	simm.s32 $0xA000  }
0x38e: {  	[tilespmem:s26], [sflag:$0x3] =	stream.indirect_vreg.gather [hbm4b:s8+s25], $0x80, v4, vm0, $0xb8;
	[tilespmem:$0x1C800] =	vst v63  }
0x38f: {  	s28 =	simm.s32 $0xA800  }
0x390: {  	[tilespmem:s28], [sflag:$0x3] =	stream.indirect_vreg.gather [hbm4b:s1+s25], $0x80, v3, vm0, $0xb8;
	[tilespmem:$0x1C800] =	vst v63  }
0x391: {  	s29 =	simm.s32 $0xB000  }
0x392: {  	[tilespmem:s29], [sflag:$0x3] =	stream.indirect_vreg.gather [hbm4b:s6+s25], $0x80, v3, vm0, $0xb8;
	[tilespmem:$0x1C800] =	vst v63  }
0x393: {  	s30 =	simm.s32 $0xB800  }
0x394: {  	[tilespmem:s30], [sflag:$0x3] =	stream.indirect_vreg.gather [hbm4b:s7+s25], $0x80, v3, vm0, $0xb8;
	[tilespmem:$0x1C800] =	vst v63  }
0x395: {  	s31 =	simm.s32 $0xC000  }
0x396: {  	[tilespmem:s31], [sflag:$0x3] =	stream.indirect_vreg.gather [hbm4b:s8+s25], $0x80, v3, vm0, $0xb8;
	[tilespmem:$0x1C800] =	vst v63  }
0x397: {  	_ =	swait.ge [sflag:s23], $0x4000  }
0x398: {  	[sflag:s23] =	ssyncset.done $0x0  }
0x399: {  	[sflag:s23] =	ssyncadd.s32 $0xFFFFC000  }
0x39a: {  	_ =	swait.ge [sflag:s22], $0x4000  }
0x39b: {  	[sflag:s22] =	ssyncset.done $0x0  }
0x39c: {  	[sflag:s22] =	ssyncadd.s32 $0xFFFFC000  }
0x39d: {  	_ =	swait.ge [sflag:s20], $0x4000  }
0x39e: {  	[sflag:s20] =	ssyncset.done $0x0  }
0x39f: {  	s26 =	simm.s32 $0x0;
	[sflag:s20] =	ssyncadd.s32 $0xFFFFC000  }
.LBB2_50:
0x3a0: {  	s0 =	sshll.u32 s26, $0xA;
	s2 =	sshll.u32 s26, $0x7  }
0x3a1: {  	s0 =	sand.u32 $0x2000, s0;
	s2 =	sand.u32 $0x380, s2  }
0x3a2: {  	s4 =	sand.u32 $0x40, s25;
	s30 =	sor.u32 s0, s2  }
0x3a3: {  	s12 =	sand.u32 $0x1C00, s25;
	s0 =	sor.u32 s4, s30  }
0x3a4: {  	s28 =	sor.u32 s12, s0  }
0x3a5: {  	v3 =	vld [tilespmem:s28+$0x830]  }
0x3a6: {  	v4 =	vld [tilespmem:s28+$0x800]  }
0x3a7: {  	v5 =	vld [tilespmem:s28+$0x10830]  }
0x3a8: {  	v6 =	vld [tilespmem:s28+$0x810]  }
0x3a9: {  	s4 =	simm.s32 $0x40;
	v8 =	vld [tilespmem:s28+$0x820]  }
0x3aa: {  	s31 =	simm.s32 $0x200;
	s0 =	sand.u32 $0x40, s4;
	v9 =	vld [tilespmem:s28+$0x10800]  }
0x3ab: {  	s12 =	sand.u32 $0x1C00, s31;
	s0 =	sor.u32 s0, s30;
	v10 =	vld [tilespmem:s28+$0x10810]  }
0x3ac: {  	v11 =	vld [tilespmem:s28+$0x10820];
	s29 =	sor.u32 s12, s0;
	v3 =	vmul.f32 $3.200000000e+01, v3  }
0x3ad: {  	v7 =	vld [tilespmem:s29+$0x830];
	v4 =	vmul.f32 $3.200000000e+01, v4  }
0x3ae: {  	v6 =	vmul.f32 $3.200000000e+01, v6;
	v12 =	vadd.f32 v5, v3;
	v3 =	vld [tilespmem:s29+$0x800]  }
0x3af: {  	v8 =	vmul.f32 $3.200000000e+01, v8;
	v13 =	vadd.f32 v9, v4;
	v5 =	vld [tilespmem:s29+$0x10830]  }
0x3b0: {  	v4 =	vld [tilespmem:s29+$0x810];
	v9 =	vadd.f32 v10, v6;
	[tilespmem:s28+$0x14830] =	vst v12  }
0x3b1: {  	s12 =	simm.s32 $0x4;
	s0 =	simm.s32 $0x80;
	v6 =	vld [tilespmem:s29+$0x820];
	v8 =	vadd.f32 v11, v8;
	[tilespmem:s28+$0x14800] =	vst v13  }
.LBB2_51:
0x3b2: {  	s2 =	sand.u32 $0x40, s0;
	s12 =	sadd.s32 $0x4, s12;
	v10 =	vld [tilespmem:s29+$0x10800];
	v7 =	vmul.f32 $3.200000000e+01, v7;
	s31 =	sadd.s32 $0x200, s31;
	[tilespmem:s28+$0x14810] =	vst v9  }
0x3b3: {  	s4 =	sand.u32 $0x1C00, s31;
	s2 =	sor.u32 s2, s30;
	p0 =	slt.u32 s12, $0x3C;
	v9 =	vmul.f32 $3.200000000e+01, v3;
	v11 =	vld [tilespmem:s29+$0x10810];
	[tilespmem:s28+$0x14820] =	vst v8  }
0x3b4: {  	s28 =	smov.u32 s29;
	v8 =	vld [tilespmem:s29+$0x10820];
	v5 =	vadd.f32 v5, v7;
	s29 =	sor.u32 s4, s2  }
.Ltmp24:
0x3b5: {  	v7 =	vld [tilespmem:s29+$0x830];
	v12 =	vmul.f32 $3.200000000e+01, v4;
	(pc) =	sbr.rel @p0 .LBB2_51-.Ltmp24, $4  }
0x3b6: {  	v3 =	vld [tilespmem:s29+$0x800];
	v13 =	vmul.f32 $3.200000000e+01, v6;
	[tilespmem:s28+$0x14830] =	vst v5  }
0x3b7: {  	v5 =	vld [tilespmem:s29+$0x10830];
	v10 =	vadd.f32 v10, v9  }
0x3b8: {  	v4 =	vld [tilespmem:s29+$0x810];
	v9 =	vadd.f32 v11, v12  }
0x3b9: {  	s0 =	sadd.s32 $0x40, s0;
	v6 =	vld [tilespmem:s29+$0x820];
	[tilespmem:s28+$0x14800] =	vst v10;
	v8 =	vadd.f32 v8, v13  }
0x3ba: {  	v10 =	vld [tilespmem:s29+$0x10800]  }
0x3bb: {  	v11 =	vld [tilespmem:s29+$0x10810]  }
0x3bc: {  	v7 =	vmul.f32 $3.200000000e+01, v7;
	v12 =	vld [tilespmem:s29+$0x10820]  }
0x3bd: {  	s26 =	sadd.s32 $0x1, s26;
	v3 =	vmul.f32 $3.200000000e+01, v3  }
0x3be: {  	[tilespmem:s28+$0x14810] =	vst v9;
	p0 =	sne.s32 s26, $0x10;
	v5 =	vadd.f32 v5, v7;
	v4 =	vmul.f32 $3.200000000e+01, v4  }
.Ltmp25:
0x3bf: {  	[tilespmem:s28+$0x14820] =	vst v8;
	v6 =	vmul.f32 $3.200000000e+01, v6;
	v3 =	vadd.f32 v10, v3;
	(pc) =	sbr.rel @p0 .LBB2_50-.Ltmp25, $4  }
0x3c0: {  	[tilespmem:s29+$0x14830] =	vst v5;
	v4 =	vadd.f32 v11, v4  }
0x3c1: {  	[tilespmem:s29+$0x14800] =	vst v3;
	v3 =	vadd.f32 v12, v6  }
0x3c2: {  	[tilespmem:s29+$0x14810] =	vst v4  }
0x3c3: {  	[tilespmem:s29+$0x14820] =	vst v3  }
0x3c4: {  	s25 =	simm.s32 $0x0;
	s0 =	rddreg [dreg:$0x15]  }
0x3c5: {  	[hbm4b:s0+s25] =	stream.linear.scatter [tilespmem:s16], [sflag:$0x6], $0x4000, $0x38;
	[tilespmem:$0x1C800] =	vst v63  }
0x3c6: {  	v3 =	vld [tilespmem:$0x780];
	_ =	sdelay $0x4  }
0x3c7: {  	v4 =	vshll.u32 v3, $0x3  }
0x3c8: {  	v3 =	vand.u32 $0x7, v3;
	v4 =	vand.u32 $0xFFFFFFC0, v4  }
0x3c9: {  	v3 =	vor.u32 v3, v4  }
0x3ca: {  	v4 =	vperm.xlane v3, v0;
	_ =	sdelay $0x1  }
0x3cb: {  	v4 =	vadd.s32 v1, v4;
	_ =	sdelay $0x3  }
0x3cc: {  	s30 =	simm.s32 $0x800  }
0x3cd: {  	[tilespmem:s30], [sflag:$0x1] =	stream.indirect_vreg.gather [hbm4b:s1+s25], $0x80, v4, vm0, $0xb8;
	[tilespmem:$0x1C800] =	vst v63  }
0x3ce: {  	s31 =	simm.s32 $0x1000;
	v3 =	vperm.xlane v3, v2  }
0x3cf: {  	[tilespmem:s31], [sflag:$0x1] =	stream.indirect_vreg.gather [hbm4b:s6+s25], $0x80, v4, vm0, $0xb8;
	[tilespmem:$0x1C800] =	vst v63  }
0x3d0: {  	v3 =	vadd.s32 v1, v3  }
0x3d1: {  	[tilespmem:s5], [sflag:$0x1] =	stream.indirect_vreg.gather [hbm4b:s7+s25], $0x80, v4, vm0, $0xb8;
	[tilespmem:$0x1C800] =	vst v63  }
0x3d2: {  	_ = 	snop  }
0x3d3: {  	[tilespmem:s9], [sflag:$0x1] =	stream.indirect_vreg.gather [hbm4b:s8+s25], $0x80, v4, vm0, $0xb8;
	[tilespmem:$0x1C800] =	vst v63  }
0x3d4: {  	_ = 	snop  }
0x3d5: {  	[tilespmem:s10], [sflag:$0x1] =	stream.indirect_vreg.gather [hbm4b:s1+s25], $0x80, v3, vm0, $0xb8;
	[tilespmem:$0x1C800] =	vst v63  }
0x3d6: {  	_ = 	snop  }
0x3d7: {  	[tilespmem:s11], [sflag:$0x1] =	stream.indirect_vreg.gather [hbm4b:s6+s25], $0x80, v3, vm0, $0xb8;
	[tilespmem:$0x1C800] =	vst v63  }
0x3d8: {  	_ = 	snop  }
0x3d9: {  	[tilespmem:s13], [sflag:$0x1] =	stream.indirect_vreg.gather [hbm4b:s7+s25], $0x80, v3, vm0, $0xb8;
	[tilespmem:$0x1C800] =	vst v63  }
0x3da: {  	_ = 	snop  }
0x3db: {  	[tilespmem:s14], [sflag:$0x1] =	stream.indirect_vreg.gather [hbm4b:s8+s25], $0x80, v3, vm0, $0xb8;
	[tilespmem:$0x1C800] =	vst v63  }
0x3dc: {  	_ =	swait.ge [sflag:s17], $0x4000  }
0x3dd: {  	[sflag:s17] =	ssyncset.done $0x0  }
0x3de: {  	[sflag:s17] =	ssyncadd.s32 $0xFFFFC000  }
0x3df: {  	_ =	swait.ge [sflag:s21], $0x4000  }
0x3e0: {  	[sflag:s21] =	ssyncset.done $0x0  }
0x3e1: {  	s26 =	simm.s32 $0x0;
	[sflag:s21] =	ssyncadd.s32 $0xFFFFC000  }
.LBB2_54:
0x3e2: {  	s0 =	sshll.u32 s26, $0xA;
	s2 =	sshll.u32 s26, $0x7  }
0x3e3: {  	s0 =	sand.u32 $0x2000, s0;
	s2 =	sand.u32 $0x380, s2  }
0x3e4: {  	s4 =	sand.u32 $0x40, s25;
	s30 =	sor.u32 s0, s2  }
0x3e5: {  	s12 =	sand.u32 $0x1C00, s25;
	s0 =	sor.u32 s4, s30  }
0x3e6: {  	s28 =	sor.u32 s12, s0  }
0x3e7: {  	v3 =	vld [tilespmem:s28+$0x4830]  }
0x3e8: {  	v4 =	vld [tilespmem:s28+$0x4800]  }
0x3e9: {  	v5 =	vld [tilespmem:s28+$0x10830]  }
0x3ea: {  	v6 =	vld [tilespmem:s28+$0x4810]  }
0x3eb: {  	s4 =	simm.s32 $0x40;
	v8 =	vld [tilespmem:s28+$0x4820]  }
0x3ec: {  	s31 =	simm.s32 $0x200;
	s0 =	sand.u32 $0x40, s4;
	v9 =	vld [tilespmem:s28+$0x10800]  }
0x3ed: {  	s12 =	sand.u32 $0x1C00, s31;
	s0 =	sor.u32 s0, s30;
	v10 =	vld [tilespmem:s28+$0x10810]  }
0x3ee: {  	v11 =	vld [tilespmem:s28+$0x10820];
	s29 =	sor.u32 s12, s0;
	v3 =	vmul.f32 $3.200000000e+01, v3  }
0x3ef: {  	v7 =	vld [tilespmem:s29+$0x4830];
	v4 =	vmul.f32 $3.200000000e+01, v4  }
0x3f0: {  	v6 =	vmul.f32 $3.200000000e+01, v6;
	v12 =	vadd.f32 v5, v3;
	v3 =	vld [tilespmem:s29+$0x4800]  }
0x3f1: {  	v8 =	vmul.f32 $3.200000000e+01, v8;
	v13 =	vadd.f32 v9, v4;
	v5 =	vld [tilespmem:s29+$0x10830]  }
0x3f2: {  	v4 =	vld [tilespmem:s29+$0x4810];
	v9 =	vadd.f32 v10, v6;
	[tilespmem:s28+$0x18830] =	vst v12  }
0x3f3: {  	s12 =	simm.s32 $0x4;
	s0 =	simm.s32 $0x80;
	v6 =	vld [tilespmem:s29+$0x4820];
	v8 =	vadd.f32 v11, v8;
	[tilespmem:s28+$0x18800] =	vst v13  }
.LBB2_55:
0x3f4: {  	s2 =	sand.u32 $0x40, s0;
	s12 =	sadd.s32 $0x4, s12;
	v10 =	vld [tilespmem:s29+$0x10800];
	v7 =	vmul.f32 $3.200000000e+01, v7;
	s31 =	sadd.s32 $0x200, s31;
	[tilespmem:s28+$0x18810] =	vst v9  }
0x3f5: {  	s4 =	sand.u32 $0x1C00, s31;
	s2 =	sor.u32 s2, s30;
	p0 =	slt.u32 s12, $0x3C;
	v9 =	vmul.f32 $3.200000000e+01, v3;
	v11 =	vld [tilespmem:s29+$0x10810];
	[tilespmem:s28+$0x18820] =	vst v8  }
0x3f6: {  	s28 =	smov.u32 s29;
	v8 =	vld [tilespmem:s29+$0x10820];
	v5 =	vadd.f32 v5, v7;
	s29 =	sor.u32 s4, s2  }
.Ltmp26:
0x3f7: {  	v7 =	vld [tilespmem:s29+$0x4830];
	v12 =	vmul.f32 $3.200000000e+01, v4;
	(pc) =	sbr.rel @p0 .LBB2_55-.Ltmp26, $4  }
0x3f8: {  	v3 =	vld [tilespmem:s29+$0x4800];
	v13 =	vmul.f32 $3.200000000e+01, v6;
	[tilespmem:s28+$0x18830] =	vst v5  }
0x3f9: {  	v5 =	vld [tilespmem:s29+$0x10830];
	v10 =	vadd.f32 v10, v9  }
0x3fa: {  	v4 =	vld [tilespmem:s29+$0x4810];
	v9 =	vadd.f32 v11, v12  }
0x3fb: {  	s0 =	sadd.s32 $0x40, s0;
	v6 =	vld [tilespmem:s29+$0x4820];
	[tilespmem:s28+$0x18800] =	vst v10;
	v8 =	vadd.f32 v8, v13  }
0x3fc: {  	v10 =	vld [tilespmem:s29+$0x10800]  }
0x3fd: {  	v11 =	vld [tilespmem:s29+$0x10810]  }
0x3fe: {  	v7 =	vmul.f32 $3.200000000e+01, v7;
	v12 =	vld [tilespmem:s29+$0x10820]  }
0x3ff: {  	s26 =	sadd.s32 $0x1, s26;
	v3 =	vmul.f32 $3.200000000e+01, v3  }
0x400: {  	[tilespmem:s28+$0x18810] =	vst v9;
	p0 =	sne.s32 s26, $0x10;
	v5 =	vadd.f32 v5, v7;
	v4 =	vmul.f32 $3.200000000e+01, v4  }
.Ltmp27:
0x401: {  	[tilespmem:s28+$0x18820] =	vst v8;
	v6 =	vmul.f32 $3.200000000e+01, v6;
	v3 =	vadd.f32 v10, v3;
	(pc) =	sbr.rel @p0 .LBB2_54-.Ltmp27, $4  }
0x402: {  	[tilespmem:s29+$0x18830] =	vst v5;
	v4 =	vadd.f32 v11, v4  }
0x403: {  	[tilespmem:s29+$0x18800] =	vst v3;
	v3 =	vadd.f32 v12, v6  }
0x404: {  	[tilespmem:s29+$0x18810] =	vst v4  }
0x405: {  	[tilespmem:s29+$0x18820] =	vst v3  }
0x406: {  	s25 =	simm.s32 $0x0;
	s0 =	rddreg [dreg:$0x1a]  }
0x407: {  	[hbm4b:s0+s25] =	stream.linear.scatter [tilespmem:s18], [sflag:$0x7], $0x4000, $0x38;
	[tilespmem:$0x1C800] =	vst v63  }
0x408: {  	_ =	swait.ge [sflag:s19], $0x4000  }
0x409: {  	[sflag:s19] =	ssyncset.done $0x0  }
0x40a: {  	[sflag:s19] =	ssyncadd.s32 $0xFFFFC000  }
0x40b: {  	_ =	swait.ge [sflag:s20], $0x4000  }
0x40c: {  	[sflag:s20] =	ssyncset.done $0x0  }
0x40d: {  	s26 =	simm.s32 $0x0;
	[sflag:s20] =	ssyncadd.s32 $0xFFFFC000  }
.LBB2_58:
0x40e: {  	s0 =	sshll.u32 s26, $0xA;
	s2 =	sshll.u32 s26, $0x7  }
0x40f: {  	s0 =	sand.u32 $0x2000, s0;
	s2 =	sand.u32 $0x380, s2  }
0x410: {  	s4 =	sand.u32 $0x40, s25;
	s30 =	sor.u32 s0, s2  }
0x411: {  	s12 =	sand.u32 $0x1C00, s25;
	s0 =	sor.u32 s4, s30  }
0x412: {  	s28 =	sor.u32 s12, s0  }
0x413: {  	v3 =	vld [tilespmem:s28+$0x8830]  }
0x414: {  	v4 =	vld [tilespmem:s28+$0x8800]  }
0x415: {  	v5 =	vld [tilespmem:s28+$0x10830]  }
0x416: {  	v6 =	vld [tilespmem:s28+$0x8810]  }
0x417: {  	s4 =	simm.s32 $0x40;
	v8 =	vld [tilespmem:s28+$0x8820]  }
0x418: {  	s31 =	simm.s32 $0x200;
	s0 =	sand.u32 $0x40, s4;
	v9 =	vld [tilespmem:s28+$0x10800]  }
0x419: {  	s12 =	sand.u32 $0x1C00, s31;
	s0 =	sor.u32 s0, s30;
	v10 =	vld [tilespmem:s28+$0x10810]  }
0x41a: {  	v11 =	vld [tilespmem:s28+$0x10820];
	s29 =	sor.u32 s12, s0;
	v3 =	vmul.f32 $3.200000000e+01, v3  }
0x41b: {  	v7 =	vld [tilespmem:s29+$0x8830];
	v4 =	vmul.f32 $3.200000000e+01, v4  }
0x41c: {  	v6 =	vmul.f32 $3.200000000e+01, v6;
	v12 =	vadd.f32 v5, v3;
	v3 =	vld [tilespmem:s29+$0x8800]  }
0x41d: {  	v8 =	vmul.f32 $3.200000000e+01, v8;
	v13 =	vadd.f32 v9, v4;
	v5 =	vld [tilespmem:s29+$0x10830]  }
0x41e: {  	v4 =	vld [tilespmem:s29+$0x8810];
	v9 =	vadd.f32 v10, v6;
	[tilespmem:s28+$0x14830] =	vst v12  }
0x41f: {  	s12 =	simm.s32 $0x4;
	s0 =	simm.s32 $0x80;
	v6 =	vld [tilespmem:s29+$0x8820];
	v8 =	vadd.f32 v11, v8;
	[tilespmem:s28+$0x14800] =	vst v13  }
.LBB2_59:
0x420: {  	s2 =	sand.u32 $0x40, s0;
	s12 =	sadd.s32 $0x4, s12;
	v10 =	vld [tilespmem:s29+$0x10800];
	v7 =	vmul.f32 $3.200000000e+01, v7;
	s31 =	sadd.s32 $0x200, s31;
	[tilespmem:s28+$0x14810] =	vst v9  }
0x421: {  	s4 =	sand.u32 $0x1C00, s31;
	s2 =	sor.u32 s2, s30;
	p0 =	slt.u32 s12, $0x3C;
	v9 =	vmul.f32 $3.200000000e+01, v3;
	v11 =	vld [tilespmem:s29+$0x10810];
	[tilespmem:s28+$0x14820] =	vst v8  }
0x422: {  	s28 =	smov.u32 s29;
	v8 =	vld [tilespmem:s29+$0x10820];
	v5 =	vadd.f32 v5, v7;
	s29 =	sor.u32 s4, s2  }
.Ltmp28:
0x423: {  	v7 =	vld [tilespmem:s29+$0x8830];
	v12 =	vmul.f32 $3.200000000e+01, v4;
	(pc) =	sbr.rel @p0 .LBB2_59-.Ltmp28, $4  }
0x424: {  	v3 =	vld [tilespmem:s29+$0x8800];
	v13 =	vmul.f32 $3.200000000e+01, v6;
	[tilespmem:s28+$0x14830] =	vst v5  }
0x425: {  	v5 =	vld [tilespmem:s29+$0x10830];
	v10 =	vadd.f32 v10, v9  }
0x426: {  	v4 =	vld [tilespmem:s29+$0x8810];
	v9 =	vadd.f32 v11, v12  }
0x427: {  	s0 =	sadd.s32 $0x40, s0;
	v6 =	vld [tilespmem:s29+$0x8820];
	[tilespmem:s28+$0x14800] =	vst v10;
	v8 =	vadd.f32 v8, v13  }
0x428: {  	v10 =	vld [tilespmem:s29+$0x10800]  }
0x429: {  	v11 =	vld [tilespmem:s29+$0x10810]  }
0x42a: {  	v7 =	vmul.f32 $3.200000000e+01, v7;
	v12 =	vld [tilespmem:s29+$0x10820]  }
0x42b: {  	s26 =	sadd.s32 $0x1, s26;
	v3 =	vmul.f32 $3.200000000e+01, v3  }
0x42c: {  	[tilespmem:s28+$0x14810] =	vst v9;
	p0 =	sne.s32 s26, $0x10;
	v5 =	vadd.f32 v5, v7;
	v4 =	vmul.f32 $3.200000000e+01, v4  }
.Ltmp29:
0x42d: {  	[tilespmem:s28+$0x14820] =	vst v8;
	v6 =	vmul.f32 $3.200000000e+01, v6;
	v3 =	vadd.f32 v10, v3;
	(pc) =	sbr.rel @p0 .LBB2_58-.Ltmp29, $4  }
0x42e: {  	[tilespmem:s29+$0x14830] =	vst v5;
	v4 =	vadd.f32 v11, v4  }
0x42f: {  	[tilespmem:s29+$0x14800] =	vst v3;
	v3 =	vadd.f32 v12, v6  }
0x430: {  	[tilespmem:s29+$0x14810] =	vst v4  }
0x431: {  	[tilespmem:s29+$0x14820] =	vst v3  }
0x432: {  	s25 =	simm.s32 $0x0;
	s0 =	rddreg [dreg:$0x1b]  }
0x433: {  	[hbm4b:s0+s25] =	stream.linear.scatter [tilespmem:s16], [sflag:$0x6], $0x4000, $0x38;
	[tilespmem:$0x1C800] =	vst v63  }
0x434: {  	_ =	swait.ge [sflag:s23], $0x4000  }
0x435: {  	[sflag:s23] =	ssyncset.done $0x0  }
0x436: {  	[sflag:s23] =	ssyncadd.s32 $0xFFFFC000  }
0x437: {  	_ =	swait.ge [sflag:s21], $0x4000  }
0x438: {  	[sflag:s21] =	ssyncset.done $0x0  }
0x439: {  	s26 =	simm.s32 $0x0;
	[sflag:s21] =	ssyncadd.s32 $0xFFFFC000  }
.LBB2_62:
0x43a: {  	s0 =	sshll.u32 s26, $0xA;
	s2 =	sshll.u32 s26, $0x7  }
0x43b: {  	s0 =	sand.u32 $0x2000, s0;
	s2 =	sand.u32 $0x380, s2  }
0x43c: {  	s4 =	sand.u32 $0x40, s25;
	s30 =	sor.u32 s0, s2  }
0x43d: {  	s12 =	sand.u32 $0x1C00, s25;
	s0 =	sor.u32 s4, s30  }
0x43e: {  	s28 =	sor.u32 s12, s0  }
0x43f: {  	v3 =	vld [tilespmem:s28+$0x830]  }
0x440: {  	v4 =	vld [tilespmem:s28+$0x800]  }
0x441: {  	v5 =	vld [tilespmem:s28+$0x10830]  }
0x442: {  	v6 =	vld [tilespmem:s28+$0x810]  }
0x443: {  	s4 =	simm.s32 $0x40;
	v8 =	vld [tilespmem:s28+$0x820]  }
0x444: {  	s31 =	simm.s32 $0x200;
	s0 =	sand.u32 $0x40, s4;
	v9 =	vld [tilespmem:s28+$0x10800]  }
0x445: {  	s12 =	sand.u32 $0x1C00, s31;
	s0 =	sor.u32 s0, s30;
	v10 =	vld [tilespmem:s28+$0x10810]  }
0x446: {  	v11 =	vld [tilespmem:s28+$0x10820];
	s29 =	sor.u32 s12, s0;
	v3 =	vmul.f32 $3.200000000e+01, v3  }
0x447: {  	v7 =	vld [tilespmem:s29+$0x830];
	v4 =	vmul.f32 $3.200000000e+01, v4  }
0x448: {  	v6 =	vmul.f32 $3.200000000e+01, v6;
	v12 =	vadd.f32 v5, v3;
	v3 =	vld [tilespmem:s29+$0x800]  }
0x449: {  	v8 =	vmul.f32 $3.200000000e+01, v8;
	v13 =	vadd.f32 v9, v4;
	v5 =	vld [tilespmem:s29+$0x10830]  }
0x44a: {  	v4 =	vld [tilespmem:s29+$0x810];
	v9 =	vadd.f32 v10, v6;
	[tilespmem:s28+$0x18830] =	vst v12  }
0x44b: {  	s12 =	simm.s32 $0x4;
	s0 =	simm.s32 $0x80;
	v6 =	vld [tilespmem:s29+$0x820];
	v8 =	vadd.f32 v11, v8;
	[tilespmem:s28+$0x18800] =	vst v13  }
.LBB2_63:
0x44c: {  	s2 =	sand.u32 $0x40, s0;
	s12 =	sadd.s32 $0x4, s12;
	v10 =	vld [tilespmem:s29+$0x10800];
	v7 =	vmul.f32 $3.200000000e+01, v7;
	s31 =	sadd.s32 $0x200, s31;
	[tilespmem:s28+$0x18810] =	vst v9  }
0x44d: {  	s4 =	sand.u32 $0x1C00, s31;
	s2 =	sor.u32 s2, s30;
	p0 =	slt.u32 s12, $0x3C;
	v9 =	vmul.f32 $3.200000000e+01, v3;
	v11 =	vld [tilespmem:s29+$0x10810];
	[tilespmem:s28+$0x18820] =	vst v8  }
0x44e: {  	s28 =	smov.u32 s29;
	v8 =	vld [tilespmem:s29+$0x10820];
	v5 =	vadd.f32 v5, v7;
	s29 =	sor.u32 s4, s2  }
.Ltmp30:
0x44f: {  	v7 =	vld [tilespmem:s29+$0x830];
	v12 =	vmul.f32 $3.200000000e+01, v4;
	(pc) =	sbr.rel @p0 .LBB2_63-.Ltmp30, $4  }
0x450: {  	v3 =	vld [tilespmem:s29+$0x800];
	v13 =	vmul.f32 $3.200000000e+01, v6;
	[tilespmem:s28+$0x18830] =	vst v5  }
0x451: {  	v5 =	vld [tilespmem:s29+$0x10830];
	v10 =	vadd.f32 v10, v9  }
0x452: {  	v4 =	vld [tilespmem:s29+$0x810];
	v9 =	vadd.f32 v11, v12  }
0x453: {  	s0 =	sadd.s32 $0x40, s0;
	v6 =	vld [tilespmem:s29+$0x820];
	[tilespmem:s28+$0x18800] =	vst v10;
	v8 =	vadd.f32 v8, v13  }
0x454: {  	v10 =	vld [tilespmem:s29+$0x10800]  }
0x455: {  	v11 =	vld [tilespmem:s29+$0x10810]  }
0x456: {  	v7 =	vmul.f32 $3.200000000e+01, v7;
	v12 =	vld [tilespmem:s29+$0x10820]  }
0x457: {  	s26 =	sadd.s32 $0x1, s26;
	v3 =	vmul.f32 $3.200000000e+01, v3  }
0x458: {  	[tilespmem:s28+$0x18810] =	vst v9;
	p0 =	sne.s32 s26, $0x10;
	v5 =	vadd.f32 v5, v7;
	v4 =	vmul.f32 $3.200000000e+01, v4  }
.Ltmp31:
0x459: {  	[tilespmem:s28+$0x18820] =	vst v8;
	v6 =	vmul.f32 $3.200000000e+01, v6;
	v3 =	vadd.f32 v10, v3;
	(pc) =	sbr.rel @p0 .LBB2_62-.Ltmp31, $4  }
0x45a: {  	[tilespmem:s29+$0x18830] =	vst v5;
	v4 =	vadd.f32 v11, v4  }
0x45b: {  	[tilespmem:s29+$0x18800] =	vst v3;
	v3 =	vadd.f32 v12, v6  }
0x45c: {  	[tilespmem:s29+$0x18810] =	vst v4  }
0x45d: {  	[tilespmem:s29+$0x18820] =	vst v3  }
0x45e: {  	s0 =	rddreg [dreg:$0x1c]  }
0x45f: {  	[hbm4b:s0+s3] =	stream.linear.scatter [tilespmem:s18], [sflag:$0x7], $0x4000, $0x38;
	[tilespmem:$0x1C800] =	vst v63  }
0x460: {  	_ =	swait.ge [sflag:s20], $0x4000  }
0x461: {  	[sflag:s20] =	ssyncset.done $0x0  }
0x462: {  	[sflag:s20] =	ssyncadd.s32 $0xFFFFC000  }
0x463: {  	_ =	swait.ge [sflag:s21], $0x4000  }
0x464: {  	s24 =	sadd.s32 $0x1, s24;
	s31 =	rddreg [dreg:$0x17]  }
0x465: {  	p0 =	sne.s32 s24, s31  }
.Ltmp32:
0x466: {  	_ = 	snop;
	(pc) =	sbr.rel @p0 .LBB2_1-.Ltmp32, $3  }
0x467: {  	_ =	sdelay $0x1  }
0x468: {  	[sflag:s21] =	ssyncset.done $0x0  }
0x469: {  	[sflag:s21] =	ssyncadd.s32 $0xFFFFC000  }
0x46a: {  	_ =	sfence.sel $0x180000  }
0x46b: {  	[bflag:$0x0] =	sbarrier.arrive $0xFFFF  }
0x46c: {  	_ =	strace $0x90000047  }
0x46d: {  	s0 =	stileid.u32;
	[bflag:$0x2] =	sbarrier.arrive $0xFFFF  }
0x46e: {  	p0 =	sne.s32 s0, $0x0;
	s0 =	rddreg [dreg:$0x4]  }
0x46f: {  	s0 =	sadd.s32 @!p0 $0x100000, s0  }
0x470: {  	[sflag:s0] =	ssyncadd.tile.s32 @!p0 $0x1;
	_ =	shalt  }
.Lfunc_end2:
_tile_overlayer_lowered:
.L_overlay_start_2:
0x471: {  	(tag) =	ssettag $0x2  }
0x472: {  	s0 =	rddreg [dreg:$0x0];
	s2 =	stileid.u32  }
0x473: {  	s1 =	rddreg [dreg:$0x1];
	p0 =	sne.s32 s2, $0x0  }
0x474: {  	s3 =	rddreg [dreg:$0x2];
	[bflag:$0x3] =	sbarrier.arrive $0xFFFF;
	s2 =	simm.s32 @!p0 $0x1C09  }
0x475: {  	[timem:s3], [sflag:s2] =	dma.local @!p0 [hbm:s0], s1  }
0x476: {  	s0 =	simm.s32 @!p0 $0x9  }
0x477: {  	_ =	swait.ge @!p0 [sflag:s0], s1  }
0x478: {  	s1 =	ssub.s32 @!p0 $0x0, s1;
	[sflag:s0] =	ssyncset.done @!p0 $0x0  }
0x479: {  	[sflag:s0] =	ssyncadd.s32 @!p0 s1  }
0x47a: {  	[bflag:$0x3] =	sbarrier.arrive $0xFFFF  }
0x47b: {  	_ =	shalt  }

</sc_bundles>
